<compile_context>
chip_gen: v7x
topology: tpu7x:2x2x1
jax: 0.10.2.dev20260603
libtpu: 0.0.44.dev20260713+nightly
codegen_flags: <defaults>
</compile_context>

<pallas_src>
import jax
import jax.numpy as jnp
from jax import lax
from jax.experimental import pallas as pl
from jax.experimental.pallas import tpu as pltpu
from jax.experimental.pallas import tpu_sc as plsc

N_NODES = 10000
E_EDGES = 320000
IN_FEATS = 128
H_FEATS = 128
OUT_FEATS = 64

N_CORES = 2
N_SUBCORES = 16
N_ACC = 10112
ROWS_ACC = N_ACC // N_SUBCORES
BN = 1000

DEG_BLK = 2000
DEG_BLOCKS = E_EDGES // (N_CORES * N_SUBCORES * DEG_BLK)

_MESH = plsc.VectorSubcoreMesh(core_axis_name="c", subcore_axis_name="s")
_SC_PARAMS = pltpu.CompilerParams(use_tc_tiling_on_sc=False)


def _degree_body(edges, ones_hbm, zeros_hbm, out_hbm, idx_v, ones_v, acc):
  c = lax.axis_index("c")
  s = lax.axis_index("s")
  wid = c * N_SUBCORES + s
  ra = pl.ds(s * ROWS_ACC, ROWS_ACC)
  pltpu.sync_copy(zeros_hbm.at[ra], acc.at[ra])
  pltpu.sync_copy(ones_hbm, ones_v)
  plsc.subcore_barrier()
  base = wid * DEG_BLOCKS * DEG_BLK

  @pl.loop(0, DEG_BLOCKS)
  def _(b):
    pltpu.sync_copy(edges.at[1, pl.ds(base + b * DEG_BLK, DEG_BLK)], idx_v)
    pltpu.sync_copy(ones_v, acc.at[idx_v], add=True)

  plsc.subcore_barrier()
  pltpu.sync_copy(acc.at[ra], out_hbm.at[c, ra])


_degree = pl.kernel(
    _degree_body,
    out_type=jax.ShapeDtypeStruct((N_CORES, N_ACC, 16), jnp.float32),
    mesh=_MESH,
    scratch_types=[
        pltpu.VMEM((DEG_BLK,), jnp.int32),
        pltpu.VMEM((DEG_BLK, 16), jnp.float32),
        pltpu.VMEM_SHARED((N_ACC, 16), jnp.float32),
    ],
    compiler_params=_SC_PARAMS,
)


def _make_conv(feats, blk, n_passes):
  fh = feats // (2 * n_passes)
  n_blocks = E_EDGES // (N_SUBCORES * blk)

  def body(edges, *refs):
    tabs = refs[:2 * n_passes]
    (out_hbm, src_v0, dst_v0, src_v1, dst_v1, rows0, rows1, tab_sp, acc,
     sg0, sg1) = refs[2 * n_passes:]
    c = lax.axis_index("c")
    s = lax.axis_index("s")
    ra = pl.ds(s * ROWS_ACC, ROWS_ACC)
    base = s * n_blocks * blk

    def load_idx(b, sv, dv):
      pltpu.sync_copy(edges.at[0, pl.ds(base + b * blk, blk)], sv)
      pltpu.sync_copy(edges.at[1, pl.ds(base + b * blk, blk)], dv)

    for p in range(n_passes):
      @pl.when(c == 0)
      def _():
        pltpu.sync_copy(tabs[p].at[ra], tab_sp.at[ra])
        pltpu.sync_copy(tabs[p].at[ra], acc.at[ra])

      @pl.when(c != 0)
      def _():
        pltpu.sync_copy(tabs[n_passes + p].at[ra], tab_sp.at[ra])
        pltpu.sync_copy(tabs[n_passes + p].at[ra], acc.at[ra])

      plsc.subcore_barrier()

      load_idx(0, src_v0, dst_v0)
      pltpu.async_copy(tab_sp.at[src_v0], rows0, sg0)
      nh = n_blocks // 2

      @pl.loop(0, nh)
      def _(g):
        load_idx(2 * g + 1, src_v1, dst_v1)
        pltpu.make_async_copy(tab_sp.at[src_v0], rows0, sg0).wait()
        pltpu.async_copy(tab_sp.at[src_v1], rows1, sg1)
        pltpu.sync_copy(rows0, acc.at[dst_v0], add=True)

        @pl.when(g < nh - 1)
        def _():
          load_idx(2 * g + 2, src_v0, dst_v0)
          pltpu.async_copy(tab_sp.at[src_v0], rows0, sg0)

        pltpu.make_async_copy(tab_sp.at[src_v1], rows1, sg1).wait()
        pltpu.sync_copy(rows1, acc.at[dst_v1], add=True)

      plsc.subcore_barrier()
      pltpu.sync_copy(acc.at[ra], out_hbm.at[c * n_passes + p, ra])

  return pl.kernel(
      body,
      out_type=jax.ShapeDtypeStruct((2 * n_passes, N_ACC, fh), jnp.float32),
      mesh=_MESH,
      scratch_types=[
          pltpu.VMEM((blk,), jnp.int32),
          pltpu.VMEM((blk,), jnp.int32),
          pltpu.VMEM((blk,), jnp.int32),
          pltpu.VMEM((blk,), jnp.int32),
          pltpu.VMEM((blk, fh), jnp.float32),
          pltpu.VMEM((blk, fh), jnp.float32),
          pltpu.VMEM_SHARED((N_ACC, fh), jnp.float32),
          pltpu.VMEM_SHARED((N_ACC, fh), jnp.float32),
          pltpu.SemaphoreType.DMA,
          pltpu.SemaphoreType.DMA,
      ],
      compiler_params=_SC_PARAMS,
  )


_conv_h = _make_conv(H_FEATS, 1000, 2)
_conv_out = _make_conv(OUT_FEATS, 1000, 1)


def _tc1a_body(x_ref, wg_ref, we_ref, be_ref, h_ref):
  xb = x_ref[...]
  logits = jnp.dot(xb, wg_ref[...], preferred_element_type=jnp.float32)
  m = jnp.max(logits, axis=1, keepdims=True)
  l0 = logits[:, 0:1]
  l1 = logits[:, 1:2]
  l2 = logits[:, 2:3]
  g0 = l0 >= m
  g1 = (l1 >= m) & ~g0
  g2 = (l2 >= m) & ~g0 & ~g1
  g3 = ~g0 & ~g1 & ~g2
  h = jnp.zeros((xb.shape[0], H_FEATS), jnp.float32)
  for k, gk in enumerate((g0, g1, g2, g3)):
    hk = jnp.dot(xb, we_ref[k], preferred_element_type=jnp.float32)
    hk = hk + be_ref[k:k + 1, :]
    h = h + gk.astype(jnp.float32) * hk
  h_ref[...] = h


def _tc1a(x, w_gate, W_experts, b_experts):
  grid = (N_NODES // BN,)
  return pl.pallas_call(
      _tc1a_body,
      grid=grid,
      in_specs=[
          pl.BlockSpec((BN, IN_FEATS), lambda i: (i, 0)),
          pl.BlockSpec((IN_FEATS, 4), lambda i: (0, 0)),
          pl.BlockSpec((4, IN_FEATS, H_FEATS), lambda i: (0, 0, 0)),
          pl.BlockSpec((4, H_FEATS), lambda i: (0, 0)),
      ],
      out_specs=pl.BlockSpec((BN, H_FEATS), lambda i: (i, 0)),
      out_shape=jax.ShapeDtypeStruct((N_NODES, H_FEATS), jnp.float32),
  )(x, w_gate, W_experts, b_experts)


def _tc1b_body(h_ref, h0_ref, h1_ref, ta_ref, tb_ref, tc_ref, td_ref,
               dis_ref):
  deg = h0_ref[0, :, 0:1] + h1_ref[0, :, 0:1] + 1.0
  dis = lax.rsqrt(deg)
  g1s = h_ref[...] * dis
  q = H_FEATS // 4
  ta_ref[...] = g1s[:, 0 * q:1 * q]
  tb_ref[...] = g1s[:, 1 * q:2 * q]
  tc_ref[...] = g1s[:, 2 * q:3 * q]
  td_ref[...] = g1s[:, 3 * q:4 * q]
  dis_ref[...] = dis


def _tc1b(h, hist):
  grid = (N_NODES // BN,)
  return pl.pallas_call(
      _tc1b_body,
      grid=grid,
      in_specs=[
          pl.BlockSpec((BN, H_FEATS), lambda i: (i, 0)),
          pl.BlockSpec((1, BN, 16), lambda i: (0, i, 0)),
          pl.BlockSpec((1, BN, 16), lambda i: (1, i, 0)),
      ],
      out_specs=[
          pl.BlockSpec((BN, H_FEATS // 4), lambda i: (i, 0)),
          pl.BlockSpec((BN, H_FEATS // 4), lambda i: (i, 0)),
          pl.BlockSpec((BN, H_FEATS // 4), lambda i: (i, 0)),
          pl.BlockSpec((BN, H_FEATS // 4), lambda i: (i, 0)),
          pl.BlockSpec((BN, 1), lambda i: (i, 0)),
      ],
      out_shape=[
          jax.ShapeDtypeStruct((N_ACC, H_FEATS // 4), jnp.float32),
          jax.ShapeDtypeStruct((N_ACC, H_FEATS // 4), jnp.float32),
          jax.ShapeDtypeStruct((N_ACC, H_FEATS // 4), jnp.float32),
          jax.ShapeDtypeStruct((N_ACC, H_FEATS // 4), jnp.float32),
          jax.ShapeDtypeStruct((N_NODES, 1), jnp.float32),
      ],
  )(h, hist, hist)


def _tc2_body(p0_ref, p1_ref, p2_ref, p3_ref, dis_ref, b1_ref, w2_ref,
              ta_ref, tb_ref):
  dis = dis_ref[...]
  h = jnp.concatenate([p0_ref[0], p1_ref[0], p2_ref[0], p3_ref[0]], axis=1)
  h = h * dis + b1_ref[...]
  h = jnp.maximum(h, 0.0)
  g2 = jnp.dot(h, w2_ref[...], preferred_element_type=jnp.float32) * dis
  ta_ref[...] = g2[:, :OUT_FEATS // 2]
  tb_ref[...] = g2[:, OUT_FEATS // 2:]


def _tc2(p, dis, b1, w2):
  grid = (N_NODES // BN,)
  qspec = lambda j: pl.BlockSpec((1, BN, H_FEATS // 4),
                                 lambda i, j=j: (j, i, 0))
  return pl.pallas_call(
      _tc2_body,
      grid=grid,
      in_specs=[
          qspec(0), qspec(1), qspec(2), qspec(3),
          pl.BlockSpec((BN, 1), lambda i: (i, 0)),
          pl.BlockSpec((1, H_FEATS), lambda i: (0, 0)),
          pl.BlockSpec((H_FEATS, OUT_FEATS), lambda i: (0, 0)),
      ],
      out_specs=[
          pl.BlockSpec((BN, OUT_FEATS // 2), lambda i: (i, 0)),
          pl.BlockSpec((BN, OUT_FEATS // 2), lambda i: (i, 0)),
      ],
      out_shape=[
          jax.ShapeDtypeStruct((N_ACC, OUT_FEATS // 2), jnp.float32),
          jax.ShapeDtypeStruct((N_ACC, OUT_FEATS // 2), jnp.float32),
      ],
  )(p, p, p, p, dis, b1, w2)


def _tc3_body(q0_ref, q1_ref, dis_ref, b2_ref, out_ref):
  z = jnp.concatenate([q0_ref[0], q1_ref[0]], axis=1)
  z = z * dis_ref[...] + b2_ref[...]
  m = jnp.max(z, axis=1, keepdims=True)
  zs = z - m
  out_ref[...] = zs - jnp.log(jnp.sum(jnp.exp(zs), axis=1, keepdims=True))


def _tc3(q, dis, b2):
  grid = (N_NODES // BN,)
  return pl.pallas_call(
      _tc3_body,
      grid=grid,
      in_specs=[
          pl.BlockSpec((1, BN, OUT_FEATS // 2), lambda i: (0, i, 0)),
          pl.BlockSpec((1, BN, OUT_FEATS // 2), lambda i: (1, i, 0)),
          pl.BlockSpec((BN, 1), lambda i: (i, 0)),
          pl.BlockSpec((1, OUT_FEATS), lambda i: (0, 0)),
      ],
      out_specs=pl.BlockSpec((BN, OUT_FEATS), lambda i: (i, 0)),
      out_shape=jax.ShapeDtypeStruct((N_NODES, OUT_FEATS), jnp.float32),
  )(q, q, dis, b2)


@jax.jit
def kernel(x, edge_index, w_gate, W_experts, b_experts, b1, W2, b2):
  hist = _degree(edge_index, jnp.ones((DEG_BLK, 16), jnp.float32),
                 jnp.zeros((N_ACC, 16), jnp.float32))
  h = _tc1a(x, w_gate, W_experts, b_experts)
  ta, tb, tc, td, dis = _tc1b(h, hist)
  p = _conv_h(edge_index, ta, tb, tc, td)
  t2a, t2b = _tc2(p, dis, b1.reshape(1, -1), W2)
  q = _conv_out(edge_index, t2a, t2b)
  return _tc3(q, dis, b2.reshape(1, -1))

# --- scband reference (transcript-rebuilt; emitter-appended) ---
"""Pipeline reference for scband-gcnlip-mo-e-47665547051798 (READ-ONLY COPY).

The authoritative reference and input builder live on the scoring server;
editing this copy changes nothing except your own understanding.
"""

import jax, jax.numpy as jnp
import numpy as np

N = 10000
E_EDGES = 320000
IN_FEATS = 128
H_FEATS = 128
OUT_FEATS = 64
NUM_EXPERTS = 4


def setup_inputs(seed: int = 0) -> dict:
    key = jax.random.key(seed)
    ks = jax.random.split(key, 8)
    x = jax.random.normal(ks[0], (N, IN_FEATS), dtype=jnp.float32)
    edge_index = jax.random.randint(ks[1], (2, E_EDGES), 0, N, dtype=jnp.int32)
    # MoE gating and expert parameters for conv1's lin (input IN_FEATS -> H_FEATS)
    w_gate = jax.random.normal(ks[2], (IN_FEATS, NUM_EXPERTS), dtype=jnp.float32) * 0.1
    W_experts = jax.random.normal(ks[3], (NUM_EXPERTS, IN_FEATS, H_FEATS), dtype=jnp.float32) * (1.0 / np.sqrt(IN_FEATS))
    b_experts = jnp.zeros((NUM_EXPERTS, H_FEATS), dtype=jnp.float32)
    b1 = jax.random.normal(ks[4], (H_FEATS,), dtype=jnp.float32) * 0.01
    # conv2 standard GCNConv params (H_FEATS -> OUT_FEATS)
    W2 = jax.random.normal(ks[5], (H_FEATS, OUT_FEATS), dtype=jnp.float32) * (1.0 / np.sqrt(H_FEATS))
    b2 = jnp.zeros((OUT_FEATS,), dtype=jnp.float32)
    return {"x": x, "edge_index": edge_index, "w_gate": w_gate,
            "W_experts": W_experts, "b_experts": b_experts, "b1": b1,
            "W2": W2, "b2": b2}


def _gcn_norm(src, dst, num_nodes):
    # add self loops (fill_value = 1.0, improved=False)
    loop = jnp.arange(num_nodes, dtype=src.dtype)
    src = jnp.concatenate([src, loop])
    dst = jnp.concatenate([dst, loop])
    ew = jnp.ones(src.shape[0], dtype=jnp.float32)
    deg = jnp.zeros((num_nodes,), dtype=jnp.float32).at[dst].add(ew)
    deg_inv_sqrt = jnp.where(deg > 0, jax.lax.rsqrt(jnp.where(deg > 0, deg, 1.0)), 0.0)
    norm = deg_inv_sqrt[src] * ew * deg_inv_sqrt[dst]
    return src, dst, norm


def _moe_lin(x, w_gate, W_experts, b_experts):
    # noisy_gating MoE in eval mode with k=1: softmax over top-1 logits -> gate value 1 at argmax expert
    logits = x @ w_gate  # [N, E]
    gates = jax.nn.one_hot(jnp.argmax(logits, axis=1), W_experts.shape[0], dtype=x.dtype)  # [N, E]
    exp_out = jnp.einsum('ni,eih->neh', x, W_experts) + b_experts[None, :, :]  # [N, E, H]
    return jnp.einsum('ne,neh->nh', gates, exp_out)


def reference(x, edge_index, w_gate, W_experts, b_experts, b1, W2, b2):
    n = x.shape[0]
    src, dst, norm = _gcn_norm(edge_index[0], edge_index[1], n)
    # conv1: MoE linear, then normalized scatter-add aggregation, then bias
    h = _moe_lin(x, w_gate, W_experts, b_experts)
    h = jnp.zeros((n, h.shape[1]), dtype=h.dtype).at[dst].add(norm[:, None] * h[src])
    h = h + b1
    h = jax.nn.relu(h)
    # dropout in eval mode -> identity
    # conv2: standard GCNConv
    h2 = h @ W2
    h2 = jnp.zeros((n, h2.shape[1]), dtype=h2.dtype).at[dst].add(norm[:, None] * h2[src])
    h2 = h2 + b2
    return jax.nn.log_softmax(h2, axis=1)

if __name__ == "__main__":
    import jax
    _d = setup_inputs()
    print(jax.jit(kernel)(*tuple(_d.values())))

</pallas_src>

<mosaic_0001>
#map = affine_map<(d0, d1) -> (0, 0)>
#map1 = affine_map<(d0, d1) -> (0, 0, 0)>
module attributes {stable_mosaic.version = 14 : i64} {
  func.func @_degree_body(%arg0: i32, %arg1: i32, %arg2: memref<2x320000xi32, #tpu.memory_space<hbm>>, %arg3: memref<2000x16xf32, #tpu.memory_space<hbm>>, %arg4: memref<10112x16xf32, #tpu.memory_space<hbm>>, %arg5: memref<2x10112x16xf32, #tpu.memory_space<hbm>>, %arg6: memref<2000xi32, #tpu.memory_space<vmem>>, %arg7: memref<2000x16xf32, #tpu.memory_space<vmem>>, %arg8: memref<10112x16xf32, #tpu.memory_space<vmem_shared>>) attributes {dimension_semantics = [#tpu.dimension_semantics<core_parallel>, #tpu.dimension_semantics<subcore_parallel>], iteration_bounds = array<i64: 2, 16>, scalar_prefetch = 0 : i64, scratch_operands = 3 : i64, tpu.core_type = #tpu.core_type<sc_vector_subcore>, window_params = [{transform_indices = #map}, {transform_indices = #map}, {transform_indices = #map}, {transform_indices = #map1}]} {
    %mul3A = arith.constant 16 : i32
    %mul3A_0 = arith.muli %arg0, %mul3A : i32
    %add3A = arith.addi %mul3A_0, %arg1 : i32
    %mul3A_1 = arith.constant 632 : i32
    %mul3A_2 = arith.muli %arg1, %mul3A_1 : i32
    "tpu.region"() ({
      %run_scoped3A = tpu.sem_alloc : memref<!tpu.dma_semaphore, #tpu.memory_space<semaphore_mem>>
      %dma_start3A = arith.constant 0 : i32
      %dma_start3A_12 = tpu.memref_slice %arg8[%mul3A_2, %dma_start3A] : memref<10112x16xf32, #tpu.memory_space<vmem_shared>> -> memref<632x16xf32, #tpu.memory_space<vmem_shared>>
      %dma_start3A_13 = arith.constant 0 : i32
      %dma_start3A_14 = tpu.memref_slice %arg4[%mul3A_2, %dma_start3A_13] : memref<10112x16xf32, #tpu.memory_space<hbm>> -> memref<632x16xf32, #tpu.memory_space<hbm>>
      tpu.enqueue_dma source(%dma_start3A_14 : memref<632x16xf32, #tpu.memory_space<hbm>>) target(%dma_start3A_12 : memref<632x16xf32, #tpu.memory_space<vmem_shared>>) target_semaphore(%run_scoped3A : memref<!tpu.dma_semaphore, #tpu.memory_space<semaphore_mem>>)
      %dma_wait3A = arith.constant 0 : i32
      %dma_wait3A_15 = tpu.memref_slice %arg8[%mul3A_2, %dma_wait3A] : memref<10112x16xf32, #tpu.memory_space<vmem_shared>> -> memref<632x16xf32, #tpu.memory_space<vmem_shared>>
      %dma_wait3A_16 = arith.constant 0 : i32
      %dma_wait3A_17 = tpu.memref_slice %arg4[%mul3A_2, %dma_wait3A_16] : memref<10112x16xf32, #tpu.memory_space<hbm>> -> memref<632x16xf32, #tpu.memory_space<hbm>>
      tpu.wait_dma2 semaphore(%run_scoped3A : memref<!tpu.dma_semaphore, #tpu.memory_space<semaphore_mem>>) src(%dma_wait3A_17 : memref<632x16xf32, #tpu.memory_space<hbm>>) dst(%dma_wait3A_15 : memref<632x16xf32, #tpu.memory_space<vmem_shared>>)
      tpu.yield
    }) : () -> ()
    "tpu.region"() ({
      %run_scoped3A = tpu.sem_alloc : memref<!tpu.dma_semaphore, #tpu.memory_space<semaphore_mem>>
      tpu.enqueue_dma source(%arg3 : memref<2000x16xf32, #tpu.memory_space<hbm>>) target(%arg7 : memref<2000x16xf32, #tpu.memory_space<vmem>>) target_semaphore(%run_scoped3A : memref<!tpu.dma_semaphore, #tpu.memory_space<semaphore_mem>>)
      tpu.wait_dma2 semaphore(%run_scoped3A : memref<!tpu.dma_semaphore, #tpu.memory_space<semaphore_mem>>) src(%arg3 : memref<2000x16xf32, #tpu.memory_space<hbm>>) dst(%arg7 : memref<2000x16xf32, #tpu.memory_space<vmem>>)
      tpu.yield
    }) : () -> ()
    %barrier3A = arith.constant 0 : index
    tpu.barrier barrier_id(%barrier3A)
    %mul3A_3 = arith.constant 5 : i32
    %mul3A_4 = arith.muli %add3A, %mul3A_3 : i32
    %mul3A_5 = arith.constant 2000 : i32
    %mul3A_6 = arith.muli %mul3A_4, %mul3A_5 : i32
    %scan3A = arith.constant 0 : i32
    %scan3A_7 = arith.constant 5 : i32
    %scan3A_8 = arith.addi %scan3A, %scan3A_7 : i32
    %scan3A_9 = arith.constant 1 : i32
    scf.for %scan3A_12 = %scan3A to %scan3A_8 step %scan3A_9  : i32 {
      %mul3A_13 = arith.constant 1 : i32
      %mul3A_14 = arith.muli %scan3A_12, %mul3A_13 : i32
      %add3A_15 = arith.constant 0 : i32
      %add3A_16 = arith.addi %add3A_15, %mul3A_14 : i32
      %mul3A_17 = arith.constant 2000 : i32
      %mul3A_18 = arith.muli %add3A_16, %mul3A_17 : i32
      %add3A_19 = arith.addi %mul3A_6, %mul3A_18 : i32
      %run_scoped3A = arith.constant 1 : i32
      "tpu.region"() ({
        %run_scoped3A_20 = tpu.sem_alloc : memref<!tpu.dma_semaphore, #tpu.memory_space<semaphore_mem>>
        %dma_start3A = tpu.memref_slice %arg2[%run_scoped3A, %add3A_19] : memref<2x320000xi32, #tpu.memory_space<hbm>> -> memref<1x2000xi32, #tpu.memory_space<hbm>>
        %dma_start3A_21 = tpu.memref_squeeze %dma_start3A : memref<1x2000xi32, #tpu.memory_space<hbm>> -> memref<2000xi32, #tpu.memory_space<hbm>>
        %dma_start3A_22 = tpu.memref_slice %arg2[%run_scoped3A, %add3A_19] : memref<2x320000xi32, #tpu.memory_space<hbm>> -> memref<1x2000xi32, #tpu.memory_space<hbm>>
        %dma_start3A_23 = tpu.memref_squeeze %dma_start3A_22 : memref<1x2000xi32, #tpu.memory_space<hbm>> -> memref<2000xi32, #tpu.memory_space<hbm>>
        tpu.enqueue_dma source(%dma_start3A_23 : memref<2000xi32, #tpu.memory_space<hbm>>) target(%arg6 : memref<2000xi32, #tpu.memory_space<vmem>>) target_semaphore(%run_scoped3A_20 : memref<!tpu.dma_semaphore, #tpu.memory_space<semaphore_mem>>)
        %dma_wait3A = tpu.memref_slice %arg2[%run_scoped3A, %add3A_19] : memref<2x320000xi32, #tpu.memory_space<hbm>> -> memref<1x2000xi32, #tpu.memory_space<hbm>>
        %dma_wait3A_24 = tpu.memref_squeeze %dma_wait3A : memref<1x2000xi32, #tpu.memory_space<hbm>> -> memref<2000xi32, #tpu.memory_space<hbm>>
        %dma_wait3A_25 = tpu.memref_slice %arg2[%run_scoped3A, %add3A_19] : memref<2x320000xi32, #tpu.memory_space<hbm>> -> memref<1x2000xi32, #tpu.memory_space<hbm>>
        %dma_wait3A_26 = tpu.memref_squeeze %dma_wait3A_25 : memref<1x2000xi32, #tpu.memory_space<hbm>> -> memref<2000xi32, #tpu.memory_space<hbm>>
        tpu.wait_dma2 semaphore(%run_scoped3A_20 : memref<!tpu.dma_semaphore, #tpu.memory_space<semaphore_mem>>) src(%dma_wait3A_26 : memref<2000xi32, #tpu.memory_space<hbm>>) dst(%arg6 : memref<2000xi32, #tpu.memory_space<vmem>>)
        tpu.yield
      }) : () -> ()
      "tpu.region"() ({
        %run_scoped3A_20 = tpu.sem_alloc : memref<!tpu.dma_semaphore, #tpu.memory_space<semaphore_mem>>
        %dma_start3A = arith.constant 0 : i32
        %dma_start3A_21 = arith.constant 0 : i32
        %dma_start3A_22 = tpu.memref_slice %arg8[%dma_start3A, %dma_start3A_21] : memref<10112x16xf32, #tpu.memory_space<vmem_shared>> -> memref<10112x16xf32, #tpu.memory_space<vmem_shared>>
        tpu.enqueue_indirect_dma source(%arg7 : memref<2000x16xf32, #tpu.memory_space<vmem>>) target(%dma_start3A_22 : memref<10112x16xf32, #tpu.memory_space<vmem_shared>>) offsets(%arg6 : memref<2000xi32, #tpu.memory_space<vmem>>) semaphore(%run_scoped3A_20 : memref<!tpu.dma_semaphore, #tpu.memory_space<semaphore_mem>>) {add = true}
        %dma_wait3A = arith.constant 0 : i32
        %dma_wait3A_23 = arith.constant 0 : i32
        %dma_wait3A_24 = tpu.memref_slice %arg8[%dma_wait3A, %dma_wait3A_23] : memref<10112x16xf32, #tpu.memory_space<vmem_shared>> -> memref<10112x16xf32, #tpu.memory_space<vmem_shared>>
        tpu.wait_indirect_dma semaphore(%run_scoped3A_20 : memref<!tpu.dma_semaphore, #tpu.memory_space<semaphore_mem>>) src(%arg7 : memref<2000x16xf32, #tpu.memory_space<vmem>>) dst(%dma_wait3A_24 : memref<10112x16xf32, #tpu.memory_space<vmem_shared>>)
        tpu.yield
      }) : () -> ()
    }
    %scan3A_10 = arith.constant 5 : i32
    %barrier3A_11 = arith.constant 0 : index
    tpu.barrier barrier_id(%barrier3A_11)
    "tpu.region"() ({
      %run_scoped3A = tpu.sem_alloc : memref<!tpu.dma_semaphore, #tpu.memory_space<semaphore_mem>>
      %dma_start3A = arith.constant 0 : i32
      %dma_start3A_12 = tpu.memref_slice %arg5[%arg0, %mul3A_2, %dma_start3A] : memref<2x10112x16xf32, #tpu.memory_space<hbm>> -> memref<1x632x16xf32, #tpu.memory_space<hbm>>
      %dma_start3A_13 = tpu.memref_squeeze %dma_start3A_12 : memref<1x632x16xf32, #tpu.memory_space<hbm>> -> memref<632x16xf32, #tpu.memory_space<hbm>>
      %dma_start3A_14 = arith.constant 0 : i32
      %dma_start3A_15 = tpu.memref_slice %arg8[%mul3A_2, %dma_start3A_14] : memref<10112x16xf32, #tpu.memory_space<vmem_shared>> -> memref<632x16xf32, #tpu.memory_space<vmem_shared>>
      tpu.enqueue_dma source(%dma_start3A_15 : memref<632x16xf32, #tpu.memory_space<vmem_shared>>) target(%dma_start3A_13 : memref<632x16xf32, #tpu.memory_space<hbm>>) target_semaphore(%run_scoped3A : memref<!tpu.dma_semaphore, #tpu.memory_space<semaphore_mem>>)
      %dma_wait3A = arith.constant 0 : i32
      %dma_wait3A_16 = tpu.memref_slice %arg5[%arg0, %mul3A_2, %dma_wait3A] : memref<2x10112x16xf32, #tpu.memory_space<hbm>> -> memref<1x632x16xf32, #tpu.memory_space<hbm>>
      %dma_wait3A_17 = tpu.memref_squeeze %dma_wait3A_16 : memref<1x632x16xf32, #tpu.memory_space<hbm>> -> memref<632x16xf32, #tpu.memory_space<hbm>>
      %dma_wait3A_18 = arith.constant 0 : i32
      %dma_wait3A_19 = tpu.memref_slice %arg8[%mul3A_2, %dma_wait3A_18] : memref<10112x16xf32, #tpu.memory_space<vmem_shared>> -> memref<632x16xf32, #tpu.memory_space<vmem_shared>>
      tpu.wait_dma2 semaphore(%run_scoped3A : memref<!tpu.dma_semaphore, #tpu.memory_space<semaphore_mem>>) src(%dma_wait3A_19 : memref<632x16xf32, #tpu.memory_space<vmem_shared>>) dst(%dma_wait3A_17 : memref<632x16xf32, #tpu.memory_space<hbm>>)
      tpu.yield
    }) : () -> ()
    return
  }
}

#map = affine_map<(d0, d1) -> (0, 0)>
#map1 = affine_map<(d0, d1) -> (0, 0, 0)>
module attributes {stable_mosaic.version = 14 : i64} {
  func.func @body(%arg0: i32, %arg1: i32, %arg2: memref<2x320000xi32, #tpu.memory_space<hbm>>, %arg3: memref<10112x32xf32, #tpu.memory_space<hbm>>, %arg4: memref<10112x32xf32, #tpu.memory_space<hbm>>, %arg5: memref<10112x32xf32, #tpu.memory_space<hbm>>, %arg6: memref<10112x32xf32, #tpu.memory_space<hbm>>, %arg7: memref<4x10112x32xf32, #tpu.memory_space<hbm>>, %arg8: memref<1000xi32, #tpu.memory_space<vmem>>, %arg9: memref<1000xi32, #tpu.memory_space<vmem>>, %arg10: memref<1000xi32, #tpu.memory_space<vmem>>, %arg11: memref<1000xi32, #tpu.memory_space<vmem>>, %arg12: memref<1000x32xf32, #tpu.memory_space<vmem>>, %arg13: memref<1000x32xf32, #tpu.memory_space<vmem>>, %arg14: memref<10112x32xf32, #tpu.memory_space<vmem_shared>>, %arg15: memref<10112x32xf32, #tpu.memory_space<vmem_shared>>, %arg16: memref<!tpu.dma_semaphore, #tpu.memory_space<semaphore_mem>>, %arg17: memref<!tpu.dma_semaphore, #tpu.memory_space<semaphore_mem>>) attributes {dimension_semantics = [#tpu.dimension_semantics<core_parallel>, #tpu.dimension_semantics<subcore_parallel>], iteration_bounds = array<i64: 2, 16>, scalar_prefetch = 0 : i64, scratch_operands = 10 : i64, tpu.core_type = #tpu.core_type<sc_vector_subcore>, window_params = [{transform_indices = #map}, {transform_indices = #map}, {transform_indices = #map}, {transform_indices = #map}, {transform_indices = #map}, {transform_indices = #map1}]} {
    %mul3A = arith.constant 632 : i32
    %mul3A_0 = arith.muli %arg1, %mul3A : i32
    %mul3A_1 = arith.constant 20 : i32
    %mul3A_2 = arith.muli %arg1, %mul3A_1 : i32
    %mul3A_3 = arith.constant 1000 : i32
    %mul3A_4 = arith.muli %mul3A_2, %mul3A_3 : i32
    %eq3A = arith.constant 0 : i32
    %eq3A_5 = arith.cmpi eq, %arg0, %eq3A : i32
    %convert_element_type3A = arith.extui %eq3A_5 : i1 to i32
    %cond3A = arith.constant 0 : i32
    %cond3A_6 = arith.cmpi ne, %convert_element_type3A, %cond3A : i32
    scf.if %cond3A_6 {
      "tpu.region"() ({
        %run_scoped3A_56 = tpu.sem_alloc : memref<!tpu.dma_semaphore, #tpu.memory_space<semaphore_mem>>
        %dma_start3A_57 = arith.constant 0 : i32
        %dma_start3A_58 = tpu.memref_slice %arg14[%mul3A_0, %dma_start3A_57] : memref<10112x32xf32, #tpu.memory_space<vmem_shared>> -> memref<632x32xf32, #tpu.memory_space<vmem_shared>>
        %dma_start3A_59 = arith.constant 0 : i32
        %dma_start3A_60 = tpu.memref_slice %arg3[%mul3A_0, %dma_start3A_59] : memref<10112x32xf32, #tpu.memory_space<hbm>> -> memref<632x32xf32, #tpu.memory_space<hbm>>
        tpu.enqueue_dma source(%dma_start3A_60 : memref<632x32xf32, #tpu.memory_space<hbm>>) target(%dma_start3A_58 : memref<632x32xf32, #tpu.memory_space<vmem_shared>>) target_semaphore(%run_scoped3A_56 : memref<!tpu.dma_semaphore, #tpu.memory_space<semaphore_mem>>)
        %dma_wait3A = arith.constant 0 : i32
        %dma_wait3A_61 = tpu.memref_slice %arg14[%mul3A_0, %dma_wait3A] : memref<10112x32xf32, #tpu.memory_space<vmem_shared>> -> memref<632x32xf32, #tpu.memory_space<vmem_shared>>
        %dma_wait3A_62 = arith.constant 0 : i32
        %dma_wait3A_63 = tpu.memref_slice %arg3[%mul3A_0, %dma_wait3A_62] : memref<10112x32xf32, #tpu.memory_space<hbm>> -> memref<632x32xf32, #tpu.memory_space<hbm>>
        tpu.wait_dma2 semaphore(%run_scoped3A_56 : memref<!tpu.dma_semaphore, #tpu.memory_space<semaphore_mem>>) src(%dma_wait3A_63 : memref<632x32xf32, #tpu.memory_space<hbm>>) dst(%dma_wait3A_61 : memref<632x32xf32, #tpu.memory_space<vmem_shared>>)
        tpu.yield
      }) : () -> ()
      "tpu.region"() ({
        %run_scoped3A_56 = tpu.sem_alloc : memref<!tpu.dma_semaphore, #tpu.memory_space<semaphore_mem>>
        %dma_start3A_57 = arith.constant 0 : i32
        %dma_start3A_58 = tpu.memref_slice %arg15[%mul3A_0, %dma_start3A_57] : memref<10112x32xf32, #tpu.memory_space<vmem_shared>> -> memref<632x32xf32, #tpu.memory_space<vmem_shared>>
        %dma_start3A_59 = arith.constant 0 : i32
        %dma_start3A_60 = tpu.memref_slice %arg3[%mul3A_0, %dma_start3A_59] : memref<10112x32xf32, #tpu.memory_space<hbm>> -> memref<632x32xf32, #tpu.memory_space<hbm>>
        tpu.enqueue_dma source(%dma_start3A_60 : memref<632x32xf32, #tpu.memory_space<hbm>>) target(%dma_start3A_58 : memref<632x32xf32, #tpu.memory_space<vmem_shared>>) target_semaphore(%run_scoped3A_56 : memref<!tpu.dma_semaphore, #tpu.memory_space<semaphore_mem>>)
        %dma_wait3A = arith.constant 0 : i32
        %dma_wait3A_61 = tpu.memref_slice %arg15[%mul3A_0, %dma_wait3A] : memref<10112x32xf32, #tpu.memory_space<vmem_shared>> -> memref<632x32xf32, #tpu.memory_space<vmem_shared>>
        %dma_wait3A_62 = arith.constant 0 : i32
        %dma_wait3A_63 = tpu.memref_slice %arg3[%mul3A_0, %dma_wait3A_62] : memref<10112x32xf32, #tpu.memory_space<hbm>> -> memref<632x32xf32, #tpu.memory_space<hbm>>
        tpu.wait_dma2 semaphore(%run_scoped3A_56 : memref<!tpu.dma_semaphore, #tpu.memory_space<semaphore_mem>>) src(%dma_wait3A_63 : memref<632x32xf32, #tpu.memory_space<hbm>>) dst(%dma_wait3A_61 : memref<632x32xf32, #tpu.memory_space<vmem_shared>>)
        tpu.yield
      }) : () -> ()
    } else {
    }
    %ne3A = arith.constant 0 : i32
    %ne3A_7 = arith.cmpi ne, %arg0, %ne3A : i32
    %convert_element_type3A_8 = arith.extui %ne3A_7 : i1 to i32
    %cond3A_9 = arith.constant 0 : i32
    %cond3A_10 = arith.cmpi ne, %convert_element_type3A_8, %cond3A_9 : i32
    scf.if %cond3A_10 {
      "tpu.region"() ({
        %run_scoped3A_56 = tpu.sem_alloc : memref<!tpu.dma_semaphore, #tpu.memory_space<semaphore_mem>>
        %dma_start3A_57 = arith.constant 0 : i32
        %dma_start3A_58 = tpu.memref_slice %arg14[%mul3A_0, %dma_start3A_57] : memref<10112x32xf32, #tpu.memory_space<vmem_shared>> -> memref<632x32xf32, #tpu.memory_space<vmem_shared>>
        %dma_start3A_59 = arith.constant 0 : i32
        %dma_start3A_60 = tpu.memref_slice %arg5[%mul3A_0, %dma_start3A_59] : memref<10112x32xf32, #tpu.memory_space<hbm>> -> memref<632x32xf32, #tpu.memory_space<hbm>>
        tpu.enqueue_dma source(%dma_start3A_60 : memref<632x32xf32, #tpu.memory_space<hbm>>) target(%dma_start3A_58 : memref<632x32xf32, #tpu.memory_space<vmem_shared>>) target_semaphore(%run_scoped3A_56 : memref<!tpu.dma_semaphore, #tpu.memory_space<semaphore_mem>>)
        %dma_wait3A = arith.constant 0 : i32
        %dma_wait3A_61 = tpu.memref_slice %arg14[%mul3A_0, %dma_wait3A] : memref<10112x32xf32, #tpu.memory_space<vmem_shared>> -> memref<632x32xf32, #tpu.memory_space<vmem_shared>>
        %dma_wait3A_62 = arith.constant 0 : i32
        %dma_wait3A_63 = tpu.memref_slice %arg5[%mul3A_0, %dma_wait3A_62] : memref<10112x32xf32, #tpu.memory_space<hbm>> -> memref<632x32xf32, #tpu.memory_space<hbm>>
        tpu.wait_dma2 semaphore(%run_scoped3A_56 : memref<!tpu.dma_semaphore, #tpu.memory_space<semaphore_mem>>) src(%dma_wait3A_63 : memref<632x32xf32, #tpu.memory_space<hbm>>) dst(%dma_wait3A_61 : memref<632x32xf32, #tpu.memory_space<vmem_shared>>)
        tpu.yield
      }) : () -> ()
      "tpu.region"() ({
        %run_scoped3A_56 = tpu.sem_alloc : memref<!tpu.dma_semaphore, #tpu.memory_space<semaphore_mem>>
        %dma_start3A_57 = arith.constant 0 : i32
        %dma_start3A_58 = tpu.memref_slice %arg15[%mul3A_0, %dma_start3A_57] : memref<10112x32xf32, #tpu.memory_space<vmem_shared>> -> memref<632x32xf32, #tpu.memory_space<vmem_shared>>
        %dma_start3A_59 = arith.constant 0 : i32
        %dma_start3A_60 = tpu.memref_slice %arg5[%mul3A_0, %dma_start3A_59] : memref<10112x32xf32, #tpu.memory_space<hbm>> -> memref<632x32xf32, #tpu.memory_space<hbm>>
        tpu.enqueue_dma source(%dma_start3A_60 : memref<632x32xf32, #tpu.memory_space<hbm>>) target(%dma_start3A_58 : memref<632x32xf32, #tpu.memory_space<vmem_shared>>) target_semaphore(%run_scoped3A_56 : memref<!tpu.dma_semaphore, #tpu.memory_space<semaphore_mem>>)
        %dma_wait3A = arith.constant 0 : i32
        %dma_wait3A_61 = tpu.memref_slice %arg15[%mul3A_0, %dma_wait3A] : memref<10112x32xf32, #tpu.memory_space<vmem_shared>> -> memref<632x32xf32, #tpu.memory_space<vmem_shared>>
        %dma_wait3A_62 = arith.constant 0 : i32
        %dma_wait3A_63 = tpu.memref_slice %arg5[%mul3A_0, %dma_wait3A_62] : memref<10112x32xf32, #tpu.memory_space<hbm>> -> memref<632x32xf32, #tpu.memory_space<hbm>>
        tpu.wait_dma2 semaphore(%run_scoped3A_56 : memref<!tpu.dma_semaphore, #tpu.memory_space<semaphore_mem>>) src(%dma_wait3A_63 : memref<632x32xf32, #tpu.memory_space<hbm>>) dst(%dma_wait3A_61 : memref<632x32xf32, #tpu.memory_space<vmem_shared>>)
        tpu.yield
      }) : () -> ()
    } else {
    }
    %barrier3A = arith.constant 0 : index
    tpu.barrier barrier_id(%barrier3A)
    %add3A = arith.constant 0 : i32
    %add3A_11 = arith.addi %mul3A_4, %add3A : i32
    %run_scoped3A = arith.constant 0 : i32
    "tpu.region"() ({
      %run_scoped3A_56 = tpu.sem_alloc : memref<!tpu.dma_semaphore, #tpu.memory_space<semaphore_mem>>
      %dma_start3A_57 = tpu.memref_slice %arg2[%run_scoped3A, %add3A_11] : memref<2x320000xi32, #tpu.memory_space<hbm>> -> memref<1x1000xi32, #tpu.memory_space<hbm>>
      %dma_start3A_58 = tpu.memref_squeeze %dma_start3A_57 : memref<1x1000xi32, #tpu.memory_space<hbm>> -> memref<1000xi32, #tpu.memory_space<hbm>>
      %dma_start3A_59 = tpu.memref_slice %arg2[%run_scoped3A, %add3A_11] : memref<2x320000xi32, #tpu.memory_space<hbm>> -> memref<1x1000xi32, #tpu.memory_space<hbm>>
      %dma_start3A_60 = tpu.memref_squeeze %dma_start3A_59 : memref<1x1000xi32, #tpu.memory_space<hbm>> -> memref<1000xi32, #tpu.memory_space<hbm>>
      tpu.enqueue_dma source(%dma_start3A_60 : memref<1000xi32, #tpu.memory_space<hbm>>) target(%arg8 : memref<1000xi32, #tpu.memory_space<vmem>>) target_semaphore(%run_scoped3A_56 : memref<!tpu.dma_semaphore, #tpu.memory_space<semaphore_mem>>)
      %dma_wait3A = tpu.memref_slice %arg2[%run_scoped3A, %add3A_11] : memref<2x320000xi32, #tpu.memory_space<hbm>> -> memref<1x1000xi32, #tpu.memory_space<hbm>>
      %dma_wait3A_61 = tpu.memref_squeeze %dma_wait3A : memref<1x1000xi32, #tpu.memory_space<hbm>> -> memref<1000xi32, #tpu.memory_space<hbm>>
      %dma_wait3A_62 = tpu.memref_slice %arg2[%run_scoped3A, %add3A_11] : memref<2x320000xi32, #tpu.memory_space<hbm>> -> memref<1x1000xi32, #tpu.memory_space<hbm>>
      %dma_wait3A_63 = tpu.memref_squeeze %dma_wait3A_62 : memref<1x1000xi32, #tpu.memory_space<hbm>> -> memref<1000xi32, #tpu.memory_space<hbm>>
      tpu.wait_dma2 semaphore(%run_scoped3A_56 : memref<!tpu.dma_semaphore, #tpu.memory_space<semaphore_mem>>) src(%dma_wait3A_63 : memref<1000xi32, #tpu.memory_space<hbm>>) dst(%arg8 : memref<1000xi32, #tpu.memory_space<vmem>>)
      tpu.yield
    }) : () -> ()
    %add3A_12 = arith.constant 0 : i32
    %add3A_13 = arith.addi %mul3A_4, %add3A_12 : i32
    %run_scoped3A_14 = arith.constant 1 : i32
    "tpu.region"() ({
      %run_scoped3A_56 = tpu.sem_alloc : memref<!tpu.dma_semaphore, #tpu.memory_space<semaphore_mem>>
      %dma_start3A_57 = tpu.memref_slice %arg2[%run_scoped3A_14, %add3A_13] : memref<2x320000xi32, #tpu.memory_space<hbm>> -> memref<1x1000xi32, #tpu.memory_space<hbm>>
      %dma_start3A_58 = tpu.memref_squeeze %dma_start3A_57 : memref<1x1000xi32, #tpu.memory_space<hbm>> -> memref<1000xi32, #tpu.memory_space<hbm>>
      %dma_start3A_59 = tpu.memref_slice %arg2[%run_scoped3A_14, %add3A_13] : memref<2x320000xi32, #tpu.memory_space<hbm>> -> memref<1x1000xi32, #tpu.memory_space<hbm>>
      %dma_start3A_60 = tpu.memref_squeeze %dma_start3A_59 : memref<1x1000xi32, #tpu.memory_space<hbm>> -> memref<1000xi32, #tpu.memory_space<hbm>>
      tpu.enqueue_dma source(%dma_start3A_60 : memref<1000xi32, #tpu.memory_space<hbm>>) target(%arg9 : memref<1000xi32, #tpu.memory_space<vmem>>) target_semaphore(%run_scoped3A_56 : memref<!tpu.dma_semaphore, #tpu.memory_space<semaphore_mem>>)
      %dma_wait3A = tpu.memref_slice %arg2[%run_scoped3A_14, %add3A_13] : memref<2x320000xi32, #tpu.memory_space<hbm>> -> memref<1x1000xi32, #tpu.memory_space<hbm>>
      %dma_wait3A_61 = tpu.memref_squeeze %dma_wait3A : memref<1x1000xi32, #tpu.memory_space<hbm>> -> memref<1000xi32, #tpu.memory_space<hbm>>
      %dma_wait3A_62 = tpu.memref_slice %arg2[%run_scoped3A_14, %add3A_13] : memref<2x320000xi32, #tpu.memory_space<hbm>> -> memref<1x1000xi32, #tpu.memory_space<hbm>>
      %dma_wait3A_63 = tpu.memref_squeeze %dma_wait3A_62 : memref<1x1000xi32, #tpu.memory_space<hbm>> -> memref<1000xi32, #tpu.memory_space<hbm>>
      tpu.wait_dma2 semaphore(%run_scoped3A_56 : memref<!tpu.dma_semaphore, #tpu.memory_space<semaphore_mem>>) src(%dma_wait3A_63 : memref<1000xi32, #tpu.memory_space<hbm>>) dst(%arg9 : memref<1000xi32, #tpu.memory_space<vmem>>)
      tpu.yield
    }) : () -> ()
    %dma_start3A = arith.constant 0 : i32
    %dma_start3A_15 = arith.constant 0 : i32
    %dma_start3A_16 = tpu.memref_slice %arg14[%dma_start3A, %dma_start3A_15] : memref<10112x32xf32, #tpu.memory_space<vmem_shared>> -> memref<10112x32xf32, #tpu.memory_space<vmem_shared>>
    tpu.enqueue_indirect_dma source(%dma_start3A_16 : memref<10112x32xf32, #tpu.memory_space<vmem_shared>>) target(%arg12 : memref<1000x32xf32, #tpu.memory_space<vmem>>) offsets(%arg8 : memref<1000xi32, #tpu.memory_space<vmem>>) semaphore(%arg16 : memref<!tpu.dma_semaphore, #tpu.memory_space<semaphore_mem>>)
    %scan3A = arith.constant 0 : i32
    %scan3A_17 = arith.constant 10 : i32
    %scan3A_18 = arith.addi %scan3A, %scan3A_17 : i32
    %scan3A_19 = arith.constant 1 : i32
    scf.for %scan3A_56 = %scan3A to %scan3A_18 step %scan3A_19  : i32 {
      %mul3A_57 = arith.constant 1 : i32
      %mul3A_58 = arith.muli %scan3A_56, %mul3A_57 : i32
      %add3A_59 = arith.constant 0 : i32
      %add3A_60 = arith.addi %add3A_59, %mul3A_58 : i32
      %mul3A_61 = arith.constant 2 : i32
      %mul3A_62 = arith.muli %mul3A_61, %add3A_60 : i32
      %add3A_63 = arith.constant 1 : i32
      %add3A_64 = arith.addi %mul3A_62, %add3A_63 : i32
      %mul3A_65 = arith.constant 1000 : i32
      %mul3A_66 = arith.muli %add3A_64, %mul3A_65 : i32
      %add3A_67 = arith.addi %mul3A_4, %mul3A_66 : i32
      %run_scoped3A_68 = arith.constant 0 : i32
      "tpu.region"() ({
        %run_scoped3A_85 = tpu.sem_alloc : memref<!tpu.dma_semaphore, #tpu.memory_space<semaphore_mem>>
        %dma_start3A_86 = tpu.memref_slice %arg2[%run_scoped3A_68, %add3A_67] : memref<2x320000xi32, #tpu.memory_space<hbm>> -> memref<1x1000xi32, #tpu.memory_space<hbm>>
        %dma_start3A_87 = tpu.memref_squeeze %dma_start3A_86 : memref<1x1000xi32, #tpu.memory_space<hbm>> -> memref<1000xi32, #tpu.memory_space<hbm>>
        %dma_start3A_88 = tpu.memref_slice %arg2[%run_scoped3A_68, %add3A_67] : memref<2x320000xi32, #tpu.memory_space<hbm>> -> memref<1x1000xi32, #tpu.memory_space<hbm>>
        %dma_start3A_89 = tpu.memref_squeeze %dma_start3A_88 : memref<1x1000xi32, #tpu.memory_space<hbm>> -> memref<1000xi32, #tpu.memory_space<hbm>>
        tpu.enqueue_dma source(%dma_start3A_89 : memref<1000xi32, #tpu.memory_space<hbm>>) target(%arg10 : memref<1000xi32, #tpu.memory_space<vmem>>) target_semaphore(%run_scoped3A_85 : memref<!tpu.dma_semaphore, #tpu.memory_space<semaphore_mem>>)
        %dma_wait3A_90 = tpu.memref_slice %arg2[%run_scoped3A_68, %add3A_67] : memref<2x320000xi32, #tpu.memory_space<hbm>> -> memref<1x1000xi32, #tpu.memory_space<hbm>>
        %dma_wait3A_91 = tpu.memref_squeeze %dma_wait3A_90 : memref<1x1000xi32, #tpu.memory_space<hbm>> -> memref<1000xi32, #tpu.memory_space<hbm>>
        %dma_wait3A_92 = tpu.memref_slice %arg2[%run_scoped3A_68, %add3A_67] : memref<2x320000xi32, #tpu.memory_space<hbm>> -> memref<1x1000xi32, #tpu.memory_space<hbm>>
        %dma_wait3A_93 = tpu.memref_squeeze %dma_wait3A_92 : memref<1x1000xi32, #tpu.memory_space<hbm>> -> memref<1000xi32, #tpu.memory_space<hbm>>
        tpu.wait_dma2 semaphore(%run_scoped3A_85 : memref<!tpu.dma_semaphore, #tpu.memory_space<semaphore_mem>>) src(%dma_wait3A_93 : memref<1000xi32, #tpu.memory_space<hbm>>) dst(%arg10 : memref<1000xi32, #tpu.memory_space<vmem>>)
        tpu.yield
      }) : () -> ()
      %mul3A_69 = arith.constant 1000 : i32
      %mul3A_70 = arith.muli %add3A_64, %mul3A_69 : i32
      %add3A_71 = arith.addi %mul3A_4, %mul3A_70 : i32
      %run_scoped3A_72 = arith.constant 1 : i32
      "tpu.region"() ({
        %run_scoped3A_85 = tpu.sem_alloc : memref<!tpu.dma_semaphore, #tpu.memory_space<semaphore_mem>>
        %dma_start3A_86 = tpu.memref_slice %arg2[%run_scoped3A_72, %add3A_71] : memref<2x320000xi32, #tpu.memory_space<hbm>> -> memref<1x1000xi32, #tpu.memory_space<hbm>>
        %dma_start3A_87 = tpu.memref_squeeze %dma_start3A_86 : memref<1x1000xi32, #tpu.memory_space<hbm>> -> memref<1000xi32, #tpu.memory_space<hbm>>
        %dma_start3A_88 = tpu.memref_slice %arg2[%run_scoped3A_72, %add3A_71] : memref<2x320000xi32, #tpu.memory_space<hbm>> -> memref<1x1000xi32, #tpu.memory_space<hbm>>
        %dma_start3A_89 = tpu.memref_squeeze %dma_start3A_88 : memref<1x1000xi32, #tpu.memory_space<hbm>> -> memref<1000xi32, #tpu.memory_space<hbm>>
        tpu.enqueue_dma source(%dma_start3A_89 : memref<1000xi32, #tpu.memory_space<hbm>>) target(%arg11 : memref<1000xi32, #tpu.memory_space<vmem>>) target_semaphore(%run_scoped3A_85 : memref<!tpu.dma_semaphore, #tpu.memory_space<semaphore_mem>>)
        %dma_wait3A_90 = tpu.memref_slice %arg2[%run_scoped3A_72, %add3A_71] : memref<2x320000xi32, #tpu.memory_space<hbm>> -> memref<1x1000xi32, #tpu.memory_space<hbm>>
        %dma_wait3A_91 = tpu.memref_squeeze %dma_wait3A_90 : memref<1x1000xi32, #tpu.memory_space<hbm>> -> memref<1000xi32, #tpu.memory_space<hbm>>
        %dma_wait3A_92 = tpu.memref_slice %arg2[%run_scoped3A_72, %add3A_71] : memref<2x320000xi32, #tpu.memory_space<hbm>> -> memref<1x1000xi32, #tpu.memory_space<hbm>>
        %dma_wait3A_93 = tpu.memref_squeeze %dma_wait3A_92 : memref<1x1000xi32, #tpu.memory_space<hbm>> -> memref<1000xi32, #tpu.memory_space<hbm>>
        tpu.wait_dma2 semaphore(%run_scoped3A_85 : memref<!tpu.dma_semaphore, #tpu.memory_space<semaphore_mem>>) src(%dma_wait3A_93 : memref<1000xi32, #tpu.memory_space<hbm>>) dst(%arg11 : memref<1000xi32, #tpu.memory_space<vmem>>)
        tpu.yield
      }) : () -> ()
      %dma_wait3A = arith.constant 0 : i32
      %dma_wait3A_73 = arith.constant 0 : i32
      %dma_wait3A_74 = tpu.memref_slice %arg14[%dma_wait3A, %dma_wait3A_73] : memref<10112x32xf32, #tpu.memory_space<vmem_shared>> -> memref<10112x32xf32, #tpu.memory_space<vmem_shared>>
      tpu.wait_indirect_dma semaphore(%arg16 : memref<!tpu.dma_semaphore, #tpu.memory_space<semaphore_mem>>) src(%dma_wait3A_74 : memref<10112x32xf32, #tpu.memory_space<vmem_shared>>) dst(%arg12 : memref<1000x32xf32, #tpu.memory_space<vmem>>)
      %dma_start3A_75 = arith.constant 0 : i32
      %dma_start3A_76 = arith.constant 0 : i32
      %dma_start3A_77 = tpu.memref_slice %arg14[%dma_start3A_75, %dma_start3A_76] : memref<10112x32xf32, #tpu.memory_space<vmem_shared>> -> memref<10112x32xf32, #tpu.memory_space<vmem_shared>>
      tpu.enqueue_indirect_dma source(%dma_start3A_77 : memref<10112x32xf32, #tpu.memory_space<vmem_shared>>) target(%arg13 : memref<1000x32xf32, #tpu.memory_space<vmem>>) offsets(%arg10 : memref<1000xi32, #tpu.memory_space<vmem>>) semaphore(%arg17 : memref<!tpu.dma_semaphore, #tpu.memory_space<semaphore_mem>>)
      "tpu.region"() ({
        %run_scoped3A_85 = tpu.sem_alloc : memref<!tpu.dma_semaphore, #tpu.memory_space<semaphore_mem>>
        %dma_start3A_86 = arith.constant 0 : i32
        %dma_start3A_87 = arith.constant 0 : i32
        %dma_start3A_88 = tpu.memref_slice %arg15[%dma_start3A_86, %dma_start3A_87] : memref<10112x32xf32, #tpu.memory_space<vmem_shared>> -> memref<10112x32xf32, #tpu.memory_space<vmem_shared>>
        tpu.enqueue_indirect_dma source(%arg12 : memref<1000x32xf32, #tpu.memory_space<vmem>>) target(%dma_start3A_88 : memref<10112x32xf32, #tpu.memory_space<vmem_shared>>) offsets(%arg9 : memref<1000xi32, #tpu.memory_space<vmem>>) semaphore(%run_scoped3A_85 : memref<!tpu.dma_semaphore, #tpu.memory_space<semaphore_mem>>) {add = true}
        %dma_wait3A_89 = arith.constant 0 : i32
        %dma_wait3A_90 = arith.constant 0 : i32
        %dma_wait3A_91 = tpu.memref_slice %arg15[%dma_wait3A_89, %dma_wait3A_90] : memref<10112x32xf32, #tpu.memory_space<vmem_shared>> -> memref<10112x32xf32, #tpu.memory_space<vmem_shared>>
        tpu.wait_indirect_dma semaphore(%run_scoped3A_85 : memref<!tpu.dma_semaphore, #tpu.memory_space<semaphore_mem>>) src(%arg12 : memref<1000x32xf32, #tpu.memory_space<vmem>>) dst(%dma_wait3A_91 : memref<10112x32xf32, #tpu.memory_space<vmem_shared>>)
        tpu.yield
      }) : () -> ()
      %lt3A = arith.constant 9 : i32
      %lt3A_78 = arith.cmpi slt, %add3A_60, %lt3A : i32
      %convert_element_type3A_79 = arith.extui %lt3A_78 : i1 to i32
      %cond3A_80 = arith.constant 0 : i32
      %cond3A_81 = arith.cmpi ne, %convert_element_type3A_79, %cond3A_80 : i32
      scf.if %cond3A_81 {
        %mul3A_85 = arith.constant 2 : i32
        %mul3A_86 = arith.muli %mul3A_85, %add3A_60 : i32
        %add3A_87 = arith.constant 2 : i32
        %add3A_88 = arith.addi %mul3A_86, %add3A_87 : i32
        %mul3A_89 = arith.constant 1000 : i32
        %mul3A_90 = arith.muli %add3A_88, %mul3A_89 : i32
        %add3A_91 = arith.addi %mul3A_4, %mul3A_90 : i32
        %run_scoped3A_92 = arith.constant 0 : i32
        "tpu.region"() ({
          %run_scoped3A_100 = tpu.sem_alloc : memref<!tpu.dma_semaphore, #tpu.memory_space<semaphore_mem>>
          %dma_start3A_101 = tpu.memref_slice %arg2[%run_scoped3A_92, %add3A_91] : memref<2x320000xi32, #tpu.memory_space<hbm>> -> memref<1x1000xi32, #tpu.memory_space<hbm>>
          %dma_start3A_102 = tpu.memref_squeeze %dma_start3A_101 : memref<1x1000xi32, #tpu.memory_space<hbm>> -> memref<1000xi32, #tpu.memory_space<hbm>>
          %dma_start3A_103 = tpu.memref_slice %arg2[%run_scoped3A_92, %add3A_91] : memref<2x320000xi32, #tpu.memory_space<hbm>> -> memref<1x1000xi32, #tpu.memory_space<hbm>>
          %dma_start3A_104 = tpu.memref_squeeze %dma_start3A_103 : memref<1x1000xi32, #tpu.memory_space<hbm>> -> memref<1000xi32, #tpu.memory_space<hbm>>
          tpu.enqueue_dma source(%dma_start3A_104 : memref<1000xi32, #tpu.memory_space<hbm>>) target(%arg8 : memref<1000xi32, #tpu.memory_space<vmem>>) target_semaphore(%run_scoped3A_100 : memref<!tpu.dma_semaphore, #tpu.memory_space<semaphore_mem>>)
          %dma_wait3A_105 = tpu.memref_slice %arg2[%run_scoped3A_92, %add3A_91] : memref<2x320000xi32, #tpu.memory_space<hbm>> -> memref<1x1000xi32, #tpu.memory_space<hbm>>
          %dma_wait3A_106 = tpu.memref_squeeze %dma_wait3A_105 : memref<1x1000xi32, #tpu.memory_space<hbm>> -> memref<1000xi32, #tpu.memory_space<hbm>>
          %dma_wait3A_107 = tpu.memref_slice %arg2[%run_scoped3A_92, %add3A_91] : memref<2x320000xi32, #tpu.memory_space<hbm>> -> memref<1x1000xi32, #tpu.memory_space<hbm>>
          %dma_wait3A_108 = tpu.memref_squeeze %dma_wait3A_107 : memref<1x1000xi32, #tpu.memory_space<hbm>> -> memref<1000xi32, #tpu.memory_space<hbm>>
          tpu.wait_dma2 semaphore(%run_scoped3A_100 : memref<!tpu.dma_semaphore, #tpu.memory_space<semaphore_mem>>) src(%dma_wait3A_108 : memref<1000xi32, #tpu.memory_space<hbm>>) dst(%arg8 : memref<1000xi32, #tpu.memory_space<vmem>>)
          tpu.yield
        }) : () -> ()
        %mul3A_93 = arith.constant 1000 : i32
        %mul3A_94 = arith.muli %add3A_88, %mul3A_93 : i32
        %add3A_95 = arith.addi %mul3A_4, %mul3A_94 : i32
        %run_scoped3A_96 = arith.constant 1 : i32
        "tpu.region"() ({
          %run_scoped3A_100 = tpu.sem_alloc : memref<!tpu.dma_semaphore, #tpu.memory_space<semaphore_mem>>
          %dma_start3A_101 = tpu.memref_slice %arg2[%run_scoped3A_96, %add3A_95] : memref<2x320000xi32, #tpu.memory_space<hbm>> -> memref<1x1000xi32, #tpu.memory_space<hbm>>
          %dma_start3A_102 = tpu.memref_squeeze %dma_start3A_101 : memref<1x1000xi32, #tpu.memory_space<hbm>> -> memref<1000xi32, #tpu.memory_space<hbm>>
          %dma_start3A_103 = tpu.memref_slice %arg2[%run_scoped3A_96, %add3A_95] : memref<2x320000xi32, #tpu.memory_space<hbm>> -> memref<1x1000xi32, #tpu.memory_space<hbm>>
          %dma_start3A_104 = tpu.memref_squeeze %dma_start3A_103 : memref<1x1000xi32, #tpu.memory_space<hbm>> -> memref<1000xi32, #tpu.memory_space<hbm>>
          tpu.enqueue_dma source(%dma_start3A_104 : memref<1000xi32, #tpu.memory_space<hbm>>) target(%arg9 : memref<1000xi32, #tpu.memory_space<vmem>>) target_semaphore(%run_scoped3A_100 : memref<!tpu.dma_semaphore, #tpu.memory_space<semaphore_mem>>)
          %dma_wait3A_105 = tpu.memref_slice %arg2[%run_scoped3A_96, %add3A_95] : memref<2x320000xi32, #tpu.memory_space<hbm>> -> memref<1x1000xi32, #tpu.memory_space<hbm>>
          %dma_wait3A_106 = tpu.memref_squeeze %dma_wait3A_105 : memref<1x1000xi32, #tpu.memory_space<hbm>> -> memref<1000xi32, #tpu.memory_space<hbm>>
          %dma_wait3A_107 = tpu.memref_slice %arg2[%run_scoped3A_96, %add3A_95] : memref<2x320000xi32, #tpu.memory_space<hbm>> -> memref<1x1000xi32, #tpu.memory_space<hbm>>
          %dma_wait3A_108 = tpu.memref_squeeze %dma_wait3A_107 : memref<1x1000xi32, #tpu.memory_space<hbm>> -> memref<1000xi32, #tpu.memory_space<hbm>>
          tpu.wait_dma2 semaphore(%run_scoped3A_100 : memref<!tpu.dma_semaphore, #tpu.memory_space<semaphore_mem>>) src(%dma_wait3A_108 : memref<1000xi32, #tpu.memory_space<hbm>>) dst(%arg9 : memref<1000xi32, #tpu.memory_space<vmem>>)
          tpu.yield
        }) : () -> ()
        %dma_start3A_97 = arith.constant 0 : i32
        %dma_start3A_98 = arith.constant 0 : i32
        %dma_start3A_99 = tpu.memref_slice %arg14[%dma_start3A_97, %dma_start3A_98] : memref<10112x32xf32, #tpu.memory_space<vmem_shared>> -> memref<10112x32xf32, #tpu.memory_space<vmem_shared>>
        tpu.enqueue_indirect_dma source(%dma_start3A_99 : memref<10112x32xf32, #tpu.memory_space<vmem_shared>>) target(%arg12 : memref<1000x32xf32, #tpu.memory_space<vmem>>) offsets(%arg8 : memref<1000xi32, #tpu.memory_space<vmem>>) semaphore(%arg16 : memref<!tpu.dma_semaphore, #tpu.memory_space<semaphore_mem>>)
      } else {
      }
      %dma_wait3A_82 = arith.constant 0 : i32
      %dma_wait3A_83 = arith.constant 0 : i32
      %dma_wait3A_84 = tpu.memref_slice %arg14[%dma_wait3A_82, %dma_wait3A_83] : memref<10112x32xf32, #tpu.memory_space<vmem_shared>> -> memref<10112x32xf32, #tpu.memory_space<vmem_shared>>
      tpu.wait_indirect_dma semaphore(%arg17 : memref<!tpu.dma_semaphore, #tpu.memory_space<semaphore_mem>>) src(%dma_wait3A_84 : memref<10112x32xf32, #tpu.memory_space<vmem_shared>>) dst(%arg13 : memref<1000x32xf32, #tpu.memory_space<vmem>>)
      "tpu.region"() ({
        %run_scoped3A_85 = tpu.sem_alloc : memref<!tpu.dma_semaphore, #tpu.memory_space<semaphore_mem>>
        %dma_start3A_86 = arith.constant 0 : i32
        %dma_start3A_87 = arith.constant 0 : i32
        %dma_start3A_88 = tpu.memref_slice %arg15[%dma_start3A_86, %dma_start3A_87] : memref<10112x32xf32, #tpu.memory_space<vmem_shared>> -> memref<10112x32xf32, #tpu.memory_space<vmem_shared>>
        tpu.enqueue_indirect_dma source(%arg13 : memref<1000x32xf32, #tpu.memory_space<vmem>>) target(%dma_start3A_88 : memref<10112x32xf32, #tpu.memory_space<vmem_shared>>) offsets(%arg11 : memref<1000xi32, #tpu.memory_space<vmem>>) semaphore(%run_scoped3A_85 : memref<!tpu.dma_semaphore, #tpu.memory_space<semaphore_mem>>) {add = true}
        %dma_wait3A_89 = arith.constant 0 : i32
        %dma_wait3A_90 = arith.constant 0 : i32
        %dma_wait3A_91 = tpu.memref_slice %arg15[%dma_wait3A_89, %dma_wait3A_90] : memref<10112x32xf32, #tpu.memory_space<vmem_shared>> -> memref<10112x32xf32, #tpu.memory_space<vmem_shared>>
        tpu.wait_indirect_dma semaphore(%run_scoped3A_85 : memref<!tpu.dma_semaphore, #tpu.memory_space<semaphore_mem>>) src(%arg13 : memref<1000x32xf32, #tpu.memory_space<vmem>>) dst(%dma_wait3A_91 : memref<10112x32xf32, #tpu.memory_space<vmem_shared>>)
        tpu.yield
      }) : () -> ()
    }
    %scan3A_20 = arith.constant 10 : i32
    %barrier3A_21 = arith.constant 0 : index
    tpu.barrier barrier_id(%barrier3A_21)
    %mul3A_22 = arith.constant 2 : i32
    %mul3A_23 = arith.muli %arg0, %mul3A_22 : i32
    %add3A_24 = arith.constant 0 : i32
    %add3A_25 = arith.addi %mul3A_23, %add3A_24 : i32
    "tpu.region"() ({
      %run_scoped3A_56 = tpu.sem_alloc : memref<!tpu.dma_semaphore, #tpu.memory_space<semaphore_mem>>
      %dma_start3A_57 = arith.constant 0 : i32
      %dma_start3A_58 = tpu.memref_slice %arg7[%add3A_25, %mul3A_0, %dma_start3A_57] : memref<4x10112x32xf32, #tpu.memory_space<hbm>> -> memref<1x632x32xf32, #tpu.memory_space<hbm>>
      %dma_start3A_59 = tpu.memref_squeeze %dma_start3A_58 : memref<1x632x32xf32, #tpu.memory_space<hbm>> -> memref<632x32xf32, #tpu.memory_space<hbm>>
      %dma_start3A_60 = arith.constant 0 : i32
      %dma_start3A_61 = tpu.memref_slice %arg15[%mul3A_0, %dma_start3A_60] : memref<10112x32xf32, #tpu.memory_space<vmem_shared>> -> memref<632x32xf32, #tpu.memory_space<vmem_shared>>
      tpu.enqueue_dma source(%dma_start3A_61 : memref<632x32xf32, #tpu.memory_space<vmem_shared>>) target(%dma_start3A_59 : memref<632x32xf32, #tpu.memory_space<hbm>>) target_semaphore(%run_scoped3A_56 : memref<!tpu.dma_semaphore, #tpu.memory_space<semaphore_mem>>)
      %dma_wait3A = arith.constant 0 : i32
      %dma_wait3A_62 = tpu.memref_slice %arg7[%add3A_25, %mul3A_0, %dma_wait3A] : memref<4x10112x32xf32, #tpu.memory_space<hbm>> -> memref<1x632x32xf32, #tpu.memory_space<hbm>>
      %dma_wait3A_63 = tpu.memref_squeeze %dma_wait3A_62 : memref<1x632x32xf32, #tpu.memory_space<hbm>> -> memref<632x32xf32, #tpu.memory_space<hbm>>
      %dma_wait3A_64 = arith.constant 0 : i32
      %dma_wait3A_65 = tpu.memref_slice %arg15[%mul3A_0, %dma_wait3A_64] : memref<10112x32xf32, #tpu.memory_space<vmem_shared>> -> memref<632x32xf32, #tpu.memory_space<vmem_shared>>
      tpu.wait_dma2 semaphore(%run_scoped3A_56 : memref<!tpu.dma_semaphore, #tpu.memory_space<semaphore_mem>>) src(%dma_wait3A_65 : memref<632x32xf32, #tpu.memory_space<vmem_shared>>) dst(%dma_wait3A_63 : memref<632x32xf32, #tpu.memory_space<hbm>>)
      tpu.yield
    }) : () -> ()
    %eq3A_26 = arith.constant 0 : i32
    %eq3A_27 = arith.cmpi eq, %arg0, %eq3A_26 : i32
    %convert_element_type3A_28 = arith.extui %eq3A_27 : i1 to i32
    %cond3A_29 = arith.constant 0 : i32
    %cond3A_30 = arith.cmpi ne, %convert_element_type3A_28, %cond3A_29 : i32
    scf.if %cond3A_30 {
      "tpu.region"() ({
        %run_scoped3A_56 = tpu.sem_alloc : memref<!tpu.dma_semaphore, #tpu.memory_space<semaphore_mem>>
        %dma_start3A_57 = arith.constant 0 : i32
        %dma_start3A_58 = tpu.memref_slice %arg14[%mul3A_0, %dma_start3A_57] : memref<10112x32xf32, #tpu.memory_space<vmem_shared>> -> memref<632x32xf32, #tpu.memory_space<vmem_shared>>
        %dma_start3A_59 = arith.constant 0 : i32
        %dma_start3A_60 = tpu.memref_slice %arg4[%mul3A_0, %dma_start3A_59] : memref<10112x32xf32, #tpu.memory_space<hbm>> -> memref<632x32xf32, #tpu.memory_space<hbm>>
        tpu.enqueue_dma source(%dma_start3A_60 : memref<632x32xf32, #tpu.memory_space<hbm>>) target(%dma_start3A_58 : memref<632x32xf32, #tpu.memory_space<vmem_shared>>) target_semaphore(%run_scoped3A_56 : memref<!tpu.dma_semaphore, #tpu.memory_space<semaphore_mem>>)
        %dma_wait3A = arith.constant 0 : i32
        %dma_wait3A_61 = tpu.memref_slice %arg14[%mul3A_0, %dma_wait3A] : memref<10112x32xf32, #tpu.memory_space<vmem_shared>> -> memref<632x32xf32, #tpu.memory_space<vmem_shared>>
        %dma_wait3A_62 = arith.constant 0 : i32
        %dma_wait3A_63 = tpu.memref_slice %arg4[%mul3A_0, %dma_wait3A_62] : memref<10112x32xf32, #tpu.memory_space<hbm>> -> memref<632x32xf32, #tpu.memory_space<hbm>>
        tpu.wait_dma2 semaphore(%run_scoped3A_56 : memref<!tpu.dma_semaphore, #tpu.memory_space<semaphore_mem>>) src(%dma_wait3A_63 : memref<632x32xf32, #tpu.memory_space<hbm>>) dst(%dma_wait3A_61 : memref<632x32xf32, #tpu.memory_space<vmem_shared>>)
        tpu.yield
      }) : () -> ()
      "tpu.region"() ({
        %run_scoped3A_56 = tpu.sem_alloc : memref<!tpu.dma_semaphore, #tpu.memory_space<semaphore_mem>>
        %dma_start3A_57 = arith.constant 0 : i32
        %dma_start3A_58 = tpu.memref_slice %arg15[%mul3A_0, %dma_start3A_57] : memref<10112x32xf32, #tpu.memory_space<vmem_shared>> -> memref<632x32xf32, #tpu.memory_space<vmem_shared>>
        %dma_start3A_59 = arith.constant 0 : i32
        %dma_start3A_60 = tpu.memref_slice %arg4[%mul3A_0, %dma_start3A_59] : memref<10112x32xf32, #tpu.memory_space<hbm>> -> memref<632x32xf32, #tpu.memory_space<hbm>>
        tpu.enqueue_dma source(%dma_start3A_60 : memref<632x32xf32, #tpu.memory_space<hbm>>) target(%dma_start3A_58 : memref<632x32xf32, #tpu.memory_space<vmem_shared>>) target_semaphore(%run_scoped3A_56 : memref<!tpu.dma_semaphore, #tpu.memory_space<semaphore_mem>>)
        %dma_wait3A = arith.constant 0 : i32
        %dma_wait3A_61 = tpu.memref_slice %arg15[%mul3A_0, %dma_wait3A] : memref<10112x32xf32, #tpu.memory_space<vmem_shared>> -> memref<632x32xf32, #tpu.memory_space<vmem_shared>>
        %dma_wait3A_62 = arith.constant 0 : i32
        %dma_wait3A_63 = tpu.memref_slice %arg4[%mul3A_0, %dma_wait3A_62] : memref<10112x32xf32, #tpu.memory_space<hbm>> -> memref<632x32xf32, #tpu.memory_space<hbm>>
        tpu.wait_dma2 semaphore(%run_scoped3A_56 : memref<!tpu.dma_semaphore, #tpu.memory_space<semaphore_mem>>) src(%dma_wait3A_63 : memref<632x32xf32, #tpu.memory_space<hbm>>) dst(%dma_wait3A_61 : memref<632x32xf32, #tpu.memory_space<vmem_shared>>)
        tpu.yield
      }) : () -> ()
    } else {
    }
    %ne3A_31 = arith.constant 0 : i32
    %ne3A_32 = arith.cmpi ne, %arg0, %ne3A_31 : i32
    %convert_element_type3A_33 = arith.extui %ne3A_32 : i1 to i32
    %cond3A_34 = arith.constant 0 : i32
    %cond3A_35 = arith.cmpi ne, %convert_element_type3A_33, %cond3A_34 : i32
    scf.if %cond3A_35 {
      "tpu.region"() ({
        %run_scoped3A_56 = tpu.sem_alloc : memref<!tpu.dma_semaphore, #tpu.memory_space<semaphore_mem>>
        %dma_start3A_57 = arith.constant 0 : i32
        %dma_start3A_58 = tpu.memref_slice %arg14[%mul3A_0, %dma_start3A_57] : memref<10112x32xf32, #tpu.memory_space<vmem_shared>> -> memref<632x32xf32, #tpu.memory_space<vmem_shared>>
        %dma_start3A_59 = arith.constant 0 : i32
        %dma_start3A_60 = tpu.memref_slice %arg6[%mul3A_0, %dma_start3A_59] : memref<10112x32xf32, #tpu.memory_space<hbm>> -> memref<632x32xf32, #tpu.memory_space<hbm>>
        tpu.enqueue_dma source(%dma_start3A_60 : memref<632x32xf32, #tpu.memory_space<hbm>>) target(%dma_start3A_58 : memref<632x32xf32, #tpu.memory_space<vmem_shared>>) target_semaphore(%run_scoped3A_56 : memref<!tpu.dma_semaphore, #tpu.memory_space<semaphore_mem>>)
        %dma_wait3A = arith.constant 0 : i32
        %dma_wait3A_61 = tpu.memref_slice %arg14[%mul3A_0, %dma_wait3A] : memref<10112x32xf32, #tpu.memory_space<vmem_shared>> -> memref<632x32xf32, #tpu.memory_space<vmem_shared>>
        %dma_wait3A_62 = arith.constant 0 : i32
        %dma_wait3A_63 = tpu.memref_slice %arg6[%mul3A_0, %dma_wait3A_62] : memref<10112x32xf32, #tpu.memory_space<hbm>> -> memref<632x32xf32, #tpu.memory_space<hbm>>
        tpu.wait_dma2 semaphore(%run_scoped3A_56 : memref<!tpu.dma_semaphore, #tpu.memory_space<semaphore_mem>>) src(%dma_wait3A_63 : memref<632x32xf32, #tpu.memory_space<hbm>>) dst(%dma_wait3A_61 : memref<632x32xf32, #tpu.memory_space<vmem_shared>>)
        tpu.yield
      }) : () -> ()
      "tpu.region"() ({
        %run_scoped3A_56 = tpu.sem_alloc : memref<!tpu.dma_semaphore, #tpu.memory_space<semaphore_mem>>
        %dma_start3A_57 = arith.constant 0 : i32
        %dma_start3A_58 = tpu.memref_slice %arg15[%mul3A_0, %dma_start3A_57] : memref<10112x32xf32, #tpu.memory_space<vmem_shared>> -> memref<632x32xf32, #tpu.memory_space<vmem_shared>>
        %dma_start3A_59 = arith.constant 0 : i32
        %dma_start3A_60 = tpu.memref_slice %arg6[%mul3A_0, %dma_start3A_59] : memref<10112x32xf32, #tpu.memory_space<hbm>> -> memref<632x32xf32, #tpu.memory_space<hbm>>
        tpu.enqueue_dma source(%dma_start3A_60 : memref<632x32xf32, #tpu.memory_space<hbm>>) target(%dma_start3A_58 : memref<632x32xf32, #tpu.memory_space<vmem_shared>>) target_semaphore(%run_scoped3A_56 : memref<!tpu.dma_semaphore, #tpu.memory_space<semaphore_mem>>)
        %dma_wait3A = arith.constant 0 : i32
        %dma_wait3A_61 = tpu.memref_slice %arg15[%mul3A_0, %dma_wait3A] : memref<10112x32xf32, #tpu.memory_space<vmem_shared>> -> memref<632x32xf32, #tpu.memory_space<vmem_shared>>
        %dma_wait3A_62 = arith.constant 0 : i32
        %dma_wait3A_63 = tpu.memref_slice %arg6[%mul3A_0, %dma_wait3A_62] : memref<10112x32xf32, #tpu.memory_space<hbm>> -> memref<632x32xf32, #tpu.memory_space<hbm>>
        tpu.wait_dma2 semaphore(%run_scoped3A_56 : memref<!tpu.dma_semaphore, #tpu.memory_space<semaphore_mem>>) src(%dma_wait3A_63 : memref<632x32xf32, #tpu.memory_space<hbm>>) dst(%dma_wait3A_61 : memref<632x32xf32, #tpu.memory_space<vmem_shared>>)
        tpu.yield
      }) : () -> ()
    } else {
    }
    %barrier3A_36 = arith.constant 0 : index
    tpu.barrier barrier_id(%barrier3A_36)
    %add3A_37 = arith.constant 0 : i32
    %add3A_38 = arith.addi %mul3A_4, %add3A_37 : i32
    %run_scoped3A_39 = arith.constant 0 : i32
    "tpu.region"() ({
      %run_scoped3A_56 = tpu.sem_alloc : memref<!tpu.dma_semaphore, #tpu.memory_space<semaphore_mem>>
      %dma_start3A_57 = tpu.memref_slice %arg2[%run_scoped3A_39, %add3A_38] : memref<2x320000xi32, #tpu.memory_space<hbm>> -> memref<1x1000xi32, #tpu.memory_space<hbm>>
      %dma_start3A_58 = tpu.memref_squeeze %dma_start3A_57 : memref<1x1000xi32, #tpu.memory_space<hbm>> -> memref<1000xi32, #tpu.memory_space<hbm>>
      %dma_start3A_59 = tpu.memref_slice %arg2[%run_scoped3A_39, %add3A_38] : memref<2x320000xi32, #tpu.memory_space<hbm>> -> memref<1x1000xi32, #tpu.memory_space<hbm>>
      %dma_start3A_60 = tpu.memref_squeeze %dma_start3A_59 : memref<1x1000xi32, #tpu.memory_space<hbm>> -> memref<1000xi32, #tpu.memory_space<hbm>>
      tpu.enqueue_dma source(%dma_start3A_60 : memref<1000xi32, #tpu.memory_space<hbm>>) target(%arg8 : memref<1000xi32, #tpu.memory_space<vmem>>) target_semaphore(%run_scoped3A_56 : memref<!tpu.dma_semaphore, #tpu.memory_space<semaphore_mem>>)
      %dma_wait3A = tpu.memref_slice %arg2[%run_scoped3A_39, %add3A_38] : memref<2x320000xi32, #tpu.memory_space<hbm>> -> memref<1x1000xi32, #tpu.memory_space<hbm>>
      %dma_wait3A_61 = tpu.memref_squeeze %dma_wait3A : memref<1x1000xi32, #tpu.memory_space<hbm>> -> memref<1000xi32, #tpu.memory_space<hbm>>
      %dma_wait3A_62 = tpu.memref_slice %arg2[%run_scoped3A_39, %add3A_38] : memref<2x320000xi32, #tpu.memory_space<hbm>> -> memref<1x1000xi32, #tpu.memory_space<hbm>>
      %dma_wait3A_63 = tpu.memref_squeeze %dma_wait3A_62 : memref<1x1000xi32, #tpu.memory_space<hbm>> -> memref<1000xi32, #tpu.memory_space<hbm>>
      tpu.wait_dma2 semaphore(%run_scoped3A_56 : memref<!tpu.dma_semaphore, #tpu.memory_space<semaphore_mem>>) src(%dma_wait3A_63 : memref<1000xi32, #tpu.memory_space<hbm>>) dst(%arg8 : memref<1000xi32, #tpu.memory_space<vmem>>)
      tpu.yield
    }) : () -> ()
    %add3A_40 = arith.constant 0 : i32
    %add3A_41 = arith.addi %mul3A_4, %add3A_40 : i32
    %run_scoped3A_42 = arith.constant 1 : i32
    "tpu.region"() ({
      %run_scoped3A_56 = tpu.sem_alloc : memref<!tpu.dma_semaphore, #tpu.memory_space<semaphore_mem>>
      %dma_start3A_57 = tpu.memref_slice %arg2[%run_scoped3A_42, %add3A_41] : memref<2x320000xi32, #tpu.memory_space<hbm>> -> memref<1x1000xi32, #tpu.memory_space<hbm>>
      %dma_start3A_58 = tpu.memref_squeeze %dma_start3A_57 : memref<1x1000xi32, #tpu.memory_space<hbm>> -> memref<1000xi32, #tpu.memory_space<hbm>>
      %dma_start3A_59 = tpu.memref_slice %arg2[%run_scoped3A_42, %add3A_41] : memref<2x320000xi32, #tpu.memory_space<hbm>> -> memref<1x1000xi32, #tpu.memory_space<hbm>>
      %dma_start3A_60 = tpu.memref_squeeze %dma_start3A_59 : memref<1x1000xi32, #tpu.memory_space<hbm>> -> memref<1000xi32, #tpu.memory_space<hbm>>
      tpu.enqueue_dma source(%dma_start3A_60 : memref<1000xi32, #tpu.memory_space<hbm>>) target(%arg9 : memref<1000xi32, #tpu.memory_space<vmem>>) target_semaphore(%run_scoped3A_56 : memref<!tpu.dma_semaphore, #tpu.memory_space<semaphore_mem>>)
      %dma_wait3A = tpu.memref_slice %arg2[%run_scoped3A_42, %add3A_41] : memref<2x320000xi32, #tpu.memory_space<hbm>> -> memref<1x1000xi32, #tpu.memory_space<hbm>>
      %dma_wait3A_61 = tpu.memref_squeeze %dma_wait3A : memref<1x1000xi32, #tpu.memory_space<hbm>> -> memref<1000xi32, #tpu.memory_space<hbm>>
      %dma_wait3A_62 = tpu.memref_slice %arg2[%run_scoped3A_42, %add3A_41] : memref<2x320000xi32, #tpu.memory_space<hbm>> -> memref<1x1000xi32, #tpu.memory_space<hbm>>
      %dma_wait3A_63 = tpu.memref_squeeze %dma_wait3A_62 : memref<1x1000xi32, #tpu.memory_space<hbm>> -> memref<1000xi32, #tpu.memory_space<hbm>>
      tpu.wait_dma2 semaphore(%run_scoped3A_56 : memref<!tpu.dma_semaphore, #tpu.memory_space<semaphore_mem>>) src(%dma_wait3A_63 : memref<1000xi32, #tpu.memory_space<hbm>>) dst(%arg9 : memref<1000xi32, #tpu.memory_space<vmem>>)
      tpu.yield
    }) : () -> ()
    %dma_start3A_43 = arith.constant 0 : i32
    %dma_start3A_44 = arith.constant 0 : i32
    %dma_start3A_45 = tpu.memref_slice %arg14[%dma_start3A_43, %dma_start3A_44] : memref<10112x32xf32, #tpu.memory_space<vmem_shared>> -> memref<10112x32xf32, #tpu.memory_space<vmem_shared>>
    tpu.enqueue_indirect_dma source(%dma_start3A_45 : memref<10112x32xf32, #tpu.memory_space<vmem_shared>>) target(%arg12 : memref<1000x32xf32, #tpu.memory_space<vmem>>) offsets(%arg8 : memref<1000xi32, #tpu.memory_space<vmem>>) semaphore(%arg16 : memref<!tpu.dma_semaphore, #tpu.memory_space<semaphore_mem>>)
    %scan3A_46 = arith.constant 0 : i32
    %scan3A_47 = arith.constant 10 : i32
    %scan3A_48 = arith.addi %scan3A_46, %scan3A_47 : i32
    %scan3A_49 = arith.constant 1 : i32
    scf.for %scan3A_56 = %scan3A_46 to %scan3A_48 step %scan3A_49  : i32 {
      %mul3A_57 = arith.constant 1 : i32
      %mul3A_58 = arith.muli %scan3A_56, %mul3A_57 : i32
      %add3A_59 = arith.constant 0 : i32
      %add3A_60 = arith.addi %add3A_59, %mul3A_58 : i32
      %mul3A_61 = arith.constant 2 : i32
      %mul3A_62 = arith.muli %mul3A_61, %add3A_60 : i32
      %add3A_63 = arith.constant 1 : i32
      %add3A_64 = arith.addi %mul3A_62, %add3A_63 : i32
      %mul3A_65 = arith.constant 1000 : i32
      %mul3A_66 = arith.muli %add3A_64, %mul3A_65 : i32
      %add3A_67 = arith.addi %mul3A_4, %mul3A_66 : i32
      %run_scoped3A_68 = arith.constant 0 : i32
      "tpu.region"() ({
        %run_scoped3A_85 = tpu.sem_alloc : memref<!tpu.dma_semaphore, #tpu.memory_space<semaphore_mem>>
        %dma_start3A_86 = tpu.memref_slice %arg2[%run_scoped3A_68, %add3A_67] : memref<2x320000xi32, #tpu.memory_space<hbm>> -> memref<1x1000xi32, #tpu.memory_space<hbm>>
        %dma_start3A_87 = tpu.memref_squeeze %dma_start3A_86 : memref<1x1000xi32, #tpu.memory_space<hbm>> -> memref<1000xi32, #tpu.memory_space<hbm>>
        %dma_start3A_88 = tpu.memref_slice %arg2[%run_scoped3A_68, %add3A_67] : memref<2x320000xi32, #tpu.memory_space<hbm>> -> memref<1x1000xi32, #tpu.memory_space<hbm>>
        %dma_start3A_89 = tpu.memref_squeeze %dma_start3A_88 : memref<1x1000xi32, #tpu.memory_space<hbm>> -> memref<1000xi32, #tpu.memory_space<hbm>>
        tpu.enqueue_dma source(%dma_start3A_89 : memref<1000xi32, #tpu.memory_space<hbm>>) target(%arg10 : memref<1000xi32, #tpu.memory_space<vmem>>) target_semaphore(%run_scoped3A_85 : memref<!tpu.dma_semaphore, #tpu.memory_space<semaphore_mem>>)
        %dma_wait3A_90 = tpu.memref_slice %arg2[%run_scoped3A_68, %add3A_67] : memref<2x320000xi32, #tpu.memory_space<hbm>> -> memref<1x1000xi32, #tpu.memory_space<hbm>>
        %dma_wait3A_91 = tpu.memref_squeeze %dma_wait3A_90 : memref<1x1000xi32, #tpu.memory_space<hbm>> -> memref<1000xi32, #tpu.memory_space<hbm>>
        %dma_wait3A_92 = tpu.memref_slice %arg2[%run_scoped3A_68, %add3A_67] : memref<2x320000xi32, #tpu.memory_space<hbm>> -> memref<1x1000xi32, #tpu.memory_space<hbm>>
        %dma_wait3A_93 = tpu.memref_squeeze %dma_wait3A_92 : memref<1x1000xi32, #tpu.memory_space<hbm>> -> memref<1000xi32, #tpu.memory_space<hbm>>
        tpu.wait_dma2 semaphore(%run_scoped3A_85 : memref<!tpu.dma_semaphore, #tpu.memory_space<semaphore_mem>>) src(%dma_wait3A_93 : memref<1000xi32, #tpu.memory_space<hbm>>) dst(%arg10 : memref<1000xi32, #tpu.memory_space<vmem>>)
        tpu.yield
      }) : () -> ()
      %mul3A_69 = arith.constant 1000 : i32
      %mul3A_70 = arith.muli %add3A_64, %mul3A_69 : i32
      %add3A_71 = arith.addi %mul3A_4, %mul3A_70 : i32
      %run_scoped3A_72 = arith.constant 1 : i32
      "tpu.region"() ({
        %run_scoped3A_85 = tpu.sem_alloc : memref<!tpu.dma_semaphore, #tpu.memory_space<semaphore_mem>>
        %dma_start3A_86 = tpu.memref_slice %arg2[%run_scoped3A_72, %add3A_71] : memref<2x320000xi32, #tpu.memory_space<hbm>> -> memref<1x1000xi32, #tpu.memory_space<hbm>>
        %dma_start3A_87 = tpu.memref_squeeze %dma_start3A_86 : memref<1x1000xi32, #tpu.memory_space<hbm>> -> memref<1000xi32, #tpu.memory_space<hbm>>
        %dma_start3A_88 = tpu.memref_slice %arg2[%run_scoped3A_72, %add3A_71] : memref<2x320000xi32, #tpu.memory_space<hbm>> -> memref<1x1000xi32, #tpu.memory_space<hbm>>
        %dma_start3A_89 = tpu.memref_squeeze %dma_start3A_88 : memref<1x1000xi32, #tpu.memory_space<hbm>> -> memref<1000xi32, #tpu.memory_space<hbm>>
        tpu.enqueue_dma source(%dma_start3A_89 : memref<1000xi32, #tpu.memory_space<hbm>>) target(%arg11 : memref<1000xi32, #tpu.memory_space<vmem>>) target_semaphore(%run_scoped3A_85 : memref<!tpu.dma_semaphore, #tpu.memory_space<semaphore_mem>>)
        %dma_wait3A_90 = tpu.memref_slice %arg2[%run_scoped3A_72, %add3A_71] : memref<2x320000xi32, #tpu.memory_space<hbm>> -> memref<1x1000xi32, #tpu.memory_space<hbm>>
        %dma_wait3A_91 = tpu.memref_squeeze %dma_wait3A_90 : memref<1x1000xi32, #tpu.memory_space<hbm>> -> memref<1000xi32, #tpu.memory_space<hbm>>
        %dma_wait3A_92 = tpu.memref_slice %arg2[%run_scoped3A_72, %add3A_71] : memref<2x320000xi32, #tpu.memory_space<hbm>> -> memref<1x1000xi32, #tpu.memory_space<hbm>>
        %dma_wait3A_93 = tpu.memref_squeeze %dma_wait3A_92 : memref<1x1000xi32, #tpu.memory_space<hbm>> -> memref<1000xi32, #tpu.memory_space<hbm>>
        tpu.wait_dma2 semaphore(%run_scoped3A_85 : memref<!tpu.dma_semaphore, #tpu.memory_space<semaphore_mem>>) src(%dma_wait3A_93 : memref<1000xi32, #tpu.memory_space<hbm>>) dst(%arg11 : memref<1000xi32, #tpu.memory_space<vmem>>)
        tpu.yield
      }) : () -> ()
      %dma_wait3A = arith.constant 0 : i32
      %dma_wait3A_73 = arith.constant 0 : i32
      %dma_wait3A_74 = tpu.memref_slice %arg14[%dma_wait3A, %dma_wait3A_73] : memref<10112x32xf32, #tpu.memory_space<vmem_shared>> -> memref<10112x32xf32, #tpu.memory_space<vmem_shared>>
      tpu.wait_indirect_dma semaphore(%arg16 : memref<!tpu.dma_semaphore, #tpu.memory_space<semaphore_mem>>) src(%dma_wait3A_74 : memref<10112x32xf32, #tpu.memory_space<vmem_shared>>) dst(%arg12 : memref<1000x32xf32, #tpu.memory_space<vmem>>)
      %dma_start3A_75 = arith.constant 0 : i32
      %dma_start3A_76 = arith.constant 0 : i32
      %dma_start3A_77 = tpu.memref_slice %arg14[%dma_start3A_75, %dma_start3A_76] : memref<10112x32xf32, #tpu.memory_space<vmem_shared>> -> memref<10112x32xf32, #tpu.memory_space<vmem_shared>>
      tpu.enqueue_indirect_dma source(%dma_start3A_77 : memref<10112x32xf32, #tpu.memory_space<vmem_shared>>) target(%arg13 : memref<1000x32xf32, #tpu.memory_space<vmem>>) offsets(%arg10 : memref<1000xi32, #tpu.memory_space<vmem>>) semaphore(%arg17 : memref<!tpu.dma_semaphore, #tpu.memory_space<semaphore_mem>>)
      "tpu.region"() ({
        %run_scoped3A_85 = tpu.sem_alloc : memref<!tpu.dma_semaphore, #tpu.memory_space<semaphore_mem>>
        %dma_start3A_86 = arith.constant 0 : i32
        %dma_start3A_87 = arith.constant 0 : i32
        %dma_start3A_88 = tpu.memref_slice %arg15[%dma_start3A_86, %dma_start3A_87] : memref<10112x32xf32, #tpu.memory_space<vmem_shared>> -> memref<10112x32xf32, #tpu.memory_space<vmem_shared>>
        tpu.enqueue_indirect_dma source(%arg12 : memref<1000x32xf32, #tpu.memory_space<vmem>>) target(%dma_start3A_88 : memref<10112x32xf32, #tpu.memory_space<vmem_shared>>) offsets(%arg9 : memref<1000xi32, #tpu.memory_space<vmem>>) semaphore(%run_scoped3A_85 : memref<!tpu.dma_semaphore, #tpu.memory_space<semaphore_mem>>) {add = true}
        %dma_wait3A_89 = arith.constant 0 : i32
        %dma_wait3A_90 = arith.constant 0 : i32
        %dma_wait3A_91 = tpu.memref_slice %arg15[%dma_wait3A_89, %dma_wait3A_90] : memref<10112x32xf32, #tpu.memory_space<vmem_shared>> -> memref<10112x32xf32, #tpu.memory_space<vmem_shared>>
        tpu.wait_indirect_dma semaphore(%run_scoped3A_85 : memref<!tpu.dma_semaphore, #tpu.memory_space<semaphore_mem>>) src(%arg12 : memref<1000x32xf32, #tpu.memory_space<vmem>>) dst(%dma_wait3A_91 : memref<10112x32xf32, #tpu.memory_space<vmem_shared>>)
        tpu.yield
      }) : () -> ()
      %lt3A = arith.constant 9 : i32
      %lt3A_78 = arith.cmpi slt, %add3A_60, %lt3A : i32
      %convert_element_type3A_79 = arith.extui %lt3A_78 : i1 to i32
      %cond3A_80 = arith.constant 0 : i32
      %cond3A_81 = arith.cmpi ne, %convert_element_type3A_79, %cond3A_80 : i32
      scf.if %cond3A_81 {
        %mul3A_85 = arith.constant 2 : i32
        %mul3A_86 = arith.muli %mul3A_85, %add3A_60 : i32
        %add3A_87 = arith.constant 2 : i32
        %add3A_88 = arith.addi %mul3A_86, %add3A_87 : i32
        %mul3A_89 = arith.constant 1000 : i32
        %mul3A_90 = arith.muli %add3A_88, %mul3A_89 : i32
        %add3A_91 = arith.addi %mul3A_4, %mul3A_90 : i32
        %run_scoped3A_92 = arith.constant 0 : i32
        "tpu.region"() ({
          %run_scoped3A_100 = tpu.sem_alloc : memref<!tpu.dma_semaphore, #tpu.memory_space<semaphore_mem>>
          %dma_start3A_101 = tpu.memref_slice %arg2[%run_scoped3A_92, %add3A_91] : memref<2x320000xi32, #tpu.memory_space<hbm>> -> memref<1x1000xi32, #tpu.memory_space<hbm>>
          %dma_start3A_102 = tpu.memref_squeeze %dma_start3A_101 : memref<1x1000xi32, #tpu.memory_space<hbm>> -> memref<1000xi32, #tpu.memory_space<hbm>>
          %dma_start3A_103 = tpu.memref_slice %arg2[%run_scoped3A_92, %add3A_91] : memref<2x320000xi32, #tpu.memory_space<hbm>> -> memref<1x1000xi32, #tpu.memory_space<hbm>>
          %dma_start3A_104 = tpu.memref_squeeze %dma_start3A_103 : memref<1x1000xi32, #tpu.memory_space<hbm>> -> memref<1000xi32, #tpu.memory_space<hbm>>
          tpu.enqueue_dma source(%dma_start3A_104 : memref<1000xi32, #tpu.memory_space<hbm>>) target(%arg8 : memref<1000xi32, #tpu.memory_space<vmem>>) target_semaphore(%run_scoped3A_100 : memref<!tpu.dma_semaphore, #tpu.memory_space<semaphore_mem>>)
          %dma_wait3A_105 = tpu.memref_slice %arg2[%run_scoped3A_92, %add3A_91] : memref<2x320000xi32, #tpu.memory_space<hbm>> -> memref<1x1000xi32, #tpu.memory_space<hbm>>
          %dma_wait3A_106 = tpu.memref_squeeze %dma_wait3A_105 : memref<1x1000xi32, #tpu.memory_space<hbm>> -> memref<1000xi32, #tpu.memory_space<hbm>>
          %dma_wait3A_107 = tpu.memref_slice %arg2[%run_scoped3A_92, %add3A_91] : memref<2x320000xi32, #tpu.memory_space<hbm>> -> memref<1x1000xi32, #tpu.memory_space<hbm>>
          %dma_wait3A_108 = tpu.memref_squeeze %dma_wait3A_107 : memref<1x1000xi32, #tpu.memory_space<hbm>> -> memref<1000xi32, #tpu.memory_space<hbm>>
          tpu.wait_dma2 semaphore(%run_scoped3A_100 : memref<!tpu.dma_semaphore, #tpu.memory_space<semaphore_mem>>) src(%dma_wait3A_108 : memref<1000xi32, #tpu.memory_space<hbm>>) dst(%arg8 : memref<1000xi32, #tpu.memory_space<vmem>>)
          tpu.yield
        }) : () -> ()
        %mul3A_93 = arith.constant 1000 : i32
        %mul3A_94 = arith.muli %add3A_88, %mul3A_93 : i32
        %add3A_95 = arith.addi %mul3A_4, %mul3A_94 : i32
        %run_scoped3A_96 = arith.constant 1 : i32
        "tpu.region"() ({
          %run_scoped3A_100 = tpu.sem_alloc : memref<!tpu.dma_semaphore, #tpu.memory_space<semaphore_mem>>
          %dma_start3A_101 = tpu.memref_slice %arg2[%run_scoped3A_96, %add3A_95] : memref<2x320000xi32, #tpu.memory_space<hbm>> -> memref<1x1000xi32, #tpu.memory_space<hbm>>
          %dma_start3A_102 = tpu.memref_squeeze %dma_start3A_101 : memref<1x1000xi32, #tpu.memory_space<hbm>> -> memref<1000xi32, #tpu.memory_space<hbm>>
          %dma_start3A_103 = tpu.memref_slice %arg2[%run_scoped3A_96, %add3A_95] : memref<2x320000xi32, #tpu.memory_space<hbm>> -> memref<1x1000xi32, #tpu.memory_space<hbm>>
          %dma_start3A_104 = tpu.memref_squeeze %dma_start3A_103 : memref<1x1000xi32, #tpu.memory_space<hbm>> -> memref<1000xi32, #tpu.memory_space<hbm>>
          tpu.enqueue_dma source(%dma_start3A_104 : memref<1000xi32, #tpu.memory_space<hbm>>) target(%arg9 : memref<1000xi32, #tpu.memory_space<vmem>>) target_semaphore(%run_scoped3A_100 : memref<!tpu.dma_semaphore, #tpu.memory_space<semaphore_mem>>)
          %dma_wait3A_105 = tpu.memref_slice %arg2[%run_scoped3A_96, %add3A_95] : memref<2x320000xi32, #tpu.memory_space<hbm>> -> memref<1x1000xi32, #tpu.memory_space<hbm>>
          %dma_wait3A_106 = tpu.memref_squeeze %dma_wait3A_105 : memref<1x1000xi32, #tpu.memory_space<hbm>> -> memref<1000xi32, #tpu.memory_space<hbm>>
          %dma_wait3A_107 = tpu.memref_slice %arg2[%run_scoped3A_96, %add3A_95] : memref<2x320000xi32, #tpu.memory_space<hbm>> -> memref<1x1000xi32, #tpu.memory_space<hbm>>
          %dma_wait3A_108 = tpu.memref_squeeze %dma_wait3A_107 : memref<1x1000xi32, #tpu.memory_space<hbm>> -> memref<1000xi32, #tpu.memory_space<hbm>>
          tpu.wait_dma2 semaphore(%run_scoped3A_100 : memref<!tpu.dma_semaphore, #tpu.memory_space<semaphore_mem>>) src(%dma_wait3A_108 : memref<1000xi32, #tpu.memory_space<hbm>>) dst(%arg9 : memref<1000xi32, #tpu.memory_space<vmem>>)
          tpu.yield
        }) : () -> ()
        %dma_start3A_97 = arith.constant 0 : i32
        %dma_start3A_98 = arith.constant 0 : i32
        %dma_start3A_99 = tpu.memref_slice %arg14[%dma_start3A_97, %dma_start3A_98] : memref<10112x32xf32, #tpu.memory_space<vmem_shared>> -> memref<10112x32xf32, #tpu.memory_space<vmem_shared>>
        tpu.enqueue_indirect_dma source(%dma_start3A_99 : memref<10112x32xf32, #tpu.memory_space<vmem_shared>>) target(%arg12 : memref<1000x32xf32, #tpu.memory_space<vmem>>) offsets(%arg8 : memref<1000xi32, #tpu.memory_space<vmem>>) semaphore(%arg16 : memref<!tpu.dma_semaphore, #tpu.memory_space<semaphore_mem>>)
      } else {
      }
      %dma_wait3A_82 = arith.constant 0 : i32
      %dma_wait3A_83 = arith.constant 0 : i32
      %dma_wait3A_84 = tpu.memref_slice %arg14[%dma_wait3A_82, %dma_wait3A_83] : memref<10112x32xf32, #tpu.memory_space<vmem_shared>> -> memref<10112x32xf32, #tpu.memory_space<vmem_shared>>
      tpu.wait_indirect_dma semaphore(%arg17 : memref<!tpu.dma_semaphore, #tpu.memory_space<semaphore_mem>>) src(%dma_wait3A_84 : memref<10112x32xf32, #tpu.memory_space<vmem_shared>>) dst(%arg13 : memref<1000x32xf32, #tpu.memory_space<vmem>>)
      "tpu.region"() ({
        %run_scoped3A_85 = tpu.sem_alloc : memref<!tpu.dma_semaphore, #tpu.memory_space<semaphore_mem>>
        %dma_start3A_86 = arith.constant 0 : i32
        %dma_start3A_87 = arith.constant 0 : i32
        %dma_start3A_88 = tpu.memref_slice %arg15[%dma_start3A_86, %dma_start3A_87] : memref<10112x32xf32, #tpu.memory_space<vmem_shared>> -> memref<10112x32xf32, #tpu.memory_space<vmem_shared>>
        tpu.enqueue_indirect_dma source(%arg13 : memref<1000x32xf32, #tpu.memory_space<vmem>>) target(%dma_start3A_88 : memref<10112x32xf32, #tpu.memory_space<vmem_shared>>) offsets(%arg11 : memref<1000xi32, #tpu.memory_space<vmem>>) semaphore(%run_scoped3A_85 : memref<!tpu.dma_semaphore, #tpu.memory_space<semaphore_mem>>) {add = true}
        %dma_wait3A_89 = arith.constant 0 : i32
        %dma_wait3A_90 = arith.constant 0 : i32
        %dma_wait3A_91 = tpu.memref_slice %arg15[%dma_wait3A_89, %dma_wait3A_90] : memref<10112x32xf32, #tpu.memory_space<vmem_shared>> -> memref<10112x32xf32, #tpu.memory_space<vmem_shared>>
        tpu.wait_indirect_dma semaphore(%run_scoped3A_85 : memref<!tpu.dma_semaphore, #tpu.memory_space<semaphore_mem>>) src(%arg13 : memref<1000x32xf32, #tpu.memory_space<vmem>>) dst(%dma_wait3A_91 : memref<10112x32xf32, #tpu.memory_space<vmem_shared>>)
        tpu.yield
      }) : () -> ()
    }
    %scan3A_50 = arith.constant 10 : i32
    %barrier3A_51 = arith.constant 0 : index
    tpu.barrier barrier_id(%barrier3A_51)
    %mul3A_52 = arith.constant 2 : i32
    %mul3A_53 = arith.muli %arg0, %mul3A_52 : i32
    %add3A_54 = arith.constant 1 : i32
    %add3A_55 = arith.addi %mul3A_53, %add3A_54 : i32
    "tpu.region"() ({
      %run_scoped3A_56 = tpu.sem_alloc : memref<!tpu.dma_semaphore, #tpu.memory_space<semaphore_mem>>
      %dma_start3A_57 = arith.constant 0 : i32
      %dma_start3A_58 = tpu.memref_slice %arg7[%add3A_55, %mul3A_0, %dma_start3A_57] : memref<4x10112x32xf32, #tpu.memory_space<hbm>> -> memref<1x632x32xf32, #tpu.memory_space<hbm>>
      %dma_start3A_59 = tpu.memref_squeeze %dma_start3A_58 : memref<1x632x32xf32, #tpu.memory_space<hbm>> -> memref<632x32xf32, #tpu.memory_space<hbm>>
      %dma_start3A_60 = arith.constant 0 : i32
      %dma_start3A_61 = tpu.memref_slice %arg15[%mul3A_0, %dma_start3A_60] : memref<10112x32xf32, #tpu.memory_space<vmem_shared>> -> memref<632x32xf32, #tpu.memory_space<vmem_shared>>
      tpu.enqueue_dma source(%dma_start3A_61 : memref<632x32xf32, #tpu.memory_space<vmem_shared>>) target(%dma_start3A_59 : memref<632x32xf32, #tpu.memory_space<hbm>>) target_semaphore(%run_scoped3A_56 : memref<!tpu.dma_semaphore, #tpu.memory_space<semaphore_mem>>)
      %dma_wait3A = arith.constant 0 : i32
      %dma_wait3A_62 = tpu.memref_slice %arg7[%add3A_55, %mul3A_0, %dma_wait3A] : memref<4x10112x32xf32, #tpu.memory_space<hbm>> -> memref<1x632x32xf32, #tpu.memory_space<hbm>>
      %dma_wait3A_63 = tpu.memref_squeeze %dma_wait3A_62 : memref<1x632x32xf32, #tpu.memory_space<hbm>> -> memref<632x32xf32, #tpu.memory_space<hbm>>
      %dma_wait3A_64 = arith.constant 0 : i32
      %dma_wait3A_65 = tpu.memref_slice %arg15[%mul3A_0, %dma_wait3A_64] : memref<10112x32xf32, #tpu.memory_space<vmem_shared>> -> memref<632x32xf32, #tpu.memory_space<vmem_shared>>
      tpu.wait_dma2 semaphore(%run_scoped3A_56 : memref<!tpu.dma_semaphore, #tpu.memory_space<semaphore_mem>>) src(%dma_wait3A_65 : memref<632x32xf32, #tpu.memory_space<vmem_shared>>) dst(%dma_wait3A_63 : memref<632x32xf32, #tpu.memory_space<hbm>>)
      tpu.yield
    }) : () -> ()
    return
  }
}

#map = affine_map<(d0, d1) -> (0, 0)>
#map1 = affine_map<(d0, d1) -> (0, 0, 0)>
module attributes {stable_mosaic.version = 14 : i64} {
  func.func @body(%arg0: i32, %arg1: i32, %arg2: memref<2x320000xi32, #tpu.memory_space<hbm>>, %arg3: memref<10112x32xf32, #tpu.memory_space<hbm>>, %arg4: memref<10112x32xf32, #tpu.memory_space<hbm>>, %arg5: memref<2x10112x32xf32, #tpu.memory_space<hbm>>, %arg6: memref<1000xi32, #tpu.memory_space<vmem>>, %arg7: memref<1000xi32, #tpu.memory_space<vmem>>, %arg8: memref<1000xi32, #tpu.memory_space<vmem>>, %arg9: memref<1000xi32, #tpu.memory_space<vmem>>, %arg10: memref<1000x32xf32, #tpu.memory_space<vmem>>, %arg11: memref<1000x32xf32, #tpu.memory_space<vmem>>, %arg12: memref<10112x32xf32, #tpu.memory_space<vmem_shared>>, %arg13: memref<10112x32xf32, #tpu.memory_space<vmem_shared>>, %arg14: memref<!tpu.dma_semaphore, #tpu.memory_space<semaphore_mem>>, %arg15: memref<!tpu.dma_semaphore, #tpu.memory_space<semaphore_mem>>) attributes {dimension_semantics = [#tpu.dimension_semantics<core_parallel>, #tpu.dimension_semantics<subcore_parallel>], iteration_bounds = array<i64: 2, 16>, scalar_prefetch = 0 : i64, scratch_operands = 10 : i64, tpu.core_type = #tpu.core_type<sc_vector_subcore>, window_params = [{transform_indices = #map}, {transform_indices = #map}, {transform_indices = #map}, {transform_indices = #map1}]} {
    %mul3A = arith.constant 632 : i32
    %mul3A_0 = arith.muli %arg1, %mul3A : i32
    %mul3A_1 = arith.constant 20 : i32
    %mul3A_2 = arith.muli %arg1, %mul3A_1 : i32
    %mul3A_3 = arith.constant 1000 : i32
    %mul3A_4 = arith.muli %mul3A_2, %mul3A_3 : i32
    %eq3A = arith.constant 0 : i32
    %eq3A_5 = arith.cmpi eq, %arg0, %eq3A : i32
    %convert_element_type3A = arith.extui %eq3A_5 : i1 to i32
    %cond3A = arith.constant 0 : i32
    %cond3A_6 = arith.cmpi ne, %convert_element_type3A, %cond3A : i32
    scf.if %cond3A_6 {
      "tpu.region"() ({
        %run_scoped3A_26 = tpu.sem_alloc : memref<!tpu.dma_semaphore, #tpu.memory_space<semaphore_mem>>
        %dma_start3A_27 = arith.constant 0 : i32
        %dma_start3A_28 = tpu.memref_slice %arg12[%mul3A_0, %dma_start3A_27] : memref<10112x32xf32, #tpu.memory_space<vmem_shared>> -> memref<632x32xf32, #tpu.memory_space<vmem_shared>>
        %dma_start3A_29 = arith.constant 0 : i32
        %dma_start3A_30 = tpu.memref_slice %arg3[%mul3A_0, %dma_start3A_29] : memref<10112x32xf32, #tpu.memory_space<hbm>> -> memref<632x32xf32, #tpu.memory_space<hbm>>
        tpu.enqueue_dma source(%dma_start3A_30 : memref<632x32xf32, #tpu.memory_space<hbm>>) target(%dma_start3A_28 : memref<632x32xf32, #tpu.memory_space<vmem_shared>>) target_semaphore(%run_scoped3A_26 : memref<!tpu.dma_semaphore, #tpu.memory_space<semaphore_mem>>)
        %dma_wait3A = arith.constant 0 : i32
        %dma_wait3A_31 = tpu.memref_slice %arg12[%mul3A_0, %dma_wait3A] : memref<10112x32xf32, #tpu.memory_space<vmem_shared>> -> memref<632x32xf32, #tpu.memory_space<vmem_shared>>
        %dma_wait3A_32 = arith.constant 0 : i32
        %dma_wait3A_33 = tpu.memref_slice %arg3[%mul3A_0, %dma_wait3A_32] : memref<10112x32xf32, #tpu.memory_space<hbm>> -> memref<632x32xf32, #tpu.memory_space<hbm>>
        tpu.wait_dma2 semaphore(%run_scoped3A_26 : memref<!tpu.dma_semaphore, #tpu.memory_space<semaphore_mem>>) src(%dma_wait3A_33 : memref<632x32xf32, #tpu.memory_space<hbm>>) dst(%dma_wait3A_31 : memref<632x32xf32, #tpu.memory_space<vmem_shared>>)
        tpu.yield
      }) : () -> ()
      "tpu.region"() ({
        %run_scoped3A_26 = tpu.sem_alloc : memref<!tpu.dma_semaphore, #tpu.memory_space<semaphore_mem>>
        %dma_start3A_27 = arith.constant 0 : i32
        %dma_start3A_28 = tpu.memref_slice %arg13[%mul3A_0, %dma_start3A_27] : memref<10112x32xf32, #tpu.memory_space<vmem_shared>> -> memref<632x32xf32, #tpu.memory_space<vmem_shared>>
        %dma_start3A_29 = arith.constant 0 : i32
        %dma_start3A_30 = tpu.memref_slice %arg3[%mul3A_0, %dma_start3A_29] : memref<10112x32xf32, #tpu.memory_space<hbm>> -> memref<632x32xf32, #tpu.memory_space<hbm>>
        tpu.enqueue_dma source(%dma_start3A_30 : memref<632x32xf32, #tpu.memory_space<hbm>>) target(%dma_start3A_28 : memref<632x32xf32, #tpu.memory_space<vmem_shared>>) target_semaphore(%run_scoped3A_26 : memref<!tpu.dma_semaphore, #tpu.memory_space<semaphore_mem>>)
        %dma_wait3A = arith.constant 0 : i32
        %dma_wait3A_31 = tpu.memref_slice %arg13[%mul3A_0, %dma_wait3A] : memref<10112x32xf32, #tpu.memory_space<vmem_shared>> -> memref<632x32xf32, #tpu.memory_space<vmem_shared>>
        %dma_wait3A_32 = arith.constant 0 : i32
        %dma_wait3A_33 = tpu.memref_slice %arg3[%mul3A_0, %dma_wait3A_32] : memref<10112x32xf32, #tpu.memory_space<hbm>> -> memref<632x32xf32, #tpu.memory_space<hbm>>
        tpu.wait_dma2 semaphore(%run_scoped3A_26 : memref<!tpu.dma_semaphore, #tpu.memory_space<semaphore_mem>>) src(%dma_wait3A_33 : memref<632x32xf32, #tpu.memory_space<hbm>>) dst(%dma_wait3A_31 : memref<632x32xf32, #tpu.memory_space<vmem_shared>>)
        tpu.yield
      }) : () -> ()
    } else {
    }
    %ne3A = arith.constant 0 : i32
    %ne3A_7 = arith.cmpi ne, %arg0, %ne3A : i32
    %convert_element_type3A_8 = arith.extui %ne3A_7 : i1 to i32
    %cond3A_9 = arith.constant 0 : i32
    %cond3A_10 = arith.cmpi ne, %convert_element_type3A_8, %cond3A_9 : i32
    scf.if %cond3A_10 {
      "tpu.region"() ({
        %run_scoped3A_26 = tpu.sem_alloc : memref<!tpu.dma_semaphore, #tpu.memory_space<semaphore_mem>>
        %dma_start3A_27 = arith.constant 0 : i32
        %dma_start3A_28 = tpu.memref_slice %arg12[%mul3A_0, %dma_start3A_27] : memref<10112x32xf32, #tpu.memory_space<vmem_shared>> -> memref<632x32xf32, #tpu.memory_space<vmem_shared>>
        %dma_start3A_29 = arith.constant 0 : i32
        %dma_start3A_30 = tpu.memref_slice %arg4[%mul3A_0, %dma_start3A_29] : memref<10112x32xf32, #tpu.memory_space<hbm>> -> memref<632x32xf32, #tpu.memory_space<hbm>>
        tpu.enqueue_dma source(%dma_start3A_30 : memref<632x32xf32, #tpu.memory_space<hbm>>) target(%dma_start3A_28 : memref<632x32xf32, #tpu.memory_space<vmem_shared>>) target_semaphore(%run_scoped3A_26 : memref<!tpu.dma_semaphore, #tpu.memory_space<semaphore_mem>>)
        %dma_wait3A = arith.constant 0 : i32
        %dma_wait3A_31 = tpu.memref_slice %arg12[%mul3A_0, %dma_wait3A] : memref<10112x32xf32, #tpu.memory_space<vmem_shared>> -> memref<632x32xf32, #tpu.memory_space<vmem_shared>>
        %dma_wait3A_32 = arith.constant 0 : i32
        %dma_wait3A_33 = tpu.memref_slice %arg4[%mul3A_0, %dma_wait3A_32] : memref<10112x32xf32, #tpu.memory_space<hbm>> -> memref<632x32xf32, #tpu.memory_space<hbm>>
        tpu.wait_dma2 semaphore(%run_scoped3A_26 : memref<!tpu.dma_semaphore, #tpu.memory_space<semaphore_mem>>) src(%dma_wait3A_33 : memref<632x32xf32, #tpu.memory_space<hbm>>) dst(%dma_wait3A_31 : memref<632x32xf32, #tpu.memory_space<vmem_shared>>)
        tpu.yield
      }) : () -> ()
      "tpu.region"() ({
        %run_scoped3A_26 = tpu.sem_alloc : memref<!tpu.dma_semaphore, #tpu.memory_space<semaphore_mem>>
        %dma_start3A_27 = arith.constant 0 : i32
        %dma_start3A_28 = tpu.memref_slice %arg13[%mul3A_0, %dma_start3A_27] : memref<10112x32xf32, #tpu.memory_space<vmem_shared>> -> memref<632x32xf32, #tpu.memory_space<vmem_shared>>
        %dma_start3A_29 = arith.constant 0 : i32
        %dma_start3A_30 = tpu.memref_slice %arg4[%mul3A_0, %dma_start3A_29] : memref<10112x32xf32, #tpu.memory_space<hbm>> -> memref<632x32xf32, #tpu.memory_space<hbm>>
        tpu.enqueue_dma source(%dma_start3A_30 : memref<632x32xf32, #tpu.memory_space<hbm>>) target(%dma_start3A_28 : memref<632x32xf32, #tpu.memory_space<vmem_shared>>) target_semaphore(%run_scoped3A_26 : memref<!tpu.dma_semaphore, #tpu.memory_space<semaphore_mem>>)
        %dma_wait3A = arith.constant 0 : i32
        %dma_wait3A_31 = tpu.memref_slice %arg13[%mul3A_0, %dma_wait3A] : memref<10112x32xf32, #tpu.memory_space<vmem_shared>> -> memref<632x32xf32, #tpu.memory_space<vmem_shared>>
        %dma_wait3A_32 = arith.constant 0 : i32
        %dma_wait3A_33 = tpu.memref_slice %arg4[%mul3A_0, %dma_wait3A_32] : memref<10112x32xf32, #tpu.memory_space<hbm>> -> memref<632x32xf32, #tpu.memory_space<hbm>>
        tpu.wait_dma2 semaphore(%run_scoped3A_26 : memref<!tpu.dma_semaphore, #tpu.memory_space<semaphore_mem>>) src(%dma_wait3A_33 : memref<632x32xf32, #tpu.memory_space<hbm>>) dst(%dma_wait3A_31 : memref<632x32xf32, #tpu.memory_space<vmem_shared>>)
        tpu.yield
      }) : () -> ()
    } else {
    }
    %barrier3A = arith.constant 0 : index
    tpu.barrier barrier_id(%barrier3A)
    %add3A = arith.constant 0 : i32
    %add3A_11 = arith.addi %mul3A_4, %add3A : i32
    %run_scoped3A = arith.constant 0 : i32
    "tpu.region"() ({
      %run_scoped3A_26 = tpu.sem_alloc : memref<!tpu.dma_semaphore, #tpu.memory_space<semaphore_mem>>
      %dma_start3A_27 = tpu.memref_slice %arg2[%run_scoped3A, %add3A_11] : memref<2x320000xi32, #tpu.memory_space<hbm>> -> memref<1x1000xi32, #tpu.memory_space<hbm>>
      %dma_start3A_28 = tpu.memref_squeeze %dma_start3A_27 : memref<1x1000xi32, #tpu.memory_space<hbm>> -> memref<1000xi32, #tpu.memory_space<hbm>>
      %dma_start3A_29 = tpu.memref_slice %arg2[%run_scoped3A, %add3A_11] : memref<2x320000xi32, #tpu.memory_space<hbm>> -> memref<1x1000xi32, #tpu.memory_space<hbm>>
      %dma_start3A_30 = tpu.memref_squeeze %dma_start3A_29 : memref<1x1000xi32, #tpu.memory_space<hbm>> -> memref<1000xi32, #tpu.memory_space<hbm>>
      tpu.enqueue_dma source(%dma_start3A_30 : memref<1000xi32, #tpu.memory_space<hbm>>) target(%arg6 : memref<1000xi32, #tpu.memory_space<vmem>>) target_semaphore(%run_scoped3A_26 : memref<!tpu.dma_semaphore, #tpu.memory_space<semaphore_mem>>)
      %dma_wait3A = tpu.memref_slice %arg2[%run_scoped3A, %add3A_11] : memref<2x320000xi32, #tpu.memory_space<hbm>> -> memref<1x1000xi32, #tpu.memory_space<hbm>>
      %dma_wait3A_31 = tpu.memref_squeeze %dma_wait3A : memref<1x1000xi32, #tpu.memory_space<hbm>> -> memref<1000xi32, #tpu.memory_space<hbm>>
      %dma_wait3A_32 = tpu.memref_slice %arg2[%run_scoped3A, %add3A_11] : memref<2x320000xi32, #tpu.memory_space<hbm>> -> memref<1x1000xi32, #tpu.memory_space<hbm>>
      %dma_wait3A_33 = tpu.memref_squeeze %dma_wait3A_32 : memref<1x1000xi32, #tpu.memory_space<hbm>> -> memref<1000xi32, #tpu.memory_space<hbm>>
      tpu.wait_dma2 semaphore(%run_scoped3A_26 : memref<!tpu.dma_semaphore, #tpu.memory_space<semaphore_mem>>) src(%dma_wait3A_33 : memref<1000xi32, #tpu.memory_space<hbm>>) dst(%arg6 : memref<1000xi32, #tpu.memory_space<vmem>>)
      tpu.yield
    }) : () -> ()
    %add3A_12 = arith.constant 0 : i32
    %add3A_13 = arith.addi %mul3A_4, %add3A_12 : i32
    %run_scoped3A_14 = arith.constant 1 : i32
    "tpu.region"() ({
      %run_scoped3A_26 = tpu.sem_alloc : memref<!tpu.dma_semaphore, #tpu.memory_space<semaphore_mem>>
      %dma_start3A_27 = tpu.memref_slice %arg2[%run_scoped3A_14, %add3A_13] : memref<2x320000xi32, #tpu.memory_space<hbm>> -> memref<1x1000xi32, #tpu.memory_space<hbm>>
      %dma_start3A_28 = tpu.memref_squeeze %dma_start3A_27 : memref<1x1000xi32, #tpu.memory_space<hbm>> -> memref<1000xi32, #tpu.memory_space<hbm>>
      %dma_start3A_29 = tpu.memref_slice %arg2[%run_scoped3A_14, %add3A_13] : memref<2x320000xi32, #tpu.memory_space<hbm>> -> memref<1x1000xi32, #tpu.memory_space<hbm>>
      %dma_start3A_30 = tpu.memref_squeeze %dma_start3A_29 : memref<1x1000xi32, #tpu.memory_space<hbm>> -> memref<1000xi32, #tpu.memory_space<hbm>>
      tpu.enqueue_dma source(%dma_start3A_30 : memref<1000xi32, #tpu.memory_space<hbm>>) target(%arg7 : memref<1000xi32, #tpu.memory_space<vmem>>) target_semaphore(%run_scoped3A_26 : memref<!tpu.dma_semaphore, #tpu.memory_space<semaphore_mem>>)
      %dma_wait3A = tpu.memref_slice %arg2[%run_scoped3A_14, %add3A_13] : memref<2x320000xi32, #tpu.memory_space<hbm>> -> memref<1x1000xi32, #tpu.memory_space<hbm>>
      %dma_wait3A_31 = tpu.memref_squeeze %dma_wait3A : memref<1x1000xi32, #tpu.memory_space<hbm>> -> memref<1000xi32, #tpu.memory_space<hbm>>
      %dma_wait3A_32 = tpu.memref_slice %arg2[%run_scoped3A_14, %add3A_13] : memref<2x320000xi32, #tpu.memory_space<hbm>> -> memref<1x1000xi32, #tpu.memory_space<hbm>>
      %dma_wait3A_33 = tpu.memref_squeeze %dma_wait3A_32 : memref<1x1000xi32, #tpu.memory_space<hbm>> -> memref<1000xi32, #tpu.memory_space<hbm>>
      tpu.wait_dma2 semaphore(%run_scoped3A_26 : memref<!tpu.dma_semaphore, #tpu.memory_space<semaphore_mem>>) src(%dma_wait3A_33 : memref<1000xi32, #tpu.memory_space<hbm>>) dst(%arg7 : memref<1000xi32, #tpu.memory_space<vmem>>)
      tpu.yield
    }) : () -> ()
    %dma_start3A = arith.constant 0 : i32
    %dma_start3A_15 = arith.constant 0 : i32
    %dma_start3A_16 = tpu.memref_slice %arg12[%dma_start3A, %dma_start3A_15] : memref<10112x32xf32, #tpu.memory_space<vmem_shared>> -> memref<10112x32xf32, #tpu.memory_space<vmem_shared>>
    tpu.enqueue_indirect_dma source(%dma_start3A_16 : memref<10112x32xf32, #tpu.memory_space<vmem_shared>>) target(%arg10 : memref<1000x32xf32, #tpu.memory_space<vmem>>) offsets(%arg6 : memref<1000xi32, #tpu.memory_space<vmem>>) semaphore(%arg14 : memref<!tpu.dma_semaphore, #tpu.memory_space<semaphore_mem>>)
    %scan3A = arith.constant 0 : i32
    %scan3A_17 = arith.constant 10 : i32
    %scan3A_18 = arith.addi %scan3A, %scan3A_17 : i32
    %scan3A_19 = arith.constant 1 : i32
    scf.for %scan3A_26 = %scan3A to %scan3A_18 step %scan3A_19  : i32 {
      %mul3A_27 = arith.constant 1 : i32
      %mul3A_28 = arith.muli %scan3A_26, %mul3A_27 : i32
      %add3A_29 = arith.constant 0 : i32
      %add3A_30 = arith.addi %add3A_29, %mul3A_28 : i32
      %mul3A_31 = arith.constant 2 : i32
      %mul3A_32 = arith.muli %mul3A_31, %add3A_30 : i32
      %add3A_33 = arith.constant 1 : i32
      %add3A_34 = arith.addi %mul3A_32, %add3A_33 : i32
      %mul3A_35 = arith.constant 1000 : i32
      %mul3A_36 = arith.muli %add3A_34, %mul3A_35 : i32
      %add3A_37 = arith.addi %mul3A_4, %mul3A_36 : i32
      %run_scoped3A_38 = arith.constant 0 : i32
      "tpu.region"() ({
        %run_scoped3A_55 = tpu.sem_alloc : memref<!tpu.dma_semaphore, #tpu.memory_space<semaphore_mem>>
        %dma_start3A_56 = tpu.memref_slice %arg2[%run_scoped3A_38, %add3A_37] : memref<2x320000xi32, #tpu.memory_space<hbm>> -> memref<1x1000xi32, #tpu.memory_space<hbm>>
        %dma_start3A_57 = tpu.memref_squeeze %dma_start3A_56 : memref<1x1000xi32, #tpu.memory_space<hbm>> -> memref<1000xi32, #tpu.memory_space<hbm>>
        %dma_start3A_58 = tpu.memref_slice %arg2[%run_scoped3A_38, %add3A_37] : memref<2x320000xi32, #tpu.memory_space<hbm>> -> memref<1x1000xi32, #tpu.memory_space<hbm>>
        %dma_start3A_59 = tpu.memref_squeeze %dma_start3A_58 : memref<1x1000xi32, #tpu.memory_space<hbm>> -> memref<1000xi32, #tpu.memory_space<hbm>>
        tpu.enqueue_dma source(%dma_start3A_59 : memref<1000xi32, #tpu.memory_space<hbm>>) target(%arg8 : memref<1000xi32, #tpu.memory_space<vmem>>) target_semaphore(%run_scoped3A_55 : memref<!tpu.dma_semaphore, #tpu.memory_space<semaphore_mem>>)
        %dma_wait3A_60 = tpu.memref_slice %arg2[%run_scoped3A_38, %add3A_37] : memref<2x320000xi32, #tpu.memory_space<hbm>> -> memref<1x1000xi32, #tpu.memory_space<hbm>>
        %dma_wait3A_61 = tpu.memref_squeeze %dma_wait3A_60 : memref<1x1000xi32, #tpu.memory_space<hbm>> -> memref<1000xi32, #tpu.memory_space<hbm>>
        %dma_wait3A_62 = tpu.memref_slice %arg2[%run_scoped3A_38, %add3A_37] : memref<2x320000xi32, #tpu.memory_space<hbm>> -> memref<1x1000xi32, #tpu.memory_space<hbm>>
        %dma_wait3A_63 = tpu.memref_squeeze %dma_wait3A_62 : memref<1x1000xi32, #tpu.memory_space<hbm>> -> memref<1000xi32, #tpu.memory_space<hbm>>
        tpu.wait_dma2 semaphore(%run_scoped3A_55 : memref<!tpu.dma_semaphore, #tpu.memory_space<semaphore_mem>>) src(%dma_wait3A_63 : memref<1000xi32, #tpu.memory_space<hbm>>) dst(%arg8 : memref<1000xi32, #tpu.memory_space<vmem>>)
        tpu.yield
      }) : () -> ()
      %mul3A_39 = arith.constant 1000 : i32
      %mul3A_40 = arith.muli %add3A_34, %mul3A_39 : i32
      %add3A_41 = arith.addi %mul3A_4, %mul3A_40 : i32
      %run_scoped3A_42 = arith.constant 1 : i32
      "tpu.region"() ({
        %run_scoped3A_55 = tpu.sem_alloc : memref<!tpu.dma_semaphore, #tpu.memory_space<semaphore_mem>>
        %dma_start3A_56 = tpu.memref_slice %arg2[%run_scoped3A_42, %add3A_41] : memref<2x320000xi32, #tpu.memory_space<hbm>> -> memref<1x1000xi32, #tpu.memory_space<hbm>>
        %dma_start3A_57 = tpu.memref_squeeze %dma_start3A_56 : memref<1x1000xi32, #tpu.memory_space<hbm>> -> memref<1000xi32, #tpu.memory_space<hbm>>
        %dma_start3A_58 = tpu.memref_slice %arg2[%run_scoped3A_42, %add3A_41] : memref<2x320000xi32, #tpu.memory_space<hbm>> -> memref<1x1000xi32, #tpu.memory_space<hbm>>
        %dma_start3A_59 = tpu.memref_squeeze %dma_start3A_58 : memref<1x1000xi32, #tpu.memory_space<hbm>> -> memref<1000xi32, #tpu.memory_space<hbm>>
        tpu.enqueue_dma source(%dma_start3A_59 : memref<1000xi32, #tpu.memory_space<hbm>>) target(%arg9 : memref<1000xi32, #tpu.memory_space<vmem>>) target_semaphore(%run_scoped3A_55 : memref<!tpu.dma_semaphore, #tpu.memory_space<semaphore_mem>>)
        %dma_wait3A_60 = tpu.memref_slice %arg2[%run_scoped3A_42, %add3A_41] : memref<2x320000xi32, #tpu.memory_space<hbm>> -> memref<1x1000xi32, #tpu.memory_space<hbm>>
        %dma_wait3A_61 = tpu.memref_squeeze %dma_wait3A_60 : memref<1x1000xi32, #tpu.memory_space<hbm>> -> memref<1000xi32, #tpu.memory_space<hbm>>
        %dma_wait3A_62 = tpu.memref_slice %arg2[%run_scoped3A_42, %add3A_41] : memref<2x320000xi32, #tpu.memory_space<hbm>> -> memref<1x1000xi32, #tpu.memory_space<hbm>>
        %dma_wait3A_63 = tpu.memref_squeeze %dma_wait3A_62 : memref<1x1000xi32, #tpu.memory_space<hbm>> -> memref<1000xi32, #tpu.memory_space<hbm>>
        tpu.wait_dma2 semaphore(%run_scoped3A_55 : memref<!tpu.dma_semaphore, #tpu.memory_space<semaphore_mem>>) src(%dma_wait3A_63 : memref<1000xi32, #tpu.memory_space<hbm>>) dst(%arg9 : memref<1000xi32, #tpu.memory_space<vmem>>)
        tpu.yield
      }) : () -> ()
      %dma_wait3A = arith.constant 0 : i32
      %dma_wait3A_43 = arith.constant 0 : i32
      %dma_wait3A_44 = tpu.memref_slice %arg12[%dma_wait3A, %dma_wait3A_43] : memref<10112x32xf32, #tpu.memory_space<vmem_shared>> -> memref<10112x32xf32, #tpu.memory_space<vmem_shared>>
      tpu.wait_indirect_dma semaphore(%arg14 : memref<!tpu.dma_semaphore, #tpu.memory_space<semaphore_mem>>) src(%dma_wait3A_44 : memref<10112x32xf32, #tpu.memory_space<vmem_shared>>) dst(%arg10 : memref<1000x32xf32, #tpu.memory_space<vmem>>)
      %dma_start3A_45 = arith.constant 0 : i32
      %dma_start3A_46 = arith.constant 0 : i32
      %dma_start3A_47 = tpu.memref_slice %arg12[%dma_start3A_45, %dma_start3A_46] : memref<10112x32xf32, #tpu.memory_space<vmem_shared>> -> memref<10112x32xf32, #tpu.memory_space<vmem_shared>>
      tpu.enqueue_indirect_dma source(%dma_start3A_47 : memref<10112x32xf32, #tpu.memory_space<vmem_shared>>) target(%arg11 : memref<1000x32xf32, #tpu.memory_space<vmem>>) offsets(%arg8 : memref<1000xi32, #tpu.memory_space<vmem>>) semaphore(%arg15 : memref<!tpu.dma_semaphore, #tpu.memory_space<semaphore_mem>>)
      "tpu.region"() ({
        %run_scoped3A_55 = tpu.sem_alloc : memref<!tpu.dma_semaphore, #tpu.memory_space<semaphore_mem>>
        %dma_start3A_56 = arith.constant 0 : i32
        %dma_start3A_57 = arith.constant 0 : i32
        %dma_start3A_58 = tpu.memref_slice %arg13[%dma_start3A_56, %dma_start3A_57] : memref<10112x32xf32, #tpu.memory_space<vmem_shared>> -> memref<10112x32xf32, #tpu.memory_space<vmem_shared>>
        tpu.enqueue_indirect_dma source(%arg10 : memref<1000x32xf32, #tpu.memory_space<vmem>>) target(%dma_start3A_58 : memref<10112x32xf32, #tpu.memory_space<vmem_shared>>) offsets(%arg7 : memref<1000xi32, #tpu.memory_space<vmem>>) semaphore(%run_scoped3A_55 : memref<!tpu.dma_semaphore, #tpu.memory_space<semaphore_mem>>) {add = true}
        %dma_wait3A_59 = arith.constant 0 : i32
        %dma_wait3A_60 = arith.constant 0 : i32
        %dma_wait3A_61 = tpu.memref_slice %arg13[%dma_wait3A_59, %dma_wait3A_60] : memref<10112x32xf32, #tpu.memory_space<vmem_shared>> -> memref<10112x32xf32, #tpu.memory_space<vmem_shared>>
        tpu.wait_indirect_dma semaphore(%run_scoped3A_55 : memref<!tpu.dma_semaphore, #tpu.memory_space<semaphore_mem>>) src(%arg10 : memref<1000x32xf32, #tpu.memory_space<vmem>>) dst(%dma_wait3A_61 : memref<10112x32xf32, #tpu.memory_space<vmem_shared>>)
        tpu.yield
      }) : () -> ()
      %lt3A = arith.constant 9 : i32
      %lt3A_48 = arith.cmpi slt, %add3A_30, %lt3A : i32
      %convert_element_type3A_49 = arith.extui %lt3A_48 : i1 to i32
      %cond3A_50 = arith.constant 0 : i32
      %cond3A_51 = arith.cmpi ne, %convert_element_type3A_49, %cond3A_50 : i32
      scf.if %cond3A_51 {
        %mul3A_55 = arith.constant 2 : i32
        %mul3A_56 = arith.muli %mul3A_55, %add3A_30 : i32
        %add3A_57 = arith.constant 2 : i32
        %add3A_58 = arith.addi %mul3A_56, %add3A_57 : i32
        %mul3A_59 = arith.constant 1000 : i32
        %mul3A_60 = arith.muli %add3A_58, %mul3A_59 : i32
        %add3A_61 = arith.addi %mul3A_4, %mul3A_60 : i32
        %run_scoped3A_62 = arith.constant 0 : i32
        "tpu.region"() ({
          %run_scoped3A_70 = tpu.sem_alloc : memref<!tpu.dma_semaphore, #tpu.memory_space<semaphore_mem>>
          %dma_start3A_71 = tpu.memref_slice %arg2[%run_scoped3A_62, %add3A_61] : memref<2x320000xi32, #tpu.memory_space<hbm>> -> memref<1x1000xi32, #tpu.memory_space<hbm>>
          %dma_start3A_72 = tpu.memref_squeeze %dma_start3A_71 : memref<1x1000xi32, #tpu.memory_space<hbm>> -> memref<1000xi32, #tpu.memory_space<hbm>>
          %dma_start3A_73 = tpu.memref_slice %arg2[%run_scoped3A_62, %add3A_61] : memref<2x320000xi32, #tpu.memory_space<hbm>> -> memref<1x1000xi32, #tpu.memory_space<hbm>>
          %dma_start3A_74 = tpu.memref_squeeze %dma_start3A_73 : memref<1x1000xi32, #tpu.memory_space<hbm>> -> memref<1000xi32, #tpu.memory_space<hbm>>
          tpu.enqueue_dma source(%dma_start3A_74 : memref<1000xi32, #tpu.memory_space<hbm>>) target(%arg6 : memref<1000xi32, #tpu.memory_space<vmem>>) target_semaphore(%run_scoped3A_70 : memref<!tpu.dma_semaphore, #tpu.memory_space<semaphore_mem>>)
          %dma_wait3A_75 = tpu.memref_slice %arg2[%run_scoped3A_62, %add3A_61] : memref<2x320000xi32, #tpu.memory_space<hbm>> -> memref<1x1000xi32, #tpu.memory_space<hbm>>
          %dma_wait3A_76 = tpu.memref_squeeze %dma_wait3A_75 : memref<1x1000xi32, #tpu.memory_space<hbm>> -> memref<1000xi32, #tpu.memory_space<hbm>>
          %dma_wait3A_77 = tpu.memref_slice %arg2[%run_scoped3A_62, %add3A_61] : memref<2x320000xi32, #tpu.memory_space<hbm>> -> memref<1x1000xi32, #tpu.memory_space<hbm>>
          %dma_wait3A_78 = tpu.memref_squeeze %dma_wait3A_77 : memref<1x1000xi32, #tpu.memory_space<hbm>> -> memref<1000xi32, #tpu.memory_space<hbm>>
          tpu.wait_dma2 semaphore(%run_scoped3A_70 : memref<!tpu.dma_semaphore, #tpu.memory_space<semaphore_mem>>) src(%dma_wait3A_78 : memref<1000xi32, #tpu.memory_space<hbm>>) dst(%arg6 : memref<1000xi32, #tpu.memory_space<vmem>>)
          tpu.yield
        }) : () -> ()
        %mul3A_63 = arith.constant 1000 : i32
        %mul3A_64 = arith.muli %add3A_58, %mul3A_63 : i32
        %add3A_65 = arith.addi %mul3A_4, %mul3A_64 : i32
        %run_scoped3A_66 = arith.constant 1 : i32
        "tpu.region"() ({
          %run_scoped3A_70 = tpu.sem_alloc : memref<!tpu.dma_semaphore, #tpu.memory_space<semaphore_mem>>
          %dma_start3A_71 = tpu.memref_slice %arg2[%run_scoped3A_66, %add3A_65] : memref<2x320000xi32, #tpu.memory_space<hbm>> -> memref<1x1000xi32, #tpu.memory_space<hbm>>
          %dma_start3A_72 = tpu.memref_squeeze %dma_start3A_71 : memref<1x1000xi32, #tpu.memory_space<hbm>> -> memref<1000xi32, #tpu.memory_space<hbm>>
          %dma_start3A_73 = tpu.memref_slice %arg2[%run_scoped3A_66, %add3A_65] : memref<2x320000xi32, #tpu.memory_space<hbm>> -> memref<1x1000xi32, #tpu.memory_space<hbm>>
          %dma_start3A_74 = tpu.memref_squeeze %dma_start3A_73 : memref<1x1000xi32, #tpu.memory_space<hbm>> -> memref<1000xi32, #tpu.memory_space<hbm>>
          tpu.enqueue_dma source(%dma_start3A_74 : memref<1000xi32, #tpu.memory_space<hbm>>) target(%arg7 : memref<1000xi32, #tpu.memory_space<vmem>>) target_semaphore(%run_scoped3A_70 : memref<!tpu.dma_semaphore, #tpu.memory_space<semaphore_mem>>)
          %dma_wait3A_75 = tpu.memref_slice %arg2[%run_scoped3A_66, %add3A_65] : memref<2x320000xi32, #tpu.memory_space<hbm>> -> memref<1x1000xi32, #tpu.memory_space<hbm>>
          %dma_wait3A_76 = tpu.memref_squeeze %dma_wait3A_75 : memref<1x1000xi32, #tpu.memory_space<hbm>> -> memref<1000xi32, #tpu.memory_space<hbm>>
          %dma_wait3A_77 = tpu.memref_slice %arg2[%run_scoped3A_66, %add3A_65] : memref<2x320000xi32, #tpu.memory_space<hbm>> -> memref<1x1000xi32, #tpu.memory_space<hbm>>
          %dma_wait3A_78 = tpu.memref_squeeze %dma_wait3A_77 : memref<1x1000xi32, #tpu.memory_space<hbm>> -> memref<1000xi32, #tpu.memory_space<hbm>>
          tpu.wait_dma2 semaphore(%run_scoped3A_70 : memref<!tpu.dma_semaphore, #tpu.memory_space<semaphore_mem>>) src(%dma_wait3A_78 : memref<1000xi32, #tpu.memory_space<hbm>>) dst(%arg7 : memref<1000xi32, #tpu.memory_space<vmem>>)
          tpu.yield
        }) : () -> ()
        %dma_start3A_67 = arith.constant 0 : i32
        %dma_start3A_68 = arith.constant 0 : i32
        %dma_start3A_69 = tpu.memref_slice %arg12[%dma_start3A_67, %dma_start3A_68] : memref<10112x32xf32, #tpu.memory_space<vmem_shared>> -> memref<10112x32xf32, #tpu.memory_space<vmem_shared>>
        tpu.enqueue_indirect_dma source(%dma_start3A_69 : memref<10112x32xf32, #tpu.memory_space<vmem_shared>>) target(%arg10 : memref<1000x32xf32, #tpu.memory_space<vmem>>) offsets(%arg6 : memref<1000xi32, #tpu.memory_space<vmem>>) semaphore(%arg14 : memref<!tpu.dma_semaphore, #tpu.memory_space<semaphore_mem>>)
      } else {
      }
      %dma_wait3A_52 = arith.constant 0 : i32
      %dma_wait3A_53 = arith.constant 0 : i32
      %dma_wait3A_54 = tpu.memref_slice %arg12[%dma_wait3A_52, %dma_wait3A_53] : memref<10112x32xf32, #tpu.memory_space<vmem_shared>> -> memref<10112x32xf32, #tpu.memory_space<vmem_shared>>
      tpu.wait_indirect_dma semaphore(%arg15 : memref<!tpu.dma_semaphore, #tpu.memory_space<semaphore_mem>>) src(%dma_wait3A_54 : memref<10112x32xf32, #tpu.memory_space<vmem_shared>>) dst(%arg11 : memref<1000x32xf32, #tpu.memory_space<vmem>>)
      "tpu.region"() ({
        %run_scoped3A_55 = tpu.sem_alloc : memref<!tpu.dma_semaphore, #tpu.memory_space<semaphore_mem>>
        %dma_start3A_56 = arith.constant 0 : i32
        %dma_start3A_57 = arith.constant 0 : i32
        %dma_start3A_58 = tpu.memref_slice %arg13[%dma_start3A_56, %dma_start3A_57] : memref<10112x32xf32, #tpu.memory_space<vmem_shared>> -> memref<10112x32xf32, #tpu.memory_space<vmem_shared>>
        tpu.enqueue_indirect_dma source(%arg11 : memref<1000x32xf32, #tpu.memory_space<vmem>>) target(%dma_start3A_58 : memref<10112x32xf32, #tpu.memory_space<vmem_shared>>) offsets(%arg9 : memref<1000xi32, #tpu.memory_space<vmem>>) semaphore(%run_scoped3A_55 : memref<!tpu.dma_semaphore, #tpu.memory_space<semaphore_mem>>) {add = true}
        %dma_wait3A_59 = arith.constant 0 : i32
        %dma_wait3A_60 = arith.constant 0 : i32
        %dma_wait3A_61 = tpu.memref_slice %arg13[%dma_wait3A_59, %dma_wait3A_60] : memref<10112x32xf32, #tpu.memory_space<vmem_shared>> -> memref<10112x32xf32, #tpu.memory_space<vmem_shared>>
        tpu.wait_indirect_dma semaphore(%run_scoped3A_55 : memref<!tpu.dma_semaphore, #tpu.memory_space<semaphore_mem>>) src(%arg11 : memref<1000x32xf32, #tpu.memory_space<vmem>>) dst(%dma_wait3A_61 : memref<10112x32xf32, #tpu.memory_space<vmem_shared>>)
        tpu.yield
      }) : () -> ()
    }
    %scan3A_20 = arith.constant 10 : i32
    %barrier3A_21 = arith.constant 0 : index
    tpu.barrier barrier_id(%barrier3A_21)
    %mul3A_22 = arith.constant 1 : i32
    %mul3A_23 = arith.muli %arg0, %mul3A_22 : i32
    %add3A_24 = arith.constant 0 : i32
    %add3A_25 = arith.addi %mul3A_23, %add3A_24 : i32
    "tpu.region"() ({
      %run_scoped3A_26 = tpu.sem_alloc : memref<!tpu.dma_semaphore, #tpu.memory_space<semaphore_mem>>
      %dma_start3A_27 = arith.constant 0 : i32
      %dma_start3A_28 = tpu.memref_slice %arg5[%add3A_25, %mul3A_0, %dma_start3A_27] : memref<2x10112x32xf32, #tpu.memory_space<hbm>> -> memref<1x632x32xf32, #tpu.memory_space<hbm>>
      %dma_start3A_29 = tpu.memref_squeeze %dma_start3A_28 : memref<1x632x32xf32, #tpu.memory_space<hbm>> -> memref<632x32xf32, #tpu.memory_space<hbm>>
      %dma_start3A_30 = arith.constant 0 : i32
      %dma_start3A_31 = tpu.memref_slice %arg13[%mul3A_0, %dma_start3A_30] : memref<10112x32xf32, #tpu.memory_space<vmem_shared>> -> memref<632x32xf32, #tpu.memory_space<vmem_shared>>
      tpu.enqueue_dma source(%dma_start3A_31 : memref<632x32xf32, #tpu.memory_space<vmem_shared>>) target(%dma_start3A_29 : memref<632x32xf32, #tpu.memory_space<hbm>>) target_semaphore(%run_scoped3A_26 : memref<!tpu.dma_semaphore, #tpu.memory_space<semaphore_mem>>)
      %dma_wait3A = arith.constant 0 : i32
      %dma_wait3A_32 = tpu.memref_slice %arg5[%add3A_25, %mul3A_0, %dma_wait3A] : memref<2x10112x32xf32, #tpu.memory_space<hbm>> -> memref<1x632x32xf32, #tpu.memory_space<hbm>>
      %dma_wait3A_33 = tpu.memref_squeeze %dma_wait3A_32 : memref<1x632x32xf32, #tpu.memory_space<hbm>> -> memref<632x32xf32, #tpu.memory_space<hbm>>
      %dma_wait3A_34 = arith.constant 0 : i32
      %dma_wait3A_35 = tpu.memref_slice %arg13[%mul3A_0, %dma_wait3A_34] : memref<10112x32xf32, #tpu.memory_space<vmem_shared>> -> memref<632x32xf32, #tpu.memory_space<vmem_shared>>
      tpu.wait_dma2 semaphore(%run_scoped3A_26 : memref<!tpu.dma_semaphore, #tpu.memory_space<semaphore_mem>>) src(%dma_wait3A_35 : memref<632x32xf32, #tpu.memory_space<vmem_shared>>) dst(%dma_wait3A_33 : memref<632x32xf32, #tpu.memory_space<hbm>>)
      tpu.yield
    }) : () -> ()
    return
  }
}

module attributes {stable_mosaic.version = 14 : i64} {
  func.func @_tc1a_body(%arg0: i32, %arg1: memref<1000x128xf32, #tpu.memory_space<vmem>>, %arg2: memref<128x4xf32, #tpu.memory_space<vmem>>, %arg3: memref<4x128x128xf32, #tpu.memory_space<vmem>>, %arg4: memref<4x128xf32, #tpu.memory_space<vmem>>, %arg5: memref<1000x128xf32, #tpu.memory_space<vmem>>) attributes {dimension_semantics = [#tpu.dimension_semantics<arbitrary>], iteration_bounds = array<i64: 10>, scalar_prefetch = 0 : i64, scratch_operands = 0 : i64, tpu.core_type = #tpu.core_type<tc>, window_params = [{transform_indices = @transform_0, window_bounds = array<i64: 1000, 128>}, {pipeline_mode = #tpu.pipeline_mode<synchronous>, transform_indices = @transform_1, window_bounds = array<i64: 128, 4>}, {pipeline_mode = #tpu.pipeline_mode<synchronous>, transform_indices = @transform_2, window_bounds = array<i64: 4, 128, 128>}, {pipeline_mode = #tpu.pipeline_mode<synchronous>, transform_indices = @transform_3, window_bounds = array<i64: 4, 128>}, {transform_indices = @transform_4, window_bounds = array<i64: 1000, 128>}]} {
    %get3A = arith.constant 0 : index
    %get3A_0 = arith.constant 0 : index
    %get3A_1 = vector.load %arg1[%get3A, %get3A_0] : memref<1000x128xf32, #tpu.memory_space<vmem>>, vector<1000x128xf32>
    %get3A_2 = arith.constant 0 : index
    %get3A_3 = arith.constant 0 : index
    %get3A_4 = vector.load %arg2[%get3A_2, %get3A_3] : memref<128x4xf32, #tpu.memory_space<vmem>>, vector<128x4xf32>
    %dot_general3A = arith.constant dense<0.000000e+00> : vector<1000x4xf32>
    %dot_general3A_5 = tpu.matmul %get3A_1, %get3A_4, %dot_general3A {dimension_numbers = #tpu.dot_dimension_numbers<[1], [0], [0], [1], [0, 0, 1, 1], [], []>, transpose_lhs_hint = false} : vector<1000x128xf32>, vector<128x4xf32>, vector<1000x4xf32> -> vector<1000x4xf32>
    %reduce_max3A = arith.constant dense<0xFF800000> : vector<1000xf32>
    %reduce_max3A_6 = vector.multi_reduction <maximumf>, %dot_general3A_5, %reduce_max3A [1] : vector<1000x4xf32> to vector<1000xf32>
    %broadcast_in_dim3A = vector.shape_cast %reduce_max3A_6 : vector<1000xf32> to vector<1000x1xf32>
    %slice3A = vector.extract_strided_slice %dot_general3A_5 {offsets = [0, 0], sizes = [1000, 1], strides = [1, 1]} : vector<1000x4xf32> to vector<1000x1xf32>
    %slice3A_7 = vector.extract_strided_slice %dot_general3A_5 {offsets = [0, 1], sizes = [1000, 1], strides = [1, 1]} : vector<1000x4xf32> to vector<1000x1xf32>
    %slice3A_8 = vector.extract_strided_slice %dot_general3A_5 {offsets = [0, 2], sizes = [1000, 1], strides = [1, 1]} : vector<1000x4xf32> to vector<1000x1xf32>
    %ge3A = arith.cmpf oge, %slice3A, %broadcast_in_dim3A : vector<1000x1xf32>
    %ge3A_9 = arith.cmpf oge, %slice3A_7, %broadcast_in_dim3A : vector<1000x1xf32>
    %not3A = arith.constant dense<true> : vector<1000x1xi1>
    %not3A_10 = arith.xori %ge3A, %not3A : vector<1000x1xi1>
    %and3A = arith.andi %ge3A_9, %not3A_10 : vector<1000x1xi1>
    %ge3A_11 = arith.cmpf oge, %slice3A_8, %broadcast_in_dim3A : vector<1000x1xf32>
    %not3A_12 = arith.constant dense<true> : vector<1000x1xi1>
    %not3A_13 = arith.xori %ge3A, %not3A_12 : vector<1000x1xi1>
    %and3A_14 = arith.andi %ge3A_11, %not3A_13 : vector<1000x1xi1>
    %not3A_15 = arith.constant dense<true> : vector<1000x1xi1>
    %not3A_16 = arith.xori %and3A, %not3A_15 : vector<1000x1xi1>
    %and3A_17 = arith.andi %and3A_14, %not3A_16 : vector<1000x1xi1>
    %not3A_18 = arith.constant dense<true> : vector<1000x1xi1>
    %not3A_19 = arith.xori %ge3A, %not3A_18 : vector<1000x1xi1>
    %not3A_20 = arith.constant dense<true> : vector<1000x1xi1>
    %not3A_21 = arith.xori %and3A, %not3A_20 : vector<1000x1xi1>
    %and3A_22 = arith.andi %not3A_19, %not3A_21 : vector<1000x1xi1>
    %not3A_23 = arith.constant dense<true> : vector<1000x1xi1>
    %not3A_24 = arith.xori %and3A_17, %not3A_23 : vector<1000x1xi1>
    %and3A_25 = arith.andi %and3A_22, %not3A_24 : vector<1000x1xi1>
    %broadcast_in_dim3A_26 = arith.constant 0.000000e+00 : f32
    %broadcast_in_dim3A_27 = vector.broadcast %broadcast_in_dim3A_26 : f32 to vector<1000x128xf32>
    %get3A_28 = arith.constant 0 : index
    %get3A_29 = arith.constant 0 : index
    %get3A_30 = arith.constant 0 : index
    %get3A_31 = vector.load %arg3[%get3A_28, %get3A_29, %get3A_30] : memref<4x128x128xf32, #tpu.memory_space<vmem>>, vector<1x128x128xf32>
    %get3A_32 = vector.shape_cast %get3A_31 : vector<1x128x128xf32> to vector<128x128xf32>
    %dot_general3A_33 = arith.constant dense<0.000000e+00> : vector<1000x128xf32>
    %dot_general3A_34 = tpu.matmul %get3A_1, %get3A_32, %dot_general3A_33 {dimension_numbers = #tpu.dot_dimension_numbers<[1], [0], [0], [1], [0, 0, 1, 1], [], []>, transpose_lhs_hint = false} : vector<1000x128xf32>, vector<128x128xf32>, vector<1000x128xf32> -> vector<1000x128xf32>
    %get3A_35 = arith.constant 0 : index
    %get3A_36 = arith.constant 0 : index
    %get3A_37 = vector.load %arg4[%get3A_35, %get3A_36] : memref<4x128xf32, #tpu.memory_space<vmem>>, vector<1x128xf32>
    %add3A = vector.broadcast %get3A_37 : vector<1x128xf32> to vector<1000x128xf32>
    %add3A_38 = arith.addf %dot_general3A_34, %add3A : vector<1000x128xf32>
    %convert_element_type3A = arith.extui %ge3A : vector<1000x1xi1> to vector<1000x1xi32>
    %convert_element_type3A_39 = arith.sitofp %convert_element_type3A : vector<1000x1xi32> to vector<1000x1xf32>
    %mul3A = vector.broadcast %convert_element_type3A_39 : vector<1000x1xf32> to vector<1000x128xf32>
    %mul3A_40 = arith.mulf %mul3A, %add3A_38 : vector<1000x128xf32>
    %add3A_41 = arith.addf %broadcast_in_dim3A_27, %mul3A_40 : vector<1000x128xf32>
    %get3A_42 = arith.constant 1 : index
    %get3A_43 = arith.constant 0 : index
    %get3A_44 = arith.constant 0 : index
    %get3A_45 = vector.load %arg3[%get3A_42, %get3A_43, %get3A_44] : memref<4x128x128xf32, #tpu.memory_space<vmem>>, vector<1x128x128xf32>
    %get3A_46 = vector.shape_cast %get3A_45 : vector<1x128x128xf32> to vector<128x128xf32>
    %dot_general3A_47 = arith.constant dense<0.000000e+00> : vector<1000x128xf32>
    %dot_general3A_48 = tpu.matmul %get3A_1, %get3A_46, %dot_general3A_47 {dimension_numbers = #tpu.dot_dimension_numbers<[1], [0], [0], [1], [0, 0, 1, 1], [], []>, transpose_lhs_hint = false} : vector<1000x128xf32>, vector<128x128xf32>, vector<1000x128xf32> -> vector<1000x128xf32>
    %get3A_49 = arith.constant 1 : index
    %get3A_50 = arith.constant 0 : index
    %get3A_51 = vector.load %arg4[%get3A_49, %get3A_50] : memref<4x128xf32, #tpu.memory_space<vmem>>, vector<1x128xf32>
    %add3A_52 = vector.broadcast %get3A_51 : vector<1x128xf32> to vector<1000x128xf32>
    %add3A_53 = arith.addf %dot_general3A_48, %add3A_52 : vector<1000x128xf32>
    %convert_element_type3A_54 = arith.extui %and3A : vector<1000x1xi1> to vector<1000x1xi32>
    %convert_element_type3A_55 = arith.sitofp %convert_element_type3A_54 : vector<1000x1xi32> to vector<1000x1xf32>
    %mul3A_56 = vector.broadcast %convert_element_type3A_55 : vector<1000x1xf32> to vector<1000x128xf32>
    %mul3A_57 = arith.mulf %mul3A_56, %add3A_53 : vector<1000x128xf32>
    %add3A_58 = arith.addf %add3A_41, %mul3A_57 : vector<1000x128xf32>
    %get3A_59 = arith.constant 2 : index
    %get3A_60 = arith.constant 0 : index
    %get3A_61 = arith.constant 0 : index
    %get3A_62 = vector.load %arg3[%get3A_59, %get3A_60, %get3A_61] : memref<4x128x128xf32, #tpu.memory_space<vmem>>, vector<1x128x128xf32>
    %get3A_63 = vector.shape_cast %get3A_62 : vector<1x128x128xf32> to vector<128x128xf32>
    %dot_general3A_64 = arith.constant dense<0.000000e+00> : vector<1000x128xf32>
    %dot_general3A_65 = tpu.matmul %get3A_1, %get3A_63, %dot_general3A_64 {dimension_numbers = #tpu.dot_dimension_numbers<[1], [0], [0], [1], [0, 0, 1, 1], [], []>, transpose_lhs_hint = false} : vector<1000x128xf32>, vector<128x128xf32>, vector<1000x128xf32> -> vector<1000x128xf32>
    %get3A_66 = arith.constant 2 : index
    %get3A_67 = arith.constant 0 : index
    %get3A_68 = vector.load %arg4[%get3A_66, %get3A_67] : memref<4x128xf32, #tpu.memory_space<vmem>>, vector<1x128xf32>
    %add3A_69 = vector.broadcast %get3A_68 : vector<1x128xf32> to vector<1000x128xf32>
    %add3A_70 = arith.addf %dot_general3A_65, %add3A_69 : vector<1000x128xf32>
    %convert_element_type3A_71 = arith.extui %and3A_17 : vector<1000x1xi1> to vector<1000x1xi32>
    %convert_element_type3A_72 = arith.sitofp %convert_element_type3A_71 : vector<1000x1xi32> to vector<1000x1xf32>
    %mul3A_73 = vector.broadcast %convert_element_type3A_72 : vector<1000x1xf32> to vector<1000x128xf32>
    %mul3A_74 = arith.mulf %mul3A_73, %add3A_70 : vector<1000x128xf32>
    %add3A_75 = arith.addf %add3A_58, %mul3A_74 : vector<1000x128xf32>
    %get3A_76 = arith.constant 3 : index
    %get3A_77 = arith.constant 0 : index
    %get3A_78 = arith.constant 0 : index
    %get3A_79 = vector.load %arg3[%get3A_76, %get3A_77, %get3A_78] : memref<4x128x128xf32, #tpu.memory_space<vmem>>, vector<1x128x128xf32>
    %get3A_80 = vector.shape_cast %get3A_79 : vector<1x128x128xf32> to vector<128x128xf32>
    %dot_general3A_81 = arith.constant dense<0.000000e+00> : vector<1000x128xf32>
    %dot_general3A_82 = tpu.matmul %get3A_1, %get3A_80, %dot_general3A_81 {dimension_numbers = #tpu.dot_dimension_numbers<[1], [0], [0], [1], [0, 0, 1, 1], [], []>, transpose_lhs_hint = false} : vector<1000x128xf32>, vector<128x128xf32>, vector<1000x128xf32> -> vector<1000x128xf32>
    %get3A_83 = arith.constant 3 : index
    %get3A_84 = arith.constant 0 : index
    %get3A_85 = vector.load %arg4[%get3A_83, %get3A_84] : memref<4x128xf32, #tpu.memory_space<vmem>>, vector<1x128xf32>
    %add3A_86 = vector.broadcast %get3A_85 : vector<1x128xf32> to vector<1000x128xf32>
    %add3A_87 = arith.addf %dot_general3A_82, %add3A_86 : vector<1000x128xf32>
    %convert_element_type3A_88 = arith.extui %and3A_25 : vector<1000x1xi1> to vector<1000x1xi32>
    %convert_element_type3A_89 = arith.sitofp %convert_element_type3A_88 : vector<1000x1xi32> to vector<1000x1xf32>
    %mul3A_90 = vector.broadcast %convert_element_type3A_89 : vector<1000x1xf32> to vector<1000x128xf32>
    %mul3A_91 = arith.mulf %mul3A_90, %add3A_87 : vector<1000x128xf32>
    %add3A_92 = arith.addf %add3A_75, %mul3A_91 : vector<1000x128xf32>
    %swap3A = arith.constant 0 : index
    %swap3A_93 = arith.constant 0 : index
    %swap3A_94 = vector.load %arg5[%swap3A, %swap3A_93] : memref<1000x128xf32, #tpu.memory_space<vmem>>, vector<1000x128xf32>
    tpu.vector_store %arg5[%swap3A, %swap3A_93], %add3A_92 {strides = array<i32>} : memref<1000x128xf32, #tpu.memory_space<vmem>>, vector<1000x128xf32>,
    return
  }
  func.func @transform_0(%arg0: i32) -> (i32, i32) {
    %c0_i32 = arith.constant 0 : i32
    %c0_i32_0 = arith.constant 0 : i32
    return %arg0, %c0_i32 : i32, i32
  }
  func.func @transform_1(%arg0: i32) -> (i32, i32) {
    %c0_i32 = arith.constant 0 : i32
    %c0_i32_0 = arith.constant 0 : i32
    %c0_i32_1 = arith.constant 0 : i32
    return %c0_i32, %c0_i32_0 : i32, i32
  }
  func.func @transform_2(%arg0: i32) -> (i32, i32, i32) {
    %c0_i32 = arith.constant 0 : i32
    %c0_i32_0 = arith.constant 0 : i32
    %c0_i32_1 = arith.constant 0 : i32
    %c0_i32_2 = arith.constant 0 : i32
    return %c0_i32, %c0_i32_0, %c0_i32_1 : i32, i32, i32
  }
  func.func @transform_3(%arg0: i32) -> (i32, i32) {
    %c0_i32 = arith.constant 0 : i32
    %c0_i32_0 = arith.constant 0 : i32
    %c0_i32_1 = arith.constant 0 : i32
    return %c0_i32, %c0_i32_0 : i32, i32
  }
  func.func @transform_4(%arg0: i32) -> (i32, i32) {
    %c0_i32 = arith.constant 0 : i32
    %c0_i32_0 = arith.constant 0 : i32
    return %arg0, %c0_i32 : i32, i32
  }
}

module attributes {stable_mosaic.version = 14 : i64} {
  func.func @_tc1b_body(%arg0: i32, %arg1: memref<1000x128xf32, #tpu.memory_space<vmem>>, %arg2: memref<1x1000x16xf32, #tpu.memory_space<vmem>>, %arg3: memref<1x1000x16xf32, #tpu.memory_space<vmem>>, %arg4: memref<1000x32xf32, #tpu.memory_space<vmem>>, %arg5: memref<1000x32xf32, #tpu.memory_space<vmem>>, %arg6: memref<1000x32xf32, #tpu.memory_space<vmem>>, %arg7: memref<1000x32xf32, #tpu.memory_space<vmem>>, %arg8: memref<1000x1xf32, #tpu.memory_space<vmem>>) attributes {dimension_semantics = [#tpu.dimension_semantics<arbitrary>], iteration_bounds = array<i64: 10>, scalar_prefetch = 0 : i64, scratch_operands = 0 : i64, tpu.core_type = #tpu.core_type<tc>, window_params = [{transform_indices = @transform_0, window_bounds = array<i64: 1000, 128>}, {transform_indices = @transform_1, window_bounds = array<i64: 1, 1000, 16>}, {transform_indices = @transform_2, window_bounds = array<i64: 1, 1000, 16>}, {transform_indices = @transform_3, window_bounds = array<i64: 1000, 32>}, {transform_indices = @transform_4, window_bounds = array<i64: 1000, 32>}, {transform_indices = @transform_5, window_bounds = array<i64: 1000, 32>}, {transform_indices = @transform_6, window_bounds = array<i64: 1000, 32>}, {transform_indices = @transform_7, window_bounds = array<i64: 1000, 1>}]} {
    %get3A = arith.constant 0 : index
    %get3A_0 = arith.constant 0 : index
    %get3A_1 = arith.constant 0 : index
    %get3A_2 = vector.load %arg2[%get3A, %get3A_0, %get3A_1] : memref<1x1000x16xf32, #tpu.memory_space<vmem>>, vector<1x1000x1xf32>
    %get3A_3 = vector.shape_cast %get3A_2 : vector<1x1000x1xf32> to vector<1000x1xf32>
    %get3A_4 = arith.constant 0 : index
    %get3A_5 = arith.constant 0 : index
    %get3A_6 = arith.constant 0 : index
    %get3A_7 = vector.load %arg3[%get3A_4, %get3A_5, %get3A_6] : memref<1x1000x16xf32, #tpu.memory_space<vmem>>, vector<1x1000x1xf32>
    %get3A_8 = vector.shape_cast %get3A_7 : vector<1x1000x1xf32> to vector<1000x1xf32>
    %add3A = arith.addf %get3A_3, %get3A_8 : vector<1000x1xf32>
    %add3A_9 = arith.constant 1.000000e+00 : f32
    %add3A_10 = vector.broadcast %add3A_9 : f32 to vector<1000x1xf32>
    %add3A_11 = arith.addf %add3A, %add3A_10 : vector<1000x1xf32>
    %rsqrt3A = math.rsqrt %add3A_11 : vector<1000x1xf32>
    %get3A_12 = arith.constant 0 : index
    %get3A_13 = arith.constant 0 : index
    %get3A_14 = vector.load %arg1[%get3A_12, %get3A_13] : memref<1000x128xf32, #tpu.memory_space<vmem>>, vector<1000x128xf32>
    %mul3A = vector.broadcast %rsqrt3A : vector<1000x1xf32> to vector<1000x128xf32>
    %mul3A_15 = arith.mulf %get3A_14, %mul3A : vector<1000x128xf32>
    %slice3A = vector.extract_strided_slice %mul3A_15 {offsets = [0, 0], sizes = [1000, 32], strides = [1, 1]} : vector<1000x128xf32> to vector<1000x32xf32>
    %swap3A = arith.constant 0 : index
    %swap3A_16 = arith.constant 0 : index
    %swap3A_17 = vector.load %arg4[%swap3A, %swap3A_16] : memref<1000x32xf32, #tpu.memory_space<vmem>>, vector<1000x32xf32>
    tpu.vector_store %arg4[%swap3A, %swap3A_16], %slice3A {strides = array<i32>} : memref<1000x32xf32, #tpu.memory_space<vmem>>, vector<1000x32xf32>,
    %slice3A_18 = vector.extract_strided_slice %mul3A_15 {offsets = [0, 32], sizes = [1000, 32], strides = [1, 1]} : vector<1000x128xf32> to vector<1000x32xf32>
    %swap3A_19 = arith.constant 0 : index
    %swap3A_20 = arith.constant 0 : index
    %swap3A_21 = vector.load %arg5[%swap3A_19, %swap3A_20] : memref<1000x32xf32, #tpu.memory_space<vmem>>, vector<1000x32xf32>
    tpu.vector_store %arg5[%swap3A_19, %swap3A_20], %slice3A_18 {strides = array<i32>} : memref<1000x32xf32, #tpu.memory_space<vmem>>, vector<1000x32xf32>,
    %slice3A_22 = vector.extract_strided_slice %mul3A_15 {offsets = [0, 64], sizes = [1000, 32], strides = [1, 1]} : vector<1000x128xf32> to vector<1000x32xf32>
    %swap3A_23 = arith.constant 0 : index
    %swap3A_24 = arith.constant 0 : index
    %swap3A_25 = vector.load %arg6[%swap3A_23, %swap3A_24] : memref<1000x32xf32, #tpu.memory_space<vmem>>, vector<1000x32xf32>
    tpu.vector_store %arg6[%swap3A_23, %swap3A_24], %slice3A_22 {strides = array<i32>} : memref<1000x32xf32, #tpu.memory_space<vmem>>, vector<1000x32xf32>,
    %slice3A_26 = vector.extract_strided_slice %mul3A_15 {offsets = [0, 96], sizes = [1000, 32], strides = [1, 1]} : vector<1000x128xf32> to vector<1000x32xf32>
    %swap3A_27 = arith.constant 0 : index
    %swap3A_28 = arith.constant 0 : index
    %swap3A_29 = vector.load %arg7[%swap3A_27, %swap3A_28] : memref<1000x32xf32, #tpu.memory_space<vmem>>, vector<1000x32xf32>
    tpu.vector_store %arg7[%swap3A_27, %swap3A_28], %slice3A_26 {strides = array<i32>} : memref<1000x32xf32, #tpu.memory_space<vmem>>, vector<1000x32xf32>,
    %swap3A_30 = arith.constant 0 : index
    %swap3A_31 = arith.constant 0 : index
    %swap3A_32 = vector.load %arg8[%swap3A_30, %swap3A_31] : memref<1000x1xf32, #tpu.memory_space<vmem>>, vector<1000x1xf32>
    tpu.vector_store %arg8[%swap3A_30, %swap3A_31], %rsqrt3A {strides = array<i32>} : memref<1000x1xf32, #tpu.memory_space<vmem>>, vector<1000x1xf32>,
    return
  }
  func.func @transform_0(%arg0: i32) -> (i32, i32) {
    %c0_i32 = arith.constant 0 : i32
    %c0_i32_0 = arith.constant 0 : i32
    return %arg0, %c0_i32 : i32, i32
  }
  func.func @transform_1(%arg0: i32) -> (i32, i32, i32) {
    %c0_i32 = arith.constant 0 : i32
    %c0_i32_0 = arith.constant 0 : i32
    %c0_i32_1 = arith.constant 0 : i32
    return %c0_i32, %arg0, %c0_i32_0 : i32, i32, i32
  }
  func.func @transform_2(%arg0: i32) -> (i32, i32, i32) {
    %c1_i32 = arith.constant 1 : i32
    %c0_i32 = arith.constant 0 : i32
    %c0_i32_0 = arith.constant 0 : i32
    return %c1_i32, %arg0, %c0_i32 : i32, i32, i32
  }
  func.func @transform_3(%arg0: i32) -> (i32, i32) {
    %c0_i32 = arith.constant 0 : i32
    %c0_i32_0 = arith.constant 0 : i32
    return %arg0, %c0_i32 : i32, i32
  }
  func.func @transform_4(%arg0: i32) -> (i32, i32) {
    %c0_i32 = arith.constant 0 : i32
    %c0_i32_0 = arith.constant 0 : i32
    return %arg0, %c0_i32 : i32, i32
  }
  func.func @transform_5(%arg0: i32) -> (i32, i32) {
    %c0_i32 = arith.constant 0 : i32
    %c0_i32_0 = arith.constant 0 : i32
    return %arg0, %c0_i32 : i32, i32
  }
  func.func @transform_6(%arg0: i32) -> (i32, i32) {
    %c0_i32 = arith.constant 0 : i32
    %c0_i32_0 = arith.constant 0 : i32
    return %arg0, %c0_i32 : i32, i32
  }
  func.func @transform_7(%arg0: i32) -> (i32, i32) {
    %c0_i32 = arith.constant 0 : i32
    %c0_i32_0 = arith.constant 0 : i32
    return %arg0, %c0_i32 : i32, i32
  }
}

module attributes {stable_mosaic.version = 14 : i64} {
  func.func @_tc2_body(%arg0: i32, %arg1: memref<1x1000x32xf32, #tpu.memory_space<vmem>>, %arg2: memref<1x1000x32xf32, #tpu.memory_space<vmem>>, %arg3: memref<1x1000x32xf32, #tpu.memory_space<vmem>>, %arg4: memref<1x1000x32xf32, #tpu.memory_space<vmem>>, %arg5: memref<1000x1xf32, #tpu.memory_space<vmem>>, %arg6: memref<1x128xf32, #tpu.memory_space<vmem>>, %arg7: memref<128x64xf32, #tpu.memory_space<vmem>>, %arg8: memref<1000x32xf32, #tpu.memory_space<vmem>>, %arg9: memref<1000x32xf32, #tpu.memory_space<vmem>>) attributes {dimension_semantics = [#tpu.dimension_semantics<arbitrary>], iteration_bounds = array<i64: 10>, scalar_prefetch = 0 : i64, scratch_operands = 0 : i64, tpu.core_type = #tpu.core_type<tc>, window_params = [{transform_indices = @transform_0, window_bounds = array<i64: 1, 1000, 32>}, {transform_indices = @transform_1, window_bounds = array<i64: 1, 1000, 32>}, {transform_indices = @transform_2, window_bounds = array<i64: 1, 1000, 32>}, {transform_indices = @transform_3, window_bounds = array<i64: 1, 1000, 32>}, {transform_indices = @transform_4, window_bounds = array<i64: 1000, 1>}, {pipeline_mode = #tpu.pipeline_mode<synchronous>, transform_indices = @transform_5, window_bounds = array<i64: 1, 128>}, {pipeline_mode = #tpu.pipeline_mode<synchronous>, transform_indices = @transform_6, window_bounds = array<i64: 128, 64>}, {transform_indices = @transform_7, window_bounds = array<i64: 1000, 32>}, {transform_indices = @transform_8, window_bounds = array<i64: 1000, 32>}]} {
    %get3A = arith.constant 0 : index
    %get3A_0 = arith.constant 0 : index
    %get3A_1 = vector.load %arg5[%get3A, %get3A_0] : memref<1000x1xf32, #tpu.memory_space<vmem>>, vector<1000x1xf32>
    %get3A_2 = arith.constant 0 : index
    %get3A_3 = arith.constant 0 : index
    %get3A_4 = arith.constant 0 : index
    %get3A_5 = vector.load %arg1[%get3A_2, %get3A_3, %get3A_4] : memref<1x1000x32xf32, #tpu.memory_space<vmem>>, vector<1x1000x32xf32>
    %get3A_6 = vector.shape_cast %get3A_5 : vector<1x1000x32xf32> to vector<1000x32xf32>
    %get3A_7 = arith.constant 0 : index
    %get3A_8 = arith.constant 0 : index
    %get3A_9 = arith.constant 0 : index
    %get3A_10 = vector.load %arg2[%get3A_7, %get3A_8, %get3A_9] : memref<1x1000x32xf32, #tpu.memory_space<vmem>>, vector<1x1000x32xf32>
    %get3A_11 = vector.shape_cast %get3A_10 : vector<1x1000x32xf32> to vector<1000x32xf32>
    %get3A_12 = arith.constant 0 : index
    %get3A_13 = arith.constant 0 : index
    %get3A_14 = arith.constant 0 : index
    %get3A_15 = vector.load %arg3[%get3A_12, %get3A_13, %get3A_14] : memref<1x1000x32xf32, #tpu.memory_space<vmem>>, vector<1x1000x32xf32>
    %get3A_16 = vector.shape_cast %get3A_15 : vector<1x1000x32xf32> to vector<1000x32xf32>
    %get3A_17 = arith.constant 0 : index
    %get3A_18 = arith.constant 0 : index
    %get3A_19 = arith.constant 0 : index
    %get3A_20 = vector.load %arg4[%get3A_17, %get3A_18, %get3A_19] : memref<1x1000x32xf32, #tpu.memory_space<vmem>>, vector<1x1000x32xf32>
    %get3A_21 = vector.shape_cast %get3A_20 : vector<1x1000x32xf32> to vector<1000x32xf32>
    %concatenate3A = tpu.concatenate %get3A_6, %get3A_11, %get3A_16, %get3A_21 in 1 : vector<1000x32xf32>, vector<1000x32xf32>, vector<1000x32xf32>, vector<1000x32xf32> -> vector<1000x128xf32>
    %mul3A = vector.broadcast %get3A_1 : vector<1000x1xf32> to vector<1000x128xf32>
    %mul3A_22 = arith.mulf %concatenate3A, %mul3A : vector<1000x128xf32>
    %get3A_23 = arith.constant 0 : index
    %get3A_24 = arith.constant 0 : index
    %get3A_25 = vector.load %arg6[%get3A_23, %get3A_24] : memref<1x128xf32, #tpu.memory_space<vmem>>, vector<1x128xf32>
    %add3A = vector.broadcast %get3A_25 : vector<1x128xf32> to vector<1000x128xf32>
    %add3A_26 = arith.addf %mul3A_22, %add3A : vector<1000x128xf32>
    %max3A = arith.constant 0.000000e+00 : f32
    %max3A_27 = vector.broadcast %max3A : f32 to vector<1000x128xf32>
    %max3A_28 = arith.maximumf %add3A_26, %max3A_27 : vector<1000x128xf32>
    %get3A_29 = arith.constant 0 : index
    %get3A_30 = arith.constant 0 : index
    %get3A_31 = vector.load %arg7[%get3A_29, %get3A_30] : memref<128x64xf32, #tpu.memory_space<vmem>>, vector<128x64xf32>
    %dot_general3A = arith.constant dense<0.000000e+00> : vector<1000x64xf32>
    %dot_general3A_32 = tpu.matmul %max3A_28, %get3A_31, %dot_general3A {dimension_numbers = #tpu.dot_dimension_numbers<[1], [0], [0], [1], [0, 0, 1, 1], [], []>, transpose_lhs_hint = false} : vector<1000x128xf32>, vector<128x64xf32>, vector<1000x64xf32> -> vector<1000x64xf32>
    %mul3A_33 = vector.broadcast %get3A_1 : vector<1000x1xf32> to vector<1000x64xf32>
    %mul3A_34 = arith.mulf %dot_general3A_32, %mul3A_33 : vector<1000x64xf32>
    %slice3A = vector.extract_strided_slice %mul3A_34 {offsets = [0, 0], sizes = [1000, 32], strides = [1, 1]} : vector<1000x64xf32> to vector<1000x32xf32>
    %swap3A = arith.constant 0 : index
    %swap3A_35 = arith.constant 0 : index
    %swap3A_36 = vector.load %arg8[%swap3A, %swap3A_35] : memref<1000x32xf32, #tpu.memory_space<vmem>>, vector<1000x32xf32>
    tpu.vector_store %arg8[%swap3A, %swap3A_35], %slice3A {strides = array<i32>} : memref<1000x32xf32, #tpu.memory_space<vmem>>, vector<1000x32xf32>,
    %slice3A_37 = vector.extract_strided_slice %mul3A_34 {offsets = [0, 32], sizes = [1000, 32], strides = [1, 1]} : vector<1000x64xf32> to vector<1000x32xf32>
    %swap3A_38 = arith.constant 0 : index
    %swap3A_39 = arith.constant 0 : index
    %swap3A_40 = vector.load %arg9[%swap3A_38, %swap3A_39] : memref<1000x32xf32, #tpu.memory_space<vmem>>, vector<1000x32xf32>
    tpu.vector_store %arg9[%swap3A_38, %swap3A_39], %slice3A_37 {strides = array<i32>} : memref<1000x32xf32, #tpu.memory_space<vmem>>, vector<1000x32xf32>,
    return
  }
  func.func @transform_0(%arg0: i32) -> (i32, i32, i32) {
    %c0_i32 = arith.constant 0 : i32
    %c0_i32_0 = arith.constant 0 : i32
    %c0_i32_1 = arith.constant 0 : i32
    return %c0_i32, %arg0, %c0_i32_0 : i32, i32, i32
  }
  func.func @transform_1(%arg0: i32) -> (i32, i32, i32) {
    %c1_i32 = arith.constant 1 : i32
    %c0_i32 = arith.constant 0 : i32
    %c0_i32_0 = arith.constant 0 : i32
    return %c1_i32, %arg0, %c0_i32 : i32, i32, i32
  }
  func.func @transform_2(%arg0: i32) -> (i32, i32, i32) {
    %c2_i32 = arith.constant 2 : i32
    %c0_i32 = arith.constant 0 : i32
    %c0_i32_0 = arith.constant 0 : i32
    return %c2_i32, %arg0, %c0_i32 : i32, i32, i32
  }
  func.func @transform_3(%arg0: i32) -> (i32, i32, i32) {
    %c3_i32 = arith.constant 3 : i32
    %c0_i32 = arith.constant 0 : i32
    %c0_i32_0 = arith.constant 0 : i32
    return %c3_i32, %arg0, %c0_i32 : i32, i32, i32
  }
  func.func @transform_4(%arg0: i32) -> (i32, i32) {
    %c0_i32 = arith.constant 0 : i32
    %c0_i32_0 = arith.constant 0 : i32
    return %arg0, %c0_i32 : i32, i32
  }
  func.func @transform_5(%arg0: i32) -> (i32, i32) {
    %c0_i32 = arith.constant 0 : i32
    %c0_i32_0 = arith.constant 0 : i32
    %c0_i32_1 = arith.constant 0 : i32
    return %c0_i32, %c0_i32_0 : i32, i32
  }
  func.func @transform_6(%arg0: i32) -> (i32, i32) {
    %c0_i32 = arith.constant 0 : i32
    %c0_i32_0 = arith.constant 0 : i32
    %c0_i32_1 = arith.constant 0 : i32
    return %c0_i32, %c0_i32_0 : i32, i32
  }
  func.func @transform_7(%arg0: i32) -> (i32, i32) {
    %c0_i32 = arith.constant 0 : i32
    %c0_i32_0 = arith.constant 0 : i32
    return %arg0, %c0_i32 : i32, i32
  }
  func.func @transform_8(%arg0: i32) -> (i32, i32) {
    %c0_i32 = arith.constant 0 : i32
    %c0_i32_0 = arith.constant 0 : i32
    return %arg0, %c0_i32 : i32, i32
  }
}

module attributes {stable_mosaic.version = 14 : i64} {
  func.func @_tc3_body(%arg0: i32, %arg1: memref<1x1000x32xf32, #tpu.memory_space<vmem>>, %arg2: memref<1x1000x32xf32, #tpu.memory_space<vmem>>, %arg3: memref<1000x1xf32, #tpu.memory_space<vmem>>, %arg4: memref<1x64xf32, #tpu.memory_space<vmem>>, %arg5: memref<1000x64xf32, #tpu.memory_space<vmem>>) attributes {dimension_semantics = [#tpu.dimension_semantics<arbitrary>], iteration_bounds = array<i64: 10>, scalar_prefetch = 0 : i64, scratch_operands = 0 : i64, tpu.core_type = #tpu.core_type<tc>, window_params = [{transform_indices = @transform_0, window_bounds = array<i64: 1, 1000, 32>}, {transform_indices = @transform_1, window_bounds = array<i64: 1, 1000, 32>}, {transform_indices = @transform_2, window_bounds = array<i64: 1000, 1>}, {pipeline_mode = #tpu.pipeline_mode<synchronous>, transform_indices = @transform_3, window_bounds = array<i64: 1, 64>}, {transform_indices = @transform_4, window_bounds = array<i64: 1000, 64>}]} {
    %get3A = arith.constant 0 : index
    %get3A_0 = arith.constant 0 : index
    %get3A_1 = arith.constant 0 : index
    %get3A_2 = vector.load %arg1[%get3A, %get3A_0, %get3A_1] : memref<1x1000x32xf32, #tpu.memory_space<vmem>>, vector<1x1000x32xf32>
    %get3A_3 = vector.shape_cast %get3A_2 : vector<1x1000x32xf32> to vector<1000x32xf32>
    %get3A_4 = arith.constant 0 : index
    %get3A_5 = arith.constant 0 : index
    %get3A_6 = arith.constant 0 : index
    %get3A_7 = vector.load %arg2[%get3A_4, %get3A_5, %get3A_6] : memref<1x1000x32xf32, #tpu.memory_space<vmem>>, vector<1x1000x32xf32>
    %get3A_8 = vector.shape_cast %get3A_7 : vector<1x1000x32xf32> to vector<1000x32xf32>
    %concatenate3A = tpu.concatenate %get3A_3, %get3A_8 in 1 : vector<1000x32xf32>, vector<1000x32xf32> -> vector<1000x64xf32>
    %get3A_9 = arith.constant 0 : index
    %get3A_10 = arith.constant 0 : index
    %get3A_11 = vector.load %arg3[%get3A_9, %get3A_10] : memref<1000x1xf32, #tpu.memory_space<vmem>>, vector<1000x1xf32>
    %mul3A = vector.broadcast %get3A_11 : vector<1000x1xf32> to vector<1000x64xf32>
    %mul3A_12 = arith.mulf %concatenate3A, %mul3A : vector<1000x64xf32>
    %get3A_13 = arith.constant 0 : index
    %get3A_14 = arith.constant 0 : index
    %get3A_15 = vector.load %arg4[%get3A_13, %get3A_14] : memref<1x64xf32, #tpu.memory_space<vmem>>, vector<1x64xf32>
    %add3A = vector.broadcast %get3A_15 : vector<1x64xf32> to vector<1000x64xf32>
    %add3A_16 = arith.addf %mul3A_12, %add3A : vector<1000x64xf32>
    %reduce_max3A = arith.constant dense<0xFF800000> : vector<1000xf32>
    %reduce_max3A_17 = vector.multi_reduction <maximumf>, %add3A_16, %reduce_max3A [1] : vector<1000x64xf32> to vector<1000xf32>
    %broadcast_in_dim3A = vector.shape_cast %reduce_max3A_17 : vector<1000xf32> to vector<1000x1xf32>
    %sub3A = vector.broadcast %broadcast_in_dim3A : vector<1000x1xf32> to vector<1000x64xf32>
    %sub3A_18 = arith.subf %add3A_16, %sub3A : vector<1000x64xf32>
    %exp3A = math.exp %sub3A_18 : vector<1000x64xf32>
    %reduce_sum3A = arith.constant dense<0.000000e+00> : vector<1000xf32>
    %reduce_sum3A_19 = vector.multi_reduction <add>, %exp3A, %reduce_sum3A [1] : vector<1000x64xf32> to vector<1000xf32>
    %broadcast_in_dim3A_20 = vector.shape_cast %reduce_sum3A_19 : vector<1000xf32> to vector<1000x1xf32>
    %log3A = math.log %broadcast_in_dim3A_20 : vector<1000x1xf32>
    %sub3A_21 = vector.broadcast %log3A : vector<1000x1xf32> to vector<1000x64xf32>
    %sub3A_22 = arith.subf %sub3A_18, %sub3A_21 : vector<1000x64xf32>
    %swap3A = arith.constant 0 : index
    %swap3A_23 = arith.constant 0 : index
    %swap3A_24 = vector.load %arg5[%swap3A, %swap3A_23] : memref<1000x64xf32, #tpu.memory_space<vmem>>, vector<1000x64xf32>
    tpu.vector_store %arg5[%swap3A, %swap3A_23], %sub3A_22 {strides = array<i32>} : memref<1000x64xf32, #tpu.memory_space<vmem>>, vector<1000x64xf32>,
    return
  }
  func.func @transform_0(%arg0: i32) -> (i32, i32, i32) {
    %c0_i32 = arith.constant 0 : i32
    %c0_i32_0 = arith.constant 0 : i32
    %c0_i32_1 = arith.constant 0 : i32
    return %c0_i32, %arg0, %c0_i32_0 : i32, i32, i32
  }
  func.func @transform_1(%arg0: i32) -> (i32, i32, i32) {
    %c1_i32 = arith.constant 1 : i32
    %c0_i32 = arith.constant 0 : i32
    %c0_i32_0 = arith.constant 0 : i32
    return %c1_i32, %arg0, %c0_i32 : i32, i32, i32
  }
  func.func @transform_2(%arg0: i32) -> (i32, i32) {
    %c0_i32 = arith.constant 0 : i32
    %c0_i32_0 = arith.constant 0 : i32
    return %arg0, %c0_i32 : i32, i32
  }
  func.func @transform_3(%arg0: i32) -> (i32, i32) {
    %c0_i32 = arith.constant 0 : i32
    %c0_i32_0 = arith.constant 0 : i32
    %c0_i32_1 = arith.constant 0 : i32
    return %c0_i32, %c0_i32_0 : i32, i32
  }
  func.func @transform_4(%arg0: i32) -> (i32, i32) {
    %c0_i32 = arith.constant 0 : i32
    %c0_i32_0 = arith.constant 0 : i32
    return %arg0, %c0_i32 : i32, i32
  }
}

</mosaic_0001>

<sc_bundles>
// kernel: kernel.12.cloned.1.call-start
scs
__scs_entry_jumppad:
0x0: {  	(pc) =	sbr.rel $0x88, $3  }
0x1: {  	(tag) =	ssettag $0x0;
	lr =	simm.s32 $0x1  }
0x2: {  	[smem:$0x3F99] =	sst lr;
	_ =	strace $0xD0000000  }
0x3: {  	_ = 	snop  }
0x4: {  	_ = 	snop  }
0x5: {  	_ = 	snop  }
0x6: {  	_ = 	snop  }
0x7: {  	_ = 	snop  }
__scs_overlays_trampoline_lowered:
0x8: {  	[smem:$0x3FA8] =	sst s0  }
0x9: {  	[smem:$0x3FA9] =	sst s1  }
0xa: {  	[smem:$0x3FAA] =	sst s2  }
0xb: {  	[smem:$0x3FAB] =	sst s3  }
0xc: {  	[smem:$0x3FAC] =	sst s4  }
0xd: {  	[smem:$0x3FAD] =	sst s5  }
0xe: {  	[smem:$0x3FAE] =	sst s6  }
0xf: {  	[smem:$0x3FAF] =	sst s7  }
0x10: {  	[smem:$0x3FB0] =	sst s8  }
0x11: {  	[smem:$0x3FB1] =	sst s9;
	s0 =	simm.s32 @!p0 $0x0  }
0x12: {  	s1 =	sld [smem:$0x3F97];
	s0 =	simm.s32 @p0 $0x1  }
0x13: {  	[smem:$0x3FB2] =	sst s0;
	s0 =	simm.s32 @!p1 $0x0  }
0x14: {  	s2 =	sld [smem:$0x3F96];
	s0 =	simm.s32 @p1 $0x1  }
0x15: {  	[smem:$0x3FB3] =	sst s0;
	s0 =	simm.s32 @!p2 $0x0  }
0x16: {  	s3 =	sld [smem:$0x3FDB];
	s0 =	simm.s32 @p2 $0x1  }
0x17: {  	s4 =	simm.s32 $0x1BF5;
	[smem:$0x3FB5] =	sst s0  }
0x18: {  	s0 =	sld [smem:$0x3F98];
	_ =	swait.ge [sflag:s4], $0x0  }
0x19: {  	s7 =	sld [smem:$0x3F99]  }
0x1a: {  	s8 =	sadd.s32 $0xFFFFE003, lr  }
0x1b: {  	s9 =	sadd.s32 $0xFFFFFEF7, lr;
	s5 =	simm.s32 $0xFFFFFFFF;
	p2 =	slt.u32 s8, $0xFFFFF086  }
0x1c: {  	p1 =	slt.u32 s9, $0xF7A;
	s5 =	simm.s32 @!p2 $0x0  }
0x1d: {  	s5 =	simm.s32 @p1 $0x1;
	p0 =	seq.s32 s7, s2  }
0x1e: {  	s7 =	smul.u32 @!p0 $0xF7A, s2;
	p2 =	seq.s32 @!p0 s5, $0x0  }
0x1f: {  	s9 =	smul.u32 $0xF7A, s1;
	s8 =	simm.s32 @!p0 $0x1BF5;
	p2 =	por !p2, p0  }
0x20: {  	[sflag:s8] =	ssyncset.s32 @!p0 $0xFFFFF086;
	s6 =	sadd.s32 @!p0 s3, s7;
	s7 =	simm.s32 @!p0 $0x108  }
0x21: {  	s3 =	sadd.s32 s3, s9;
	s6 =	sadd.s32 @!p0 $0x88, s6;
	s7 =	simm.s32 @p2 $0x1082  }
0x22: {  	[simem:s7], [sflag:s8] =	dma.local @!p0 [hbm:s6], $0xF7A  }
0x23: {  	s9 =	sor.u32 $0xD0000000, s2;
	s6 =	simm.s32 $0x108;
	_ =	swait.ge @!p0 [sflag:s8], $0x0  }
0x24: {  	s3 =	sadd.s32 $0x88, s3;
	s6 =	simm.s32 @!p1 $0x1082;
	[sflag:s4] =	ssyncset.s32 $0xFFFFF086  }
0x25: {  	[simem:s6], [sflag:s4] =	dma.local [hbm:s3], $0xF7A  }
0x26: {  	[smem:$0x3F99] =	sst s1;
	(tag) =	ssettag s2;
	_ =	strace s9  }
0x27: {  	s1 =	sld [smem:$0x3FA9]  }
0x28: {  	s2 =	sld [smem:$0x3FAA]  }
0x29: {  	s4 =	sld [smem:$0x3FAC]  }
0x2a: {  	p0 =	seq.s32 s5, $0x0;
	s5 =	sld [smem:$0x3FAD]  }
0x2b: {  	s6 =	sld [smem:$0x3FAE]  }
0x2c: {  	s7 =	sld [smem:$0x3FAF]  }
0x2d: {  	s3 =	simm.s32 $0x108;
	s8 =	sld [smem:$0x3FB0]  }
0x2e: {  	s3 =	simm.s32 @!p0 $0x1082;
	s9 =	sld [smem:$0x3FB1]  }
0x2f: {  	lr =	sadd.s32 s0, s3;
	s0 =	sld [smem:$0x3FA8]  }
0x30: {  	s3 =	sld [smem:$0x3FAB]  }
0x31: {  	[smem:$0x3FB4] =	sst s10  }
0x32: {  	s10 =	sld [smem:$0x3FB2];
	_ =	sdelay $0x3  }
0x33: {  	p0 =	seq.s32 s10, $0x1;
	s10 =	sld [smem:$0x3FB4];
	_ =	sdelay $0x3  }
0x34: {  	[smem:$0x3FB4] =	sst s10  }
0x35: {  	s10 =	sld [smem:$0x3FB3];
	_ =	sdelay $0x3  }
0x36: {  	p1 =	seq.s32 s10, $0x1;
	s10 =	sld [smem:$0x3FB4];
	_ =	sdelay $0x3  }
0x37: {  	[smem:$0x3FB4] =	sst s10  }
0x38: {  	s10 =	sld [smem:$0x3FB5]  }
0x39: {  	_ = 	snop;
	(pc) =	sbr.ind lr, $3  }
0x3a: {  	_ = 	snop  }
0x3b: {  	_ = 	snop  }
0x3c: {  	p2 =	seq.s32 s10, $0x1;
	s10 =	sld [smem:$0x3FB4]  }
0x3d: {  	_ =	shalt  }
0x3e: {  	_ =	shalt  }
0x3f: {  	_ =	shalt  }
0x40: {  	_ =	shalt  }
0x41: {  	_ =	shalt  }
0x42: {  	_ =	shalt  }
0x43: {  	_ =	shalt  }
0x44: {  	_ =	shalt  }
0x45: {  	_ =	shalt  }
0x46: {  	_ =	shalt  }
0x47: {  	_ =	shalt  }
0x48: {  	_ =	shalt  }
0x49: {  	_ =	shalt  }
0x4a: {  	_ =	shalt  }
0x4b: {  	_ =	shalt  }
0x4c: {  	_ =	shalt  }
0x4d: {  	_ =	shalt  }
0x4e: {  	_ =	shalt  }
0x4f: {  	_ =	shalt  }
0x50: {  	_ =	shalt  }
0x51: {  	_ =	shalt  }
0x52: {  	_ =	shalt  }
0x53: {  	_ =	shalt  }
0x54: {  	_ =	shalt  }
0x55: {  	_ =	shalt  }
0x56: {  	_ =	shalt  }
0x57: {  	_ =	shalt  }
0x58: {  	_ =	shalt  }
0x59: {  	_ =	shalt  }
0x5a: {  	_ =	shalt  }
0x5b: {  	_ =	shalt  }
0x5c: {  	_ =	shalt  }
0x5d: {  	_ =	shalt  }
0x5e: {  	_ =	shalt  }
0x5f: {  	_ =	shalt  }
0x60: {  	_ =	shalt  }
0x61: {  	_ =	shalt  }
0x62: {  	_ =	shalt  }
0x63: {  	_ =	shalt  }
0x64: {  	_ =	shalt  }
0x65: {  	_ =	shalt  }
0x66: {  	_ =	shalt  }
0x67: {  	_ =	shalt  }
0x68: {  	_ =	shalt  }
0x69: {  	_ =	shalt  }
0x6a: {  	_ =	shalt  }
0x6b: {  	_ =	shalt  }
0x6c: {  	_ =	shalt  }
0x6d: {  	_ =	shalt  }
0x6e: {  	_ =	shalt  }
0x6f: {  	_ =	shalt  }
0x70: {  	_ =	shalt  }
0x71: {  	_ =	shalt  }
0x72: {  	_ =	shalt  }
0x73: {  	_ =	shalt  }
0x74: {  	_ =	shalt  }
0x75: {  	_ =	shalt  }
0x76: {  	_ =	shalt  }
0x77: {  	_ =	shalt  }
0x78: {  	_ =	shalt  }
0x79: {  	_ =	shalt  }
0x7a: {  	_ =	shalt  }
0x7b: {  	_ =	shalt  }
0x7c: {  	_ =	shalt  }
0x7d: {  	_ =	shalt  }
0x7e: {  	_ =	shalt  }
0x7f: {  	_ =	shalt  }
0x80: {  	_ =	shalt  }
0x81: {  	_ =	shalt  }
0x82: {  	_ =	shalt  }
0x83: {  	_ =	shalt  }
0x84: {  	_ =	shalt  }
0x85: {  	_ =	shalt  }
0x86: {  	_ =	shalt  }
0x87: {  	_ =	shalt  }
.Lfunc_end0:
.L_simem_size_0:
called_computation.1_lowered:
.L_overlay_start_0:
0x88: {  	s2 =	sld [smem:$0x3FD9]  }
0x89: {  	s3 =	sld [smem:$0x3FFE];
	_ =	sdelay $0x1  }
0x8a: {  	s1 =	srdreg.scid  }
0x8b: {  	s0 =	sand.u32 $0x1, s1  }
0x8c: {  	s17 =	sshll.u32 s0, $0xA;
	s2 =	sadd.s32 s3, s2  }
0x8d: {  	s2 =	sadd.s32 s2, s17  }
0x8e: {  	[smem:$0x3FC0] =	sst s2  }
0x8f: {  	_ = 	snop  }
0x90: {  	s2 =	sld [smem:$0x3FD0];
	(tm) =	ssettm $0x1  }
0x91: {  	s18 =	sld [smem:$0x3FFB];
	_ =	sdelay $0x3  }
0x92: {  	_ =	strace s18  }
0x93: {  	s3 =	sld [smem:$0x3FFC];
	_ =	sdelay $0x3  }
0x94: {  	_ =	strace s3  }
0x95: {  	s3 =	sld [smem:$0x3FFD];
	_ =	sdelay $0x3  }
0x96: {  	_ =	strace s3  }
0x97: {  	_ =	strace $0x8FFFFFFF  }
0x98: {  	s19 =	sld [smem:$0x3FDB];
	_ =	sdelay $0x1  }
0x99: {  	s4 =	simm.s32 $_scs_section_size  }
0x9a: {  	s5 =	simm.s32 $_size__tile_overlayer_lowered;
	s6 =	simm.s32 $_tile_overlayer_lowered  }
0x9b: {  	s22 =	simm.s32 $0x1BFF;
	s21 =	sshll.u32 s6, $0x1;
	s3 =	sadd.s32 s4, s19  }
0x9c: {  	s7 =	simm.s32 $0x0;
	s20 =	sshll.u32 s5, $0x1;
	s5 =	sadd.s32 s21, s3  }
0x9d: {  	[timem:s7], [sflag:s22] =	dma.local [hbm:s5], s20  }
0x9e: {  	_ =	swait.ge [sflag:s22], s20  }
0x9f: {  	s4 =	ssub.s32 $0x0, s20;
	[sflag:s22] =	ssyncset.done $0x0  }
0xa0: {  	[sflag:s22] =	ssyncadd.s32 s4;
	_ =	sdelay $0x1  }
0xa1: {  	s23 =	simm.s32 $0x1B8B  }
0xa2: {  	_ =	swait.ge [sflag:s23], $0x1  }
0xa3: {  	[sflag:s23] =	ssyncset.done $0x0  }
0xa4: {  	s25 =	simm.s32 $0x1B8E;
	s24 =	sld [smem:$0x3FFE];
	[sflag:s23] =	ssyncadd.s32 $0xFFFFFFFF  }
0xa5: {  	s26 =	simm.s32 $execute0_lowered;
	[smem:$0x3FD2] =	sst s25  }
0xa6: {  	s5 =	sshll.u32 s26, $0x1;
	_ =	strace $0x80000049;
	[dreg:$0x1] =	wrdreg $0xFFFFFFFF  }
0xa7: {  	s28 =	simm.s32 $_size_execute0_lowered;
	s3 =	sadd.s32 s3, s5;
	[dreg:$0x0] =	wrdreg $0x0  }
0xa8: {  	s5 =	sshll.u32 s28, $0x1;
	[dreg:$0x2] =	wrdreg s3  }
0xa9: {  	[dreg:$0x3] =	wrdreg s5  }
0xaa: {  	[dreg:$0x4] =	wrdreg $0xC0  }
0xab: {  	_ =	task [dreg:s7], $0x5FFFF  }
0xac: {  	[dreg:$0x1] =	wrdreg $0xFFFFFFFF  }
0xad: {  	[dreg:$0x0] =	wrdreg $0x60  }
0xae: {  	[dreg:$0x2] =	wrdreg s24  }
0xaf: {  	[dreg:$0x3] =	wrdreg s2  }
0xb0: {  	[dreg:$0x4] =	wrdreg $0x109A00  }
0xb1: {  	[dreg:$0x5] =	wrdreg $0x158A00  }
0xb2: {  	[dreg:$0x6] =	wrdreg $0x9  }
0xb3: {  	_ =	task.clear_ibuf [dreg:s7], $0x7FFFF;
	_ =	strace $0x90000049  }
0xb4: {  	s29 =	simm.s32 $0x9;
	_ =	strace $0x8000004B  }
0xb5: {  	_ =	swait.ge [sflag:s29], $0x1  }
0xb6: {  	[sflag:s29] =	ssyncadd.s32 $0xFFFFFFFF  }
0xb7: {  	_ =	strace $0x9000004B  }
0xb8: {  	_ =	sfence  }
0xb9: {  	s30 =	sld [smem:$0x0];
	_ =	sdelay $0x2  }
0xba: {  	s31 =	sshll.u32 s1, $0xD;
	s1 =	sshrl.u32 s1, $0x2  }
0xbb: {  	s3 =	sand.u32 $0x4000, s31;
	s1 =	sadd.s32 s1, s30  }
0xbc: {  	s0 =	sor.u32 s3, s0;
	s1 =	sshll.u32 s1, $0x11  }
0xbd: {  	s0 =	sor.u32 s1, s0  }
0xbe: {  	s0 =	sadd.s32 $0x8F2B, s0  }
0xbf: {  	[sflag:s0] =	ssyncadd.remote.s32 $0x1  }
0xc0: {  	_ =	sfence.sel $0xFFFF  }
0xc1: {  	[dreg:$0x0] =	wrdreg $0xFFFFFFFF;
	(pc) =	sbr.abs _section_cstart, $3  }
0xc2: {  	[dreg:$0x1] =	wrdreg $0xFFFFFFFF  }
0xc3: {  	_ =	task.clear_ibuf [dreg:s7], $0x2FFFF;
	_ =	strace $0x9FFFFFFF  }
0xc4: {  	(tm) =	ssettm $0x7FFFFFFF  }
0xc5: {  	_ =	shalt  }
tec
execute0_lowered:
.L_overlay_start_1:
0x0: {  	(tag) =	ssettag $0x1  }
0x1: {  	s5 =	rddreg [dreg:$0x0]  }
0x2: {  	s12 =	rddreg [dreg:$0x1]  }
0x3: {  	s2 =	rddreg [dreg:$0x2]  }
0x4: {  	s3 =	rddreg [dreg:$0x3]  }
0x5: {  	s6 =	srdreg.scid;
	s1 =	stileid.u32;
	s4 =	simm.s32 $0x0  }
0x6: {  	s22 =	simm.s32 $0xBB8;
	s23 =	simm.s32 $0x1;
	s24 =	simm.s32 $0x8CA0  }
0x7: {  	s25 =	simm.s32 $0x2;
	s26 =	simm.s32 $0x0;
	s6 =	sand.u32 $0x1, s6  }
0x8: {  	s7 =	smul.u32 $0x4F00, s1;
	[smem:$0x7FF] =	sst s4;
	s15 =	sadd.s32 $0x2E00, s5  }
0x9: {  	s13 =	sadd.s32 $0x16800, s5;
	s14 =	sadd.s32 $0x2A400, s5;
	s10 =	smul.u32 $0x4E20, s1  }
0xa: {  	s16 =	sadd.s32 $0x20600, s5;
	s31 =	sshll.u32 s1, $0x6;
	s21 =	smul.u32 $0x9C4, s1  }
0xb: {  	s8 =	smul.u32 $0x9E000, s6;
	_ =	strace $0x8000004A;
	s9 =	ssub.s32 $0x2, s6  }
0xc: {  	p0 =	seq.s32 s6, $0x0;
	s29 =	sshrl.u32 s9, $0x1;
	s30 =	sshrl.u32 s10, $0x3  }
0xd: {  	s17 =	sadd.s32 s7, s2;
	s18 =	sshrl.u32 s7, $0x3;
	s19 =	sadd.s32 s7, s3  }
0xe: {  	s11 =	sadd.s32 $0x4A38, s10;
	s10 =	sadd.s32 $0x52C38, s10;
	s14 =	smov.u32 @p0 s12  }
0xf: {  	s16 =	smov.u32 @p0 s13;
	s13 =	sor.u32 $0x1C03, s31;
	s8 =	sadd.s32 s7, s8  }
0x10: {  	s9 =	ssub.s32 s9, s29;
	s11 =	sshrl.u32 s11, $0x3;
	s20 =	sshrl.u32 s10, $0x3  }
0x11: {  	s12 =	sadd.s32 s14, s18;
	s14 =	sadd.s32 s16, s18;
	s16 =	sshrl.u32 s17, $0x3  }
0x12: {  	s17 =	simm.s32 $0x3;
	s18 =	sshrl.u32 s19, $0x3;
	s19 =	simm.s32 $0x3E8  }
0x13: {  	s8 =	sshrl.u32 s8, $0x3;
	s9 =	smax.u32 s9, $0x1;
	s10 =	sadd.s32 s15, s11  }
0x14: {  	s11 =	sadd.s32 s15, s20;
	s20 =	simm.s32 $0xFA0;
	s8 =	sadd.s32 s8, s5  }
0x15: {  	s5 =	sadd.s32 s15, s30;
	s15 =	sadd.s32 s21, s15;
	s21 =	simm.s32 $0x7D0  }
0x16: {  	s6 =	sadd.s32 $0x9C40, s5;
	s7 =	sadd.s32 $0x34200, s8;
	s8 =	sadd.s32 $0x3E000, s8  }
.LBB2_1:
0x17: {  	[spmem:s16], [sflag:s13] =	dma.local [hbm:s12], $0x9E0  }
0x18: {  	_ =	swait.ge [sflag:s17], $0x9E0  }
0x19: {  	[sflag:s17] =	ssyncset.done $0x0  }
0x1a: {  	[sflag:s17] =	ssyncadd.s32 $0xFFFFF620  }
0x1b: {  	[spmem:s18], [sflag:s13] =	dma.local [hbm:s12], $0x9E0  }
0x1c: {  	_ =	swait.ge [sflag:s17], $0x9E0  }
0x1d: {  	[sflag:s17] =	ssyncset.done $0x0  }
0x1e: {  	[sflag:s17] =	ssyncadd.s32 $0xFFFFF620  }
0x1f: {  	[bflag:$0x0] =	sbarrier.arrive $0xFFFF  }
0x20: {  	[tilespmem:s4], [sflag:$0x3] =	stream.linear.gather [hbm4b:s5+s4], $0x3E8, $0x38;
	[tilespmem:$0x1A7A0] =	vst v63  }
0x21: {  	_ =	swait.ge [sflag:s17], $0x3E8  }
0x22: {  	[sflag:s17] =	ssyncset.done $0x0  }
0x23: {  	[sflag:s17] =	ssyncadd.s32 $0xFFFFFC18  }
0x24: {  	[tilespmem:s19], [sflag:$0x3] =	stream.linear.gather [hbm4b:s6+s4], $0x3E8, $0x38;
	[tilespmem:$0x1A7A0] =	vst v63  }
0x25: {  	_ =	swait.ge [sflag:s17], $0x3E8  }
0x26: {  	[sflag:s17] =	ssyncset.done $0x0  }
0x27: {  	s28 =	sadd.s32 $0xFFFFF736, s15;
	[sflag:s17] =	ssyncadd.s32 $0xFFFFFC18  }
0x28: {  	[tilespmem:s20], [sflag:$0x1] =	stream.indirect.gather [spmem:s2], $0x20, s4, s19, $0xb8;
	[tilespmem:$0x1A7A0] =	vst v63  }
0x29: {  	s29 =	sadd.s32 $0x947, s28  }
0x2a: {  	[tilespmem:s21], [sflag:$0x3] =	stream.linear.gather [hbm4b:s29+s4], $0x3E8, $0x38;
	[tilespmem:$0x1A7A0] =	vst v63  }
0x2b: {  	_ =	swait.ge [sflag:s17], $0x3E8  }
0x2c: {  	[sflag:s17] =	ssyncset.done $0x0  }
0x2d: {  	s0 =	sadd.s32 $0xA587, s28;
	[sflag:s17] =	ssyncadd.s32 $0xFFFFFC18  }
0x2e: {  	[tilespmem:s22], [sflag:$0x3] =	stream.linear.gather [hbm4b:s0+s4], $0x3E8, $0x38;
	[tilespmem:$0x1A7A0] =	vst v63  }
0x2f: {  	_ =	swait.ge [sflag:s17], $0x3E8  }
0x30: {  	[sflag:s17] =	ssyncset.done $0x0  }
0x31: {  	[sflag:s17] =	ssyncadd.s32 $0xFFFFFC18  }
0x32: {  	_ =	swait.ge [sflag:s23], $0x7D00  }
0x33: {  	[sflag:s23] =	ssyncset.done $0x0  }
0x34: {  	[sflag:s23] =	ssyncadd.s32 $0xFFFF8300  }
0x35: {  	[tilespmem:s24], [sflag:$0x2] =	stream.indirect.gather [spmem:s2], $0x20, s21, s19, $0xb8;
	[tilespmem:$0x1A7A0] =	vst v63  }
0x36: {  	_ = 	snop  }
0x37: {  	[spmem:s3] =	stream.indirect.scatter.add.f32 [tilespmem:s20], [sflag:$0x3], $0x20, s19, s19, $0xb8;
	[tilespmem:$0x1A7A0] =	vst v63  }
0x38: {  	_ =	swait.ge [sflag:s17], $0x7D00  }
0x39: {  	[sflag:s17] =	ssyncset.done $0x0  }
0x3a: {  	s30 =	sadd.s32 $0x9C4, s28;
	[sflag:s17] =	ssyncadd.s32 $0xFFFF8300  }
0x3b: {  	[tilespmem:s4], [sflag:$0x3] =	stream.linear.gather [hbm4b:s30+s4], $0x3E8, $0x38;
	[tilespmem:$0x1A7A0] =	vst v63  }
0x3c: {  	_ =	swait.ge [sflag:s17], $0x3E8  }
0x3d: {  	[sflag:s17] =	ssyncset.done $0x0  }
0x3e: {  	s28 =	sadd.s32 $0xA604, s28;
	[sflag:s17] =	ssyncadd.s32 $0xFFFFFC18  }
0x3f: {  	[tilespmem:s19], [sflag:$0x3] =	stream.linear.gather [hbm4b:s28+s4], $0x3E8, $0x38;
	[tilespmem:$0x1A7A0] =	vst v63  }
0x40: {  	_ =	swait.ge [sflag:s17], $0x3E8  }
0x41: {  	[sflag:s17] =	ssyncset.done $0x0  }
0x42: {  	[sflag:s17] =	ssyncadd.s32 $0xFFFFFC18  }
0x43: {  	[tilespmem:s20], [sflag:$0x1] =	stream.indirect.gather [spmem:s2], $0x20, s4, s19, $0xb8;
	[tilespmem:$0x1A7A0] =	vst v63  }
0x44: {  	_ =	swait.ge [sflag:s25], $0x7D00  }
0x45: {  	[sflag:s25] =	ssyncset.done $0x0  }
0x46: {  	[sflag:s25] =	ssyncadd.s32 $0xFFFF8300  }
0x47: {  	[spmem:s3] =	stream.indirect.scatter.add.f32 [tilespmem:s24], [sflag:$0x3], $0x20, s22, s19, $0xb8;
	[tilespmem:$0x1A7A0] =	vst v63  }
0x48: {  	_ =	swait.ge [sflag:s17], $0x7D00  }
0x49: {  	s31 =	simm.s32 $0xFFFFF92A;
	s28 =	sadd.s32 $0xFFFFF830, s15;
	[sflag:s17] =	ssyncset.done $0x0  }
.LBB2_2:
0x4a: {  	s0 =	sadd.s32 $0x947, s28  }
0x4b: {  	[sflag:s17] =	ssyncadd.s32 $0xFFFF8300;
	s30 =	smov.u32 s31;
	s29 =	sadd.s32 $0xFA, s31  }
0x4c: {  	[tilespmem:s21], [sflag:$0x3] =	stream.linear.gather [hbm4b:s0+s4], $0x3E8, $0x38;
	[tilespmem:$0x1A7A0] =	vst v63  }
0x4d: {  	p0 =	sne.s32 s31, $0xFFFFFF06;
	_ =	swait.ge [sflag:s17], $0x3E8  }
0x4e: {  	[sflag:s17] =	ssyncset.done $0x0  }
0x4f: {  	s0 =	sadd.s32 $0xA587, s28;
	[sflag:s17] =	ssyncadd.s32 $0xFFFFFC18  }
0x50: {  	[tilespmem:s22], [sflag:$0x3] =	stream.linear.gather [hbm4b:s0+s4], $0x3E8, $0x38;
	[tilespmem:$0x1A7A0] =	vst v63  }
0x51: {  	_ =	swait.ge [sflag:s17], $0x3E8  }
0x52: {  	[sflag:s17] =	ssyncset.done $0x0  }
0x53: {  	[sflag:s17] =	ssyncadd.s32 $0xFFFFFC18  }
0x54: {  	_ =	swait.ge [sflag:s23], $0x7D00  }
0x55: {  	[sflag:s23] =	ssyncset.done $0x0  }
0x56: {  	[sflag:s23] =	ssyncadd.s32 $0xFFFF8300  }
0x57: {  	[tilespmem:s24], [sflag:$0x2] =	stream.indirect.gather [spmem:s2], $0x20, s21, s19, $0xb8;
	[tilespmem:$0x1A7A0] =	vst v63  }
0x58: {  	_ = 	snop  }
0x59: {  	[spmem:s3] =	stream.indirect.scatter.add.f32 [tilespmem:s20], [sflag:$0x3], $0x20, s19, s19, $0xb8;
	[tilespmem:$0x1A7A0] =	vst v63  }
0x5a: {  	_ =	swait.ge [sflag:s17], $0x7D00  }
0x5b: {  	[sflag:s17] =	ssyncset.done $0x0  }
0x5c: {  	s0 =	sadd.s32 $0x9C4, s28;
	[sflag:s17] =	ssyncadd.s32 $0xFFFF8300  }
0x5d: {  	[tilespmem:s4], [sflag:$0x3] =	stream.linear.gather [hbm4b:s0+s4], $0x3E8, $0x38;
	[tilespmem:$0x1A7A0] =	vst v63  }
0x5e: {  	_ =	swait.ge [sflag:s17], $0x3E8  }
0x5f: {  	[sflag:s17] =	ssyncset.done $0x0  }
0x60: {  	s0 =	sadd.s32 $0xA604, s28;
	[sflag:s17] =	ssyncadd.s32 $0xFFFFFC18  }
0x61: {  	[tilespmem:s19], [sflag:$0x3] =	stream.linear.gather [hbm4b:s0+s4], $0x3E8, $0x38;
	[tilespmem:$0x1A7A0] =	vst v63  }
0x62: {  	_ =	swait.ge [sflag:s17], $0x3E8  }
0x63: {  	[sflag:s17] =	ssyncset.done $0x0  }
0x64: {  	[sflag:s17] =	ssyncadd.s32 $0xFFFFFC18  }
0x65: {  	[tilespmem:s20], [sflag:$0x1] =	stream.indirect.gather [spmem:s2], $0x20, s4, s19, $0xb8;
	[tilespmem:$0x1A7A0] =	vst v63  }
0x66: {  	_ =	swait.ge [sflag:s25], $0x7D00  }
.Ltmp0:
0x67: {  	[sflag:s25] =	ssyncset.done $0x0;
	(pc) =	sbr.rel @p0 .LBB2_2-.Ltmp0, $4  }
0x68: {  	[sflag:s25] =	ssyncadd.s32 $0xFFFF8300  }
0x69: {  	[spmem:s3] =	stream.indirect.scatter.add.f32 [tilespmem:s24], [sflag:$0x3], $0x20, s22, s19, $0xb8;
	[tilespmem:$0x1A7A0] =	vst v63  }
0x6a: {  	_ =	swait.ge [sflag:s17], $0x7D00  }
0x6b: {  	s31 =	smov.u32 s29;
	s28 =	sadd.s32 s30, s15;
	[sflag:s17] =	ssyncset.done $0x0  }
0x6c: {  	s0 =	sadd.s32 $0x947, s28;
	[sflag:s17] =	ssyncadd.s32 $0xFFFF8300  }
0x6d: {  	[tilespmem:s21], [sflag:$0x3] =	stream.linear.gather [hbm4b:s0+s4], $0x3E8, $0x38;
	[tilespmem:$0x1A7A0] =	vst v63  }
0x6e: {  	_ =	swait.ge [sflag:s17], $0x3E8  }
0x6f: {  	[sflag:s17] =	ssyncset.done $0x0  }
0x70: {  	s29 =	sadd.s32 $0xA587, s28;
	[sflag:s17] =	ssyncadd.s32 $0xFFFFFC18  }
0x71: {  	[tilespmem:s22], [sflag:$0x3] =	stream.linear.gather [hbm4b:s29+s4], $0x3E8, $0x38;
	[tilespmem:$0x1A7A0] =	vst v63  }
0x72: {  	_ =	swait.ge [sflag:s17], $0x3E8  }
0x73: {  	[sflag:s17] =	ssyncset.done $0x0  }
0x74: {  	[sflag:s17] =	ssyncadd.s32 $0xFFFFFC18  }
0x75: {  	_ =	swait.ge [sflag:s23], $0x7D00  }
0x76: {  	[sflag:s23] =	ssyncset.done $0x0  }
0x77: {  	[sflag:s23] =	ssyncadd.s32 $0xFFFF8300  }
0x78: {  	[tilespmem:s24], [sflag:$0x2] =	stream.indirect.gather [spmem:s2], $0x20, s21, s19, $0xb8;
	[tilespmem:$0x1A7A0] =	vst v63  }
0x79: {  	_ = 	snop  }
0x7a: {  	[spmem:s3] =	stream.indirect.scatter.add.f32 [tilespmem:s20], [sflag:$0x3], $0x20, s19, s19, $0xb8;
	[tilespmem:$0x1A7A0] =	vst v63  }
0x7b: {  	_ =	swait.ge [sflag:s17], $0x7D00  }
0x7c: {  	[sflag:s17] =	ssyncset.done $0x0  }
0x7d: {  	s30 =	sadd.s32 $0x9C4, s28;
	[sflag:s17] =	ssyncadd.s32 $0xFFFF8300  }
0x7e: {  	[tilespmem:s4], [sflag:$0x3] =	stream.linear.gather [hbm4b:s30+s4], $0x3E8, $0x38;
	[tilespmem:$0x1A7A0] =	vst v63  }
0x7f: {  	_ =	swait.ge [sflag:s17], $0x3E8  }
0x80: {  	[sflag:s17] =	ssyncset.done $0x0  }
0x81: {  	s29 =	sadd.s32 $0xA604, s28;
	[sflag:s17] =	ssyncadd.s32 $0xFFFFFC18  }
0x82: {  	[tilespmem:s19], [sflag:$0x3] =	stream.linear.gather [hbm4b:s29+s4], $0x3E8, $0x38;
	[tilespmem:$0x1A7A0] =	vst v63  }
0x83: {  	_ =	swait.ge [sflag:s17], $0x3E8  }
0x84: {  	[sflag:s17] =	ssyncset.done $0x0  }
0x85: {  	[sflag:s17] =	ssyncadd.s32 $0xFFFFFC18  }
0x86: {  	[tilespmem:s20], [sflag:$0x1] =	stream.indirect.gather [spmem:s2], $0x20, s4, s19, $0xb8;
	[tilespmem:$0x1A7A0] =	vst v63  }
0x87: {  	_ =	swait.ge [sflag:s25], $0x7D00  }
0x88: {  	[sflag:s25] =	ssyncset.done $0x0  }
0x89: {  	[sflag:s25] =	ssyncadd.s32 $0xFFFF8300  }
0x8a: {  	[spmem:s3] =	stream.indirect.scatter.add.f32 [tilespmem:s24], [sflag:$0x3], $0x20, s22, s19, $0xb8;
	[tilespmem:$0x1A7A0] =	vst v63  }
0x8b: {  	_ =	swait.ge [sflag:s17], $0x7D00  }
0x8c: {  	[sflag:s17] =	ssyncset.done $0x0  }
0x8d: {  	[sflag:s17] =	ssyncadd.s32 $0xFFFF8300  }
0x8e: {  	[tilespmem:s21], [sflag:$0x3] =	stream.linear.gather [hbm4b:s10+s4], $0x3E8, $0x38;
	[tilespmem:$0x1A7A0] =	vst v63  }
0x8f: {  	_ =	swait.ge [sflag:s17], $0x3E8  }
0x90: {  	[sflag:s17] =	ssyncset.done $0x0  }
0x91: {  	[sflag:s17] =	ssyncadd.s32 $0xFFFFFC18  }
0x92: {  	[tilespmem:s22], [sflag:$0x3] =	stream.linear.gather [hbm4b:s11+s4], $0x3E8, $0x38;
	[tilespmem:$0x1A7A0] =	vst v63  }
0x93: {  	_ =	swait.ge [sflag:s17], $0x3E8  }
0x94: {  	[sflag:s17] =	ssyncset.done $0x0  }
0x95: {  	[sflag:s17] =	ssyncadd.s32 $0xFFFFFC18  }
0x96: {  	_ =	swait.ge [sflag:s23], $0x7D00  }
0x97: {  	[sflag:s23] =	ssyncset.done $0x0  }
0x98: {  	[sflag:s23] =	ssyncadd.s32 $0xFFFF8300  }
0x99: {  	[tilespmem:s24], [sflag:$0x2] =	stream.indirect.gather [spmem:s2], $0x20, s21, s19, $0xb8;
	[tilespmem:$0x1A7A0] =	vst v63  }
0x9a: {  	_ = 	snop  }
0x9b: {  	[spmem:s3] =	stream.indirect.scatter.add.f32 [tilespmem:s20], [sflag:$0x3], $0x20, s19, s19, $0xb8;
	[tilespmem:$0x1A7A0] =	vst v63  }
0x9c: {  	_ =	swait.ge [sflag:s17], $0x7D00  }
0x9d: {  	[sflag:s17] =	ssyncset.done $0x0  }
0x9e: {  	[sflag:s17] =	ssyncadd.s32 $0xFFFF8300  }
0x9f: {  	_ =	swait.ge [sflag:s25], $0x7D00  }
0xa0: {  	[sflag:s25] =	ssyncset.done $0x0  }
0xa1: {  	[sflag:s25] =	ssyncadd.s32 $0xFFFF8300  }
0xa2: {  	[spmem:s3] =	stream.indirect.scatter.add.f32 [tilespmem:s24], [sflag:$0x3], $0x20, s22, s19, $0xb8;
	[tilespmem:$0x1A7A0] =	vst v63  }
0xa3: {  	_ =	swait.ge [sflag:s17], $0x7D00  }
0xa4: {  	[sflag:s17] =	ssyncset.done $0x0  }
0xa5: {  	[sflag:s17] =	ssyncadd.s32 $0xFFFF8300  }
0xa6: {  	[bflag:$0x0] =	sbarrier.arrive $0xFFFF  }
0xa7: {  	[hbm:s7], [sflag:s13] =	dma.local [spmem:s18], $0x9E0  }
0xa8: {  	_ =	swait.ge [sflag:s17], $0x9E0  }
0xa9: {  	[sflag:s17] =	ssyncset.done $0x0  }
0xaa: {  	[sflag:s17] =	ssyncadd.s32 $0xFFFFF620  }
0xab: {  	[spmem:s16], [sflag:s13] =	dma.local [hbm:s14], $0x9E0  }
0xac: {  	_ =	swait.ge [sflag:s17], $0x9E0  }
0xad: {  	[sflag:s17] =	ssyncset.done $0x0  }
0xae: {  	[sflag:s17] =	ssyncadd.s32 $0xFFFFF620  }
0xaf: {  	[spmem:s18], [sflag:s13] =	dma.local [hbm:s14], $0x9E0  }
0xb0: {  	_ =	swait.ge [sflag:s17], $0x9E0  }
0xb1: {  	[sflag:s17] =	ssyncset.done $0x0  }
0xb2: {  	[sflag:s17] =	ssyncadd.s32 $0xFFFFF620  }
0xb3: {  	[bflag:$0x0] =	sbarrier.arrive $0xFFFF  }
0xb4: {  	[tilespmem:s4], [sflag:$0x3] =	stream.linear.gather [hbm4b:s5+s4], $0x3E8, $0x38;
	[tilespmem:$0x1A7A0] =	vst v63  }
0xb5: {  	_ =	swait.ge [sflag:s17], $0x3E8  }
0xb6: {  	[sflag:s17] =	ssyncset.done $0x0  }
0xb7: {  	[sflag:s17] =	ssyncadd.s32 $0xFFFFFC18  }
0xb8: {  	[tilespmem:s19], [sflag:$0x3] =	stream.linear.gather [hbm4b:s6+s4], $0x3E8, $0x38;
	[tilespmem:$0x1A7A0] =	vst v63  }
0xb9: {  	_ =	swait.ge [sflag:s17], $0x3E8  }
0xba: {  	[sflag:s17] =	ssyncset.done $0x0  }
0xbb: {  	s30 =	sadd.s32 $0xFFFFF736, s15;
	[sflag:s17] =	ssyncadd.s32 $0xFFFFFC18  }
0xbc: {  	[tilespmem:s20], [sflag:$0x1] =	stream.indirect.gather [spmem:s2], $0x20, s4, s19, $0xb8;
	[tilespmem:$0x1A7A0] =	vst v63  }
0xbd: {  	s28 =	sadd.s32 $0x947, s30  }
0xbe: {  	[tilespmem:s21], [sflag:$0x3] =	stream.linear.gather [hbm4b:s28+s4], $0x3E8, $0x38;
	[tilespmem:$0x1A7A0] =	vst v63  }
0xbf: {  	_ =	swait.ge [sflag:s17], $0x3E8  }
0xc0: {  	[sflag:s17] =	ssyncset.done $0x0  }
0xc1: {  	s28 =	sadd.s32 $0xA587, s30;
	[sflag:s17] =	ssyncadd.s32 $0xFFFFFC18  }
0xc2: {  	[tilespmem:s22], [sflag:$0x3] =	stream.linear.gather [hbm4b:s28+s4], $0x3E8, $0x38;
	[tilespmem:$0x1A7A0] =	vst v63  }
0xc3: {  	_ =	swait.ge [sflag:s17], $0x3E8  }
0xc4: {  	[sflag:s17] =	ssyncset.done $0x0  }
0xc5: {  	[sflag:s17] =	ssyncadd.s32 $0xFFFFFC18  }
0xc6: {  	_ =	swait.ge [sflag:s23], $0x7D00  }
0xc7: {  	[sflag:s23] =	ssyncset.done $0x0  }
0xc8: {  	[sflag:s23] =	ssyncadd.s32 $0xFFFF8300  }
0xc9: {  	[tilespmem:s24], [sflag:$0x2] =	stream.indirect.gather [spmem:s2], $0x20, s21, s19, $0xb8;
	[tilespmem:$0x1A7A0] =	vst v63  }
0xca: {  	_ = 	snop  }
0xcb: {  	[spmem:s3] =	stream.indirect.scatter.add.f32 [tilespmem:s20], [sflag:$0x3], $0x20, s19, s19, $0xb8;
	[tilespmem:$0x1A7A0] =	vst v63  }
0xcc: {  	_ =	swait.ge [sflag:s17], $0x7D00  }
0xcd: {  	[sflag:s17] =	ssyncset.done $0x0  }
0xce: {  	s28 =	sadd.s32 $0x9C4, s30;
	[sflag:s17] =	ssyncadd.s32 $0xFFFF8300  }
0xcf: {  	[tilespmem:s4], [sflag:$0x3] =	stream.linear.gather [hbm4b:s28+s4], $0x3E8, $0x38;
	[tilespmem:$0x1A7A0] =	vst v63  }
0xd0: {  	_ =	swait.ge [sflag:s17], $0x3E8  }
0xd1: {  	[sflag:s17] =	ssyncset.done $0x0  }
0xd2: {  	s0 =	sadd.s32 $0xA604, s30;
	[sflag:s17] =	ssyncadd.s32 $0xFFFFFC18  }
0xd3: {  	[tilespmem:s19], [sflag:$0x3] =	stream.linear.gather [hbm4b:s0+s4], $0x3E8, $0x38;
	[tilespmem:$0x1A7A0] =	vst v63  }
0xd4: {  	_ =	swait.ge [sflag:s17], $0x3E8  }
0xd5: {  	[sflag:s17] =	ssyncset.done $0x0  }
0xd6: {  	[sflag:s17] =	ssyncadd.s32 $0xFFFFFC18  }
0xd7: {  	[tilespmem:s20], [sflag:$0x1] =	stream.indirect.gather [spmem:s2], $0x20, s4, s19, $0xb8;
	[tilespmem:$0x1A7A0] =	vst v63  }
0xd8: {  	_ =	swait.ge [sflag:s25], $0x7D00  }
0xd9: {  	[sflag:s25] =	ssyncset.done $0x0  }
0xda: {  	[sflag:s25] =	ssyncadd.s32 $0xFFFF8300  }
0xdb: {  	[spmem:s3] =	stream.indirect.scatter.add.f32 [tilespmem:s24], [sflag:$0x3], $0x20, s22, s19, $0xb8;
	[tilespmem:$0x1A7A0] =	vst v63  }
0xdc: {  	_ =	swait.ge [sflag:s17], $0x7D00  }
0xdd: {  	s31 =	simm.s32 $0xFFFFF92A;
	s28 =	sadd.s32 $0xFFFFF830, s15;
	[sflag:s17] =	ssyncset.done $0x0  }
.LBB2_4:
0xde: {  	s0 =	sadd.s32 $0x947, s28  }
0xdf: {  	[sflag:s17] =	ssyncadd.s32 $0xFFFF8300;
	s30 =	smov.u32 s31;
	s29 =	sadd.s32 $0xFA, s31  }
0xe0: {  	[tilespmem:s21], [sflag:$0x3] =	stream.linear.gather [hbm4b:s0+s4], $0x3E8, $0x38;
	[tilespmem:$0x1A7A0] =	vst v63  }
0xe1: {  	p0 =	sne.s32 s31, $0xFFFFFF06;
	_ =	swait.ge [sflag:s17], $0x3E8  }
0xe2: {  	[sflag:s17] =	ssyncset.done $0x0  }
0xe3: {  	s0 =	sadd.s32 $0xA587, s28;
	[sflag:s17] =	ssyncadd.s32 $0xFFFFFC18  }
0xe4: {  	[tilespmem:s22], [sflag:$0x3] =	stream.linear.gather [hbm4b:s0+s4], $0x3E8, $0x38;
	[tilespmem:$0x1A7A0] =	vst v63  }
0xe5: {  	_ =	swait.ge [sflag:s17], $0x3E8  }
0xe6: {  	[sflag:s17] =	ssyncset.done $0x0  }
0xe7: {  	[sflag:s17] =	ssyncadd.s32 $0xFFFFFC18  }
0xe8: {  	_ =	swait.ge [sflag:s23], $0x7D00  }
0xe9: {  	[sflag:s23] =	ssyncset.done $0x0  }
0xea: {  	[sflag:s23] =	ssyncadd.s32 $0xFFFF8300  }
0xeb: {  	[tilespmem:s24], [sflag:$0x2] =	stream.indirect.gather [spmem:s2], $0x20, s21, s19, $0xb8;
	[tilespmem:$0x1A7A0] =	vst v63  }
0xec: {  	_ = 	snop  }
0xed: {  	[spmem:s3] =	stream.indirect.scatter.add.f32 [tilespmem:s20], [sflag:$0x3], $0x20, s19, s19, $0xb8;
	[tilespmem:$0x1A7A0] =	vst v63  }
0xee: {  	_ =	swait.ge [sflag:s17], $0x7D00  }
0xef: {  	[sflag:s17] =	ssyncset.done $0x0  }
0xf0: {  	s0 =	sadd.s32 $0x9C4, s28;
	[sflag:s17] =	ssyncadd.s32 $0xFFFF8300  }
0xf1: {  	[tilespmem:s4], [sflag:$0x3] =	stream.linear.gather [hbm4b:s0+s4], $0x3E8, $0x38;
	[tilespmem:$0x1A7A0] =	vst v63  }
0xf2: {  	_ =	swait.ge [sflag:s17], $0x3E8  }
0xf3: {  	[sflag:s17] =	ssyncset.done $0x0  }
0xf4: {  	s0 =	sadd.s32 $0xA604, s28;
	[sflag:s17] =	ssyncadd.s32 $0xFFFFFC18  }
0xf5: {  	[tilespmem:s19], [sflag:$0x3] =	stream.linear.gather [hbm4b:s0+s4], $0x3E8, $0x38;
	[tilespmem:$0x1A7A0] =	vst v63  }
0xf6: {  	_ =	swait.ge [sflag:s17], $0x3E8  }
0xf7: {  	[sflag:s17] =	ssyncset.done $0x0  }
0xf8: {  	[sflag:s17] =	ssyncadd.s32 $0xFFFFFC18  }
0xf9: {  	[tilespmem:s20], [sflag:$0x1] =	stream.indirect.gather [spmem:s2], $0x20, s4, s19, $0xb8;
	[tilespmem:$0x1A7A0] =	vst v63  }
0xfa: {  	_ =	swait.ge [sflag:s25], $0x7D00  }
.Ltmp1:
0xfb: {  	[sflag:s25] =	ssyncset.done $0x0;
	(pc) =	sbr.rel @p0 .LBB2_4-.Ltmp1, $4  }
0xfc: {  	[sflag:s25] =	ssyncadd.s32 $0xFFFF8300  }
0xfd: {  	[spmem:s3] =	stream.indirect.scatter.add.f32 [tilespmem:s24], [sflag:$0x3], $0x20, s22, s19, $0xb8;
	[tilespmem:$0x1A7A0] =	vst v63  }
0xfe: {  	_ =	swait.ge [sflag:s17], $0x7D00  }
0xff: {  	s31 =	smov.u32 s29;
	s28 =	sadd.s32 s30, s15;
	[sflag:s17] =	ssyncset.done $0x0  }
0x100: {  	s0 =	sadd.s32 $0x947, s28;
	[sflag:s17] =	ssyncadd.s32 $0xFFFF8300  }
0x101: {  	[tilespmem:s21], [sflag:$0x3] =	stream.linear.gather [hbm4b:s0+s4], $0x3E8, $0x38;
	[tilespmem:$0x1A7A0] =	vst v63  }
0x102: {  	_ =	swait.ge [sflag:s17], $0x3E8  }
0x103: {  	[sflag:s17] =	ssyncset.done $0x0  }
0x104: {  	s29 =	sadd.s32 $0xA587, s28;
	[sflag:s17] =	ssyncadd.s32 $0xFFFFFC18  }
0x105: {  	[tilespmem:s22], [sflag:$0x3] =	stream.linear.gather [hbm4b:s29+s4], $0x3E8, $0x38;
	[tilespmem:$0x1A7A0] =	vst v63  }
0x106: {  	_ =	swait.ge [sflag:s17], $0x3E8  }
0x107: {  	[sflag:s17] =	ssyncset.done $0x0  }
0x108: {  	[sflag:s17] =	ssyncadd.s32 $0xFFFFFC18  }
0x109: {  	_ =	swait.ge [sflag:s23], $0x7D00  }
0x10a: {  	[sflag:s23] =	ssyncset.done $0x0  }
0x10b: {  	[sflag:s23] =	ssyncadd.s32 $0xFFFF8300  }
0x10c: {  	[tilespmem:s24], [sflag:$0x2] =	stream.indirect.gather [spmem:s2], $0x20, s21, s19, $0xb8;
	[tilespmem:$0x1A7A0] =	vst v63  }
0x10d: {  	_ = 	snop  }
0x10e: {  	[spmem:s3] =	stream.indirect.scatter.add.f32 [tilespmem:s20], [sflag:$0x3], $0x20, s19, s19, $0xb8;
	[tilespmem:$0x1A7A0] =	vst v63  }
0x10f: {  	_ =	swait.ge [sflag:s17], $0x7D00  }
0x110: {  	[sflag:s17] =	ssyncset.done $0x0  }
0x111: {  	s30 =	sadd.s32 $0x9C4, s28;
	[sflag:s17] =	ssyncadd.s32 $0xFFFF8300  }
0x112: {  	[tilespmem:s4], [sflag:$0x3] =	stream.linear.gather [hbm4b:s30+s4], $0x3E8, $0x38;
	[tilespmem:$0x1A7A0] =	vst v63  }
0x113: {  	_ =	swait.ge [sflag:s17], $0x3E8  }
0x114: {  	[sflag:s17] =	ssyncset.done $0x0  }
0x115: {  	s31 =	sadd.s32 $0xA604, s28;
	[sflag:s17] =	ssyncadd.s32 $0xFFFFFC18  }
0x116: {  	[tilespmem:s19], [sflag:$0x3] =	stream.linear.gather [hbm4b:s31+s4], $0x3E8, $0x38;
	[tilespmem:$0x1A7A0] =	vst v63  }
0x117: {  	_ =	swait.ge [sflag:s17], $0x3E8  }
0x118: {  	[sflag:s17] =	ssyncset.done $0x0  }
0x119: {  	[sflag:s17] =	ssyncadd.s32 $0xFFFFFC18  }
0x11a: {  	[tilespmem:s20], [sflag:$0x1] =	stream.indirect.gather [spmem:s2], $0x20, s4, s19, $0xb8;
	[tilespmem:$0x1A7A0] =	vst v63  }
0x11b: {  	_ =	swait.ge [sflag:s25], $0x7D00  }
0x11c: {  	[sflag:s25] =	ssyncset.done $0x0  }
0x11d: {  	[sflag:s25] =	ssyncadd.s32 $0xFFFF8300  }
0x11e: {  	[spmem:s3] =	stream.indirect.scatter.add.f32 [tilespmem:s24], [sflag:$0x3], $0x20, s22, s19, $0xb8;
	[tilespmem:$0x1A7A0] =	vst v63  }
0x11f: {  	_ =	swait.ge [sflag:s17], $0x7D00  }
0x120: {  	[sflag:s17] =	ssyncset.done $0x0  }
0x121: {  	[sflag:s17] =	ssyncadd.s32 $0xFFFF8300  }
0x122: {  	[tilespmem:s21], [sflag:$0x3] =	stream.linear.gather [hbm4b:s10+s4], $0x3E8, $0x38;
	[tilespmem:$0x1A7A0] =	vst v63  }
0x123: {  	_ =	swait.ge [sflag:s17], $0x3E8  }
0x124: {  	[sflag:s17] =	ssyncset.done $0x0  }
0x125: {  	[sflag:s17] =	ssyncadd.s32 $0xFFFFFC18  }
0x126: {  	[tilespmem:s22], [sflag:$0x3] =	stream.linear.gather [hbm4b:s11+s4], $0x3E8, $0x38;
	[tilespmem:$0x1A7A0] =	vst v63  }
0x127: {  	_ =	swait.ge [sflag:s17], $0x3E8  }
0x128: {  	[sflag:s17] =	ssyncset.done $0x0  }
0x129: {  	[sflag:s17] =	ssyncadd.s32 $0xFFFFFC18  }
0x12a: {  	_ =	swait.ge [sflag:s23], $0x7D00  }
0x12b: {  	[sflag:s23] =	ssyncset.done $0x0  }
0x12c: {  	[sflag:s23] =	ssyncadd.s32 $0xFFFF8300  }
0x12d: {  	[tilespmem:s24], [sflag:$0x2] =	stream.indirect.gather [spmem:s2], $0x20, s21, s19, $0xb8;
	[tilespmem:$0x1A7A0] =	vst v63  }
0x12e: {  	_ = 	snop  }
0x12f: {  	[spmem:s3] =	stream.indirect.scatter.add.f32 [tilespmem:s20], [sflag:$0x3], $0x20, s19, s19, $0xb8;
	[tilespmem:$0x1A7A0] =	vst v63  }
0x130: {  	_ =	swait.ge [sflag:s17], $0x7D00  }
0x131: {  	[sflag:s17] =	ssyncset.done $0x0  }
0x132: {  	[sflag:s17] =	ssyncadd.s32 $0xFFFF8300  }
0x133: {  	_ =	swait.ge [sflag:s25], $0x7D00  }
0x134: {  	[sflag:s25] =	ssyncset.done $0x0  }
0x135: {  	[sflag:s25] =	ssyncadd.s32 $0xFFFF8300  }
0x136: {  	[spmem:s3] =	stream.indirect.scatter.add.f32 [tilespmem:s24], [sflag:$0x3], $0x20, s22, s19, $0xb8;
	[tilespmem:$0x1A7A0] =	vst v63  }
0x137: {  	_ =	swait.ge [sflag:s17], $0x7D00  }
0x138: {  	s26 =	sadd.s32 $0x1, s26;
	[sflag:s17] =	ssyncset.done $0x0  }
0x139: {  	p0 =	sne.s32 s26, s9;
	[sflag:s17] =	ssyncadd.s32 $0xFFFF8300  }
.Ltmp2:
0x13a: {  	[bflag:$0x0] =	sbarrier.arrive $0xFFFF;
	(pc) =	sbr.rel @p0 .LBB2_1-.Ltmp2, $4  }
0x13b: {  	[hbm:s8], [sflag:s13] =	dma.local [spmem:s18], $0x9E0  }
0x13c: {  	_ =	swait.ge [sflag:s17], $0x9E0  }
0x13d: {  	[sflag:s17] =	ssyncset.done $0x0  }
0x13e: {  	[sflag:s17] =	ssyncadd.s32 $0xFFFFF620  }
0x13f: {  	_ =	sfence.sel $0x180000  }
0x140: {  	[bflag:$0x0] =	sbarrier.arrive $0xFFFF  }
0x141: {  	_ =	strace $0x9000004A  }
0x142: {  	[bflag:$0x2] =	sbarrier.arrive $0xFFFF  }
0x143: {  	p0 =	sne.s32 s1, $0x0;
	s0 =	rddreg [dreg:$0x4]  }
0x144: {  	s0 =	sadd.s32 @!p0 $0x100000, s0  }
0x145: {  	[sflag:s0] =	ssyncadd.tile.s32 @!p0 $0x1;
	_ =	shalt  }
.Lfunc_end2:
_tile_overlayer_lowered:
.L_overlay_start_2:
0x146: {  	(tag) =	ssettag $0x2  }
0x147: {  	s0 =	rddreg [dreg:$0x0];
	s2 =	stileid.u32  }
0x148: {  	s1 =	rddreg [dreg:$0x1];
	p0 =	sne.s32 s2, $0x0  }
0x149: {  	s3 =	rddreg [dreg:$0x2];
	[bflag:$0x3] =	sbarrier.arrive $0xFFFF;
	s2 =	simm.s32 @!p0 $0x1C03  }
0x14a: {  	[timem:s3], [sflag:s2] =	dma.local @!p0 [hbm:s0], s1  }
0x14b: {  	s0 =	simm.s32 @!p0 $0x3  }
0x14c: {  	_ =	swait.ge @!p0 [sflag:s0], s1  }
0x14d: {  	s1 =	ssub.s32 @!p0 $0x0, s1;
	[sflag:s0] =	ssyncset.done @!p0 $0x0  }
0x14e: {  	[sflag:s0] =	ssyncadd.s32 @!p0 s1  }
0x14f: {  	[bflag:$0x3] =	sbarrier.arrive $0xFFFF  }
0x150: {  	_ =	shalt  }

// kernel: kernel.15.cloned.1.call-start
scs
__scs_entry_jumppad:
0x0: {  	(pc) =	sbr.rel $0x88, $3  }
0x1: {  	(tag) =	ssettag $0x0;
	lr =	simm.s32 $0x1  }
0x2: {  	[smem:$0x3F99] =	sst lr;
	_ =	strace $0xD0000000  }
0x3: {  	_ = 	snop  }
0x4: {  	_ = 	snop  }
0x5: {  	_ = 	snop  }
0x6: {  	_ = 	snop  }
0x7: {  	_ = 	snop  }
__scs_overlays_trampoline_lowered:
0x8: {  	[smem:$0x3FA8] =	sst s0  }
0x9: {  	[smem:$0x3FA9] =	sst s1  }
0xa: {  	[smem:$0x3FAA] =	sst s2  }
0xb: {  	[smem:$0x3FAB] =	sst s3  }
0xc: {  	[smem:$0x3FAC] =	sst s4  }
0xd: {  	[smem:$0x3FAD] =	sst s5  }
0xe: {  	[smem:$0x3FAE] =	sst s6  }
0xf: {  	[smem:$0x3FAF] =	sst s7  }
0x10: {  	[smem:$0x3FB0] =	sst s8  }
0x11: {  	[smem:$0x3FB1] =	sst s9;
	s0 =	simm.s32 @!p0 $0x0  }
0x12: {  	s1 =	sld [smem:$0x3F97];
	s0 =	simm.s32 @p0 $0x1  }
0x13: {  	[smem:$0x3FB2] =	sst s0;
	s0 =	simm.s32 @!p1 $0x0  }
0x14: {  	s2 =	sld [smem:$0x3F96];
	s0 =	simm.s32 @p1 $0x1  }
0x15: {  	[smem:$0x3FB3] =	sst s0;
	s0 =	simm.s32 @!p2 $0x0  }
0x16: {  	s3 =	sld [smem:$0x3FDB];
	s0 =	simm.s32 @p2 $0x1  }
0x17: {  	s4 =	simm.s32 $0x1BF5;
	[smem:$0x3FB5] =	sst s0  }
0x18: {  	s0 =	sld [smem:$0x3F98];
	_ =	swait.ge [sflag:s4], $0x0  }
0x19: {  	s7 =	sld [smem:$0x3F99]  }
0x1a: {  	s8 =	sadd.s32 $0xFFFFE003, lr  }
0x1b: {  	s9 =	sadd.s32 $0xFFFFFEF7, lr;
	s5 =	simm.s32 $0xFFFFFFFF;
	p2 =	slt.u32 s8, $0xFFFFF086  }
0x1c: {  	p1 =	slt.u32 s9, $0xF7A;
	s5 =	simm.s32 @!p2 $0x0  }
0x1d: {  	s5 =	simm.s32 @p1 $0x1;
	p0 =	seq.s32 s7, s2  }
0x1e: {  	s7 =	smul.u32 @!p0 $0xF7A, s2;
	p2 =	seq.s32 @!p0 s5, $0x0  }
0x1f: {  	s9 =	smul.u32 $0xF7A, s1;
	s8 =	simm.s32 @!p0 $0x1BF5;
	p2 =	por !p2, p0  }
0x20: {  	[sflag:s8] =	ssyncset.s32 @!p0 $0xFFFFF086;
	s6 =	sadd.s32 @!p0 s3, s7;
	s7 =	simm.s32 @!p0 $0x108  }
0x21: {  	s3 =	sadd.s32 s3, s9;
	s6 =	sadd.s32 @!p0 $0x88, s6;
	s7 =	simm.s32 @p2 $0x1082  }
0x22: {  	[simem:s7], [sflag:s8] =	dma.local @!p0 [hbm:s6], $0xF7A  }
0x23: {  	s9 =	sor.u32 $0xD0000000, s2;
	s6 =	simm.s32 $0x108;
	_ =	swait.ge @!p0 [sflag:s8], $0x0  }
0x24: {  	s3 =	sadd.s32 $0x88, s3;
	s6 =	simm.s32 @!p1 $0x1082;
	[sflag:s4] =	ssyncset.s32 $0xFFFFF086  }
0x25: {  	[simem:s6], [sflag:s4] =	dma.local [hbm:s3], $0xF7A  }
0x26: {  	[smem:$0x3F99] =	sst s1;
	(tag) =	ssettag s2;
	_ =	strace s9  }
0x27: {  	s1 =	sld [smem:$0x3FA9]  }
0x28: {  	s2 =	sld [smem:$0x3FAA]  }
0x29: {  	s4 =	sld [smem:$0x3FAC]  }
0x2a: {  	p0 =	seq.s32 s5, $0x0;
	s5 =	sld [smem:$0x3FAD]  }
0x2b: {  	s6 =	sld [smem:$0x3FAE]  }
0x2c: {  	s7 =	sld [smem:$0x3FAF]  }
0x2d: {  	s3 =	simm.s32 $0x108;
	s8 =	sld [smem:$0x3FB0]  }
0x2e: {  	s3 =	simm.s32 @!p0 $0x1082;
	s9 =	sld [smem:$0x3FB1]  }
0x2f: {  	lr =	sadd.s32 s0, s3;
	s0 =	sld [smem:$0x3FA8]  }
0x30: {  	s3 =	sld [smem:$0x3FAB]  }
0x31: {  	[smem:$0x3FB4] =	sst s10  }
0x32: {  	s10 =	sld [smem:$0x3FB2];
	_ =	sdelay $0x3  }
0x33: {  	p0 =	seq.s32 s10, $0x1;
	s10 =	sld [smem:$0x3FB4];
	_ =	sdelay $0x3  }
0x34: {  	[smem:$0x3FB4] =	sst s10  }
0x35: {  	s10 =	sld [smem:$0x3FB3];
	_ =	sdelay $0x3  }
0x36: {  	p1 =	seq.s32 s10, $0x1;
	s10 =	sld [smem:$0x3FB4];
	_ =	sdelay $0x3  }
0x37: {  	[smem:$0x3FB4] =	sst s10  }
0x38: {  	s10 =	sld [smem:$0x3FB5]  }
0x39: {  	_ = 	snop;
	(pc) =	sbr.ind lr, $3  }
0x3a: {  	_ = 	snop  }
0x3b: {  	_ = 	snop  }
0x3c: {  	p2 =	seq.s32 s10, $0x1;
	s10 =	sld [smem:$0x3FB4]  }
0x3d: {  	_ =	shalt  }
0x3e: {  	_ =	shalt  }
0x3f: {  	_ =	shalt  }
0x40: {  	_ =	shalt  }
0x41: {  	_ =	shalt  }
0x42: {  	_ =	shalt  }
0x43: {  	_ =	shalt  }
0x44: {  	_ =	shalt  }
0x45: {  	_ =	shalt  }
0x46: {  	_ =	shalt  }
0x47: {  	_ =	shalt  }
0x48: {  	_ =	shalt  }
0x49: {  	_ =	shalt  }
0x4a: {  	_ =	shalt  }
0x4b: {  	_ =	shalt  }
0x4c: {  	_ =	shalt  }
0x4d: {  	_ =	shalt  }
0x4e: {  	_ =	shalt  }
0x4f: {  	_ =	shalt  }
0x50: {  	_ =	shalt  }
0x51: {  	_ =	shalt  }
0x52: {  	_ =	shalt  }
0x53: {  	_ =	shalt  }
0x54: {  	_ =	shalt  }
0x55: {  	_ =	shalt  }
0x56: {  	_ =	shalt  }
0x57: {  	_ =	shalt  }
0x58: {  	_ =	shalt  }
0x59: {  	_ =	shalt  }
0x5a: {  	_ =	shalt  }
0x5b: {  	_ =	shalt  }
0x5c: {  	_ =	shalt  }
0x5d: {  	_ =	shalt  }
0x5e: {  	_ =	shalt  }
0x5f: {  	_ =	shalt  }
0x60: {  	_ =	shalt  }
0x61: {  	_ =	shalt  }
0x62: {  	_ =	shalt  }
0x63: {  	_ =	shalt  }
0x64: {  	_ =	shalt  }
0x65: {  	_ =	shalt  }
0x66: {  	_ =	shalt  }
0x67: {  	_ =	shalt  }
0x68: {  	_ =	shalt  }
0x69: {  	_ =	shalt  }
0x6a: {  	_ =	shalt  }
0x6b: {  	_ =	shalt  }
0x6c: {  	_ =	shalt  }
0x6d: {  	_ =	shalt  }
0x6e: {  	_ =	shalt  }
0x6f: {  	_ =	shalt  }
0x70: {  	_ =	shalt  }
0x71: {  	_ =	shalt  }
0x72: {  	_ =	shalt  }
0x73: {  	_ =	shalt  }
0x74: {  	_ =	shalt  }
0x75: {  	_ =	shalt  }
0x76: {  	_ =	shalt  }
0x77: {  	_ =	shalt  }
0x78: {  	_ =	shalt  }
0x79: {  	_ =	shalt  }
0x7a: {  	_ =	shalt  }
0x7b: {  	_ =	shalt  }
0x7c: {  	_ =	shalt  }
0x7d: {  	_ =	shalt  }
0x7e: {  	_ =	shalt  }
0x7f: {  	_ =	shalt  }
0x80: {  	_ =	shalt  }
0x81: {  	_ =	shalt  }
0x82: {  	_ =	shalt  }
0x83: {  	_ =	shalt  }
0x84: {  	_ =	shalt  }
0x85: {  	_ =	shalt  }
0x86: {  	_ =	shalt  }
0x87: {  	_ =	shalt  }
.Lfunc_end0:
.L_simem_size_0:
called_computation.2_lowered:
.L_overlay_start_0:
0x88: {  	s2 =	sld [smem:$0x3FD9]  }
0x89: {  	s3 =	sld [smem:$0x3FFE];
	_ =	sdelay $0x1  }
0x8a: {  	s1 =	srdreg.scid  }
0x8b: {  	s0 =	sand.u32 $0x1, s1  }
0x8c: {  	s17 =	sshll.u32 s0, $0xA;
	s2 =	sadd.s32 s3, s2  }
0x8d: {  	s2 =	sadd.s32 s2, s17  }
0x8e: {  	[smem:$0x3FC0] =	sst s2  }
0x8f: {  	_ = 	snop  }
0x90: {  	s2 =	sld [smem:$0x3FD0];
	(tm) =	ssettm $0x1  }
0x91: {  	s18 =	sld [smem:$0x3FFB];
	_ =	sdelay $0x3  }
0x92: {  	_ =	strace s18  }
0x93: {  	s3 =	sld [smem:$0x3FFC];
	_ =	sdelay $0x3  }
0x94: {  	_ =	strace s3  }
0x95: {  	s3 =	sld [smem:$0x3FFD];
	_ =	sdelay $0x3  }
0x96: {  	_ =	strace s3  }
0x97: {  	_ =	strace $0x8FFFFFFF  }
0x98: {  	s19 =	sld [smem:$0x3FDB];
	_ =	sdelay $0x1  }
0x99: {  	s4 =	simm.s32 $_scs_section_size  }
0x9a: {  	s5 =	simm.s32 $_size__tile_overlayer_lowered;
	s6 =	simm.s32 $_tile_overlayer_lowered  }
0x9b: {  	s22 =	simm.s32 $0x1BFF;
	s21 =	sshll.u32 s6, $0x1;
	s3 =	sadd.s32 s4, s19  }
0x9c: {  	s7 =	simm.s32 $0x0;
	s20 =	sshll.u32 s5, $0x1;
	s5 =	sadd.s32 s21, s3  }
0x9d: {  	[timem:s7], [sflag:s22] =	dma.local [hbm:s5], s20  }
0x9e: {  	_ =	swait.ge [sflag:s22], s20  }
0x9f: {  	s4 =	ssub.s32 $0x0, s20;
	[sflag:s22] =	ssyncset.done $0x0  }
0xa0: {  	[sflag:s22] =	ssyncadd.s32 s4;
	_ =	sdelay $0x1  }
0xa1: {  	s23 =	simm.s32 $0x1B8B  }
0xa2: {  	_ =	swait.ge [sflag:s23], $0x1  }
0xa3: {  	[sflag:s23] =	ssyncset.done $0x0  }
0xa4: {  	s25 =	simm.s32 $0x1B8E;
	s24 =	sld [smem:$0x3FFE];
	[sflag:s23] =	ssyncadd.s32 $0xFFFFFFFF  }
0xa5: {  	s26 =	simm.s32 $execute0_lowered;
	[smem:$0x3FD2] =	sst s25  }
0xa6: {  	s5 =	sshll.u32 s26, $0x1;
	_ =	strace $0x8000004C;
	[dreg:$0x1] =	wrdreg $0xFFFFFFFF  }
0xa7: {  	s28 =	simm.s32 $_size_execute0_lowered;
	s3 =	sadd.s32 s3, s5;
	[dreg:$0x0] =	wrdreg $0x0  }
0xa8: {  	s5 =	sshll.u32 s28, $0x1;
	[dreg:$0x2] =	wrdreg s3  }
0xa9: {  	[dreg:$0x3] =	wrdreg s5  }
0xaa: {  	[dreg:$0x4] =	wrdreg $0xC0  }
0xab: {  	_ =	task [dreg:s7], $0x5FFFF  }
0xac: {  	[dreg:$0x1] =	wrdreg $0xFFFFFFFF  }
0xad: {  	[dreg:$0x0] =	wrdreg $0x60  }
0xae: {  	[dreg:$0x2] =	wrdreg s24  }
0xaf: {  	[dreg:$0x3] =	wrdreg s2  }
0xb0: {  	[dreg:$0x4] =	wrdreg $0x109A00  }
0xb1: {  	[dreg:$0x5] =	wrdreg $0x158A00  }
0xb2: {  	[dreg:$0x6] =	wrdreg $0x9  }
0xb3: {  	_ =	task.clear_ibuf [dreg:s7], $0x7FFFF;
	_ =	strace $0x9000004C  }
0xb4: {  	s29 =	simm.s32 $0x9;
	_ =	strace $0x8000004E  }
0xb5: {  	_ =	swait.ge [sflag:s29], $0x1  }
0xb6: {  	[sflag:s29] =	ssyncadd.s32 $0xFFFFFFFF  }
0xb7: {  	_ =	strace $0x9000004E  }
0xb8: {  	_ =	sfence  }
0xb9: {  	s30 =	sld [smem:$0x0];
	_ =	sdelay $0x2  }
0xba: {  	s31 =	sshll.u32 s1, $0xD;
	s1 =	sshrl.u32 s1, $0x2  }
0xbb: {  	s3 =	sand.u32 $0x4000, s31;
	s1 =	sadd.s32 s1, s30  }
0xbc: {  	s0 =	sor.u32 s3, s0;
	s1 =	sshll.u32 s1, $0x11  }
0xbd: {  	s0 =	sor.u32 s1, s0  }
0xbe: {  	s0 =	sadd.s32 $0x8F2B, s0  }
0xbf: {  	[sflag:s0] =	ssyncadd.remote.s32 $0x1  }
0xc0: {  	_ =	sfence.sel $0xFFFF  }
0xc1: {  	[dreg:$0x0] =	wrdreg $0xFFFFFFFF;
	(pc) =	sbr.abs _section_cstart, $3  }
0xc2: {  	[dreg:$0x1] =	wrdreg $0xFFFFFFFF  }
0xc3: {  	_ =	task.clear_ibuf [dreg:s7], $0x2FFFF;
	_ =	strace $0x9FFFFFFF  }
0xc4: {  	(tm) =	ssettm $0x7FFFFFFF  }
0xc5: {  	_ =	shalt  }
tec
execute0_lowered:
.L_overlay_start_1:
0x0: {  	(tag) =	ssettag $0x1  }
0x1: {  	s10 =	rddreg [dreg:$0x0]  }
0x2: {  	s7 =	rddreg [dreg:$0x1]  }
0x3: {  	s1 =	rddreg [dreg:$0x2]  }
0x4: {  	s3 =	rddreg [dreg:$0x3]  }
0x5: {  	s0 =	rddreg [dreg:$0x4];
	s5 =	srdreg.scid  }
0x6: {  	s4 =	simm.s32 $0x0;
	s2 =	stileid.u32;
	s17 =	simm.s32 $0x20600  }
0x7: {  	s19 =	simm.s32 $0x7D0;
	s20 =	simm.s32 $0xBB8;
	s21 =	simm.s32 $0x1  }
0x8: {  	s22 =	simm.s32 $0x8CA0;
	s5 =	sand.u32 $0x1, s5;
	s9 =	smul.u32 $0x4E20, s2  }
0x9: {  	[smem:$0x7FF] =	sst s4;
	s11 =	smul.u32 $0x4F00, s2;
	s13 =	sadd.s32 $0x2E00, s10  }
0xa: {  	s31 =	sshll.u32 s2, $0x6;
	s18 =	smul.u32 $0x9C4, s2;
	s6 =	ssub.s32 $0x2, s5  }
0xb: {  	_ =	strace $0x8000004D;
	s23 =	smul.u32 $0x4F000, s5;
	p0 =	seq.s32 s5, $0x0  }
0xc: {  	s8 =	sshrl.u32 s6, $0x1;
	s14 =	sadd.s32 s11, s1;
	s24 =	sshrl.u32 s9, $0x3  }
0xd: {  	s12 =	sshrl.u32 s11, $0x3;
	s16 =	sadd.s32 s11, s3;
	s26 =	sadd.s32 $0x4A38, s9  }
0xe: {  	s28 =	sadd.s32 $0x52C38, s9;
	s17 =	simm.s32 @!p0 $0x16800;
	s8 =	ssub.s32 s6, s8  }
0xf: {  	s5 =	sadd.s32 s13, s24;
	s15 =	sadd.s32 s11, s23;
	s11 =	sshrl.u32 s26, $0x3  }
0x10: {  	s29 =	sshrl.u32 s28, $0x3;
	s30 =	sadd.s32 s17, s10;
	s14 =	sshrl.u32 s14, $0x3  }
0x11: {  	s16 =	sshrl.u32 s16, $0x3;
	s17 =	simm.s32 $0x3E8;
	s23 =	simm.s32 $0x2  }
0x12: {  	s24 =	simm.s32 $0x0;
	s6 =	sadd.s32 $0x9C40, s5;
	s25 =	sshrl.u32 s15, $0x3  }
0x13: {  	s8 =	smax.u32 s8, $0x1;
	s9 =	sadd.s32 s13, s11;
	s10 =	sadd.s32 s13, s29  }
0x14: {  	s11 =	sadd.s32 s30, s12;
	s12 =	sor.u32 $0x1C03, s31;
	s13 =	sadd.s32 s18, s13  }
0x15: {  	s15 =	simm.s32 $0x3;
	s18 =	simm.s32 $0xFA0;
	s7 =	sadd.s32 s7, s25  }
.LBB2_1:
0x16: {  	[spmem:s14], [sflag:s12] =	dma.local [hbm:s11], $0x9E0  }
0x17: {  	_ =	swait.ge [sflag:s15], $0x9E0  }
0x18: {  	[sflag:s15] =	ssyncset.done $0x0  }
0x19: {  	[sflag:s15] =	ssyncadd.s32 $0xFFFFF620  }
0x1a: {  	[spmem:s16], [sflag:s12] =	dma.local [hbm:s11], $0x9E0  }
0x1b: {  	_ =	swait.ge [sflag:s15], $0x9E0  }
0x1c: {  	[sflag:s15] =	ssyncset.done $0x0  }
0x1d: {  	[sflag:s15] =	ssyncadd.s32 $0xFFFFF620  }
0x1e: {  	[bflag:$0x0] =	sbarrier.arrive $0xFFFF  }
0x1f: {  	[tilespmem:s4], [sflag:$0x3] =	stream.linear.gather [hbm4b:s5+s4], $0x3E8, $0x38;
	[tilespmem:$0x1A7A0] =	vst v63  }
0x20: {  	_ =	swait.ge [sflag:s15], $0x3E8  }
0x21: {  	[sflag:s15] =	ssyncset.done $0x0  }
0x22: {  	[sflag:s15] =	ssyncadd.s32 $0xFFFFFC18  }
0x23: {  	[tilespmem:s17], [sflag:$0x3] =	stream.linear.gather [hbm4b:s6+s4], $0x3E8, $0x38;
	[tilespmem:$0x1A7A0] =	vst v63  }
0x24: {  	_ =	swait.ge [sflag:s15], $0x3E8  }
0x25: {  	[sflag:s15] =	ssyncset.done $0x0  }
0x26: {  	s25 =	sadd.s32 $0xFFFFF736, s13;
	[sflag:s15] =	ssyncadd.s32 $0xFFFFFC18  }
0x27: {  	[tilespmem:s18], [sflag:$0x1] =	stream.indirect.gather [spmem:s1], $0x20, s4, s17, $0xb8;
	[tilespmem:$0x1A7A0] =	vst v63  }
0x28: {  	s26 =	sadd.s32 $0x947, s25  }
0x29: {  	[tilespmem:s19], [sflag:$0x3] =	stream.linear.gather [hbm4b:s26+s4], $0x3E8, $0x38;
	[tilespmem:$0x1A7A0] =	vst v63  }
0x2a: {  	_ =	swait.ge [sflag:s15], $0x3E8  }
0x2b: {  	[sflag:s15] =	ssyncset.done $0x0  }
0x2c: {  	s30 =	sadd.s32 $0xA587, s25;
	[sflag:s15] =	ssyncadd.s32 $0xFFFFFC18  }
0x2d: {  	[tilespmem:s20], [sflag:$0x3] =	stream.linear.gather [hbm4b:s30+s4], $0x3E8, $0x38;
	[tilespmem:$0x1A7A0] =	vst v63  }
0x2e: {  	_ =	swait.ge [sflag:s15], $0x3E8  }
0x2f: {  	[sflag:s15] =	ssyncset.done $0x0  }
0x30: {  	[sflag:s15] =	ssyncadd.s32 $0xFFFFFC18  }
0x31: {  	_ =	swait.ge [sflag:s21], $0x7D00  }
0x32: {  	[sflag:s21] =	ssyncset.done $0x0  }
0x33: {  	[sflag:s21] =	ssyncadd.s32 $0xFFFF8300  }
0x34: {  	[tilespmem:s22], [sflag:$0x2] =	stream.indirect.gather [spmem:s1], $0x20, s19, s17, $0xb8;
	[tilespmem:$0x1A7A0] =	vst v63  }
0x35: {  	_ = 	snop  }
0x36: {  	[spmem:s3] =	stream.indirect.scatter.add.f32 [tilespmem:s18], [sflag:$0x3], $0x20, s17, s17, $0xb8;
	[tilespmem:$0x1A7A0] =	vst v63  }
0x37: {  	_ =	swait.ge [sflag:s15], $0x7D00  }
0x38: {  	[sflag:s15] =	ssyncset.done $0x0  }
0x39: {  	s31 =	sadd.s32 $0x9C4, s25;
	[sflag:s15] =	ssyncadd.s32 $0xFFFF8300  }
0x3a: {  	[tilespmem:s4], [sflag:$0x3] =	stream.linear.gather [hbm4b:s31+s4], $0x3E8, $0x38;
	[tilespmem:$0x1A7A0] =	vst v63  }
0x3b: {  	_ =	swait.ge [sflag:s15], $0x3E8  }
0x3c: {  	[sflag:s15] =	ssyncset.done $0x0  }
0x3d: {  	s25 =	sadd.s32 $0xA604, s25;
	[sflag:s15] =	ssyncadd.s32 $0xFFFFFC18  }
0x3e: {  	[tilespmem:s17], [sflag:$0x3] =	stream.linear.gather [hbm4b:s25+s4], $0x3E8, $0x38;
	[tilespmem:$0x1A7A0] =	vst v63  }
0x3f: {  	_ =	swait.ge [sflag:s15], $0x3E8  }
0x40: {  	[sflag:s15] =	ssyncset.done $0x0  }
0x41: {  	[sflag:s15] =	ssyncadd.s32 $0xFFFFFC18  }
0x42: {  	[tilespmem:s18], [sflag:$0x1] =	stream.indirect.gather [spmem:s1], $0x20, s4, s17, $0xb8;
	[tilespmem:$0x1A7A0] =	vst v63  }
0x43: {  	_ =	swait.ge [sflag:s23], $0x7D00  }
0x44: {  	[sflag:s23] =	ssyncset.done $0x0  }
0x45: {  	[sflag:s23] =	ssyncadd.s32 $0xFFFF8300  }
0x46: {  	[spmem:s3] =	stream.indirect.scatter.add.f32 [tilespmem:s22], [sflag:$0x3], $0x20, s20, s17, $0xb8;
	[tilespmem:$0x1A7A0] =	vst v63  }
0x47: {  	_ =	swait.ge [sflag:s15], $0x7D00  }
0x48: {  	s29 =	simm.s32 $0xFFFFF92A;
	s25 =	sadd.s32 $0xFFFFF830, s13;
	[sflag:s15] =	ssyncset.done $0x0  }
.LBB2_2:
0x49: {  	s30 =	sadd.s32 $0x947, s25  }
0x4a: {  	[sflag:s15] =	ssyncadd.s32 $0xFFFF8300;
	s28 =	smov.u32 s29;
	s26 =	sadd.s32 $0xFA, s29  }
0x4b: {  	[tilespmem:s19], [sflag:$0x3] =	stream.linear.gather [hbm4b:s30+s4], $0x3E8, $0x38;
	[tilespmem:$0x1A7A0] =	vst v63  }
0x4c: {  	p0 =	sne.s32 s29, $0xFFFFFF06;
	_ =	swait.ge [sflag:s15], $0x3E8  }
0x4d: {  	[sflag:s15] =	ssyncset.done $0x0  }
0x4e: {  	s29 =	sadd.s32 $0xA587, s25;
	[sflag:s15] =	ssyncadd.s32 $0xFFFFFC18  }
0x4f: {  	[tilespmem:s20], [sflag:$0x3] =	stream.linear.gather [hbm4b:s29+s4], $0x3E8, $0x38;
	[tilespmem:$0x1A7A0] =	vst v63  }
0x50: {  	_ =	swait.ge [sflag:s15], $0x3E8  }
0x51: {  	[sflag:s15] =	ssyncset.done $0x0  }
0x52: {  	[sflag:s15] =	ssyncadd.s32 $0xFFFFFC18  }
0x53: {  	_ =	swait.ge [sflag:s21], $0x7D00  }
0x54: {  	[sflag:s21] =	ssyncset.done $0x0  }
0x55: {  	[sflag:s21] =	ssyncadd.s32 $0xFFFF8300  }
0x56: {  	[tilespmem:s22], [sflag:$0x2] =	stream.indirect.gather [spmem:s1], $0x20, s19, s17, $0xb8;
	[tilespmem:$0x1A7A0] =	vst v63  }
0x57: {  	_ = 	snop  }
0x58: {  	[spmem:s3] =	stream.indirect.scatter.add.f32 [tilespmem:s18], [sflag:$0x3], $0x20, s17, s17, $0xb8;
	[tilespmem:$0x1A7A0] =	vst v63  }
0x59: {  	_ =	swait.ge [sflag:s15], $0x7D00  }
0x5a: {  	[sflag:s15] =	ssyncset.done $0x0  }
0x5b: {  	s29 =	sadd.s32 $0x9C4, s25;
	[sflag:s15] =	ssyncadd.s32 $0xFFFF8300  }
0x5c: {  	[tilespmem:s4], [sflag:$0x3] =	stream.linear.gather [hbm4b:s29+s4], $0x3E8, $0x38;
	[tilespmem:$0x1A7A0] =	vst v63  }
0x5d: {  	_ =	swait.ge [sflag:s15], $0x3E8  }
0x5e: {  	[sflag:s15] =	ssyncset.done $0x0  }
0x5f: {  	s25 =	sadd.s32 $0xA604, s25;
	[sflag:s15] =	ssyncadd.s32 $0xFFFFFC18  }
0x60: {  	[tilespmem:s17], [sflag:$0x3] =	stream.linear.gather [hbm4b:s25+s4], $0x3E8, $0x38;
	[tilespmem:$0x1A7A0] =	vst v63  }
0x61: {  	_ =	swait.ge [sflag:s15], $0x3E8  }
0x62: {  	[sflag:s15] =	ssyncset.done $0x0  }
0x63: {  	[sflag:s15] =	ssyncadd.s32 $0xFFFFFC18  }
0x64: {  	[tilespmem:s18], [sflag:$0x1] =	stream.indirect.gather [spmem:s1], $0x20, s4, s17, $0xb8;
	[tilespmem:$0x1A7A0] =	vst v63  }
0x65: {  	_ =	swait.ge [sflag:s23], $0x7D00  }
.Ltmp0:
0x66: {  	[sflag:s23] =	ssyncset.done $0x0;
	(pc) =	sbr.rel @p0 .LBB2_2-.Ltmp0, $4  }
0x67: {  	[sflag:s23] =	ssyncadd.s32 $0xFFFF8300  }
0x68: {  	[spmem:s3] =	stream.indirect.scatter.add.f32 [tilespmem:s22], [sflag:$0x3], $0x20, s20, s17, $0xb8;
	[tilespmem:$0x1A7A0] =	vst v63  }
0x69: {  	_ =	swait.ge [sflag:s15], $0x7D00  }
0x6a: {  	s29 =	smov.u32 s26;
	s25 =	sadd.s32 s28, s13;
	[sflag:s15] =	ssyncset.done $0x0  }
0x6b: {  	s26 =	sadd.s32 $0x947, s25;
	[sflag:s15] =	ssyncadd.s32 $0xFFFF8300  }
0x6c: {  	[tilespmem:s19], [sflag:$0x3] =	stream.linear.gather [hbm4b:s26+s4], $0x3E8, $0x38;
	[tilespmem:$0x1A7A0] =	vst v63  }
0x6d: {  	_ =	swait.ge [sflag:s15], $0x3E8  }
0x6e: {  	[sflag:s15] =	ssyncset.done $0x0  }
0x6f: {  	s29 =	sadd.s32 $0xA587, s25;
	[sflag:s15] =	ssyncadd.s32 $0xFFFFFC18  }
0x70: {  	[tilespmem:s20], [sflag:$0x3] =	stream.linear.gather [hbm4b:s29+s4], $0x3E8, $0x38;
	[tilespmem:$0x1A7A0] =	vst v63  }
0x71: {  	_ =	swait.ge [sflag:s15], $0x3E8  }
0x72: {  	[sflag:s15] =	ssyncset.done $0x0  }
0x73: {  	[sflag:s15] =	ssyncadd.s32 $0xFFFFFC18  }
0x74: {  	_ =	swait.ge [sflag:s21], $0x7D00  }
0x75: {  	[sflag:s21] =	ssyncset.done $0x0  }
0x76: {  	[sflag:s21] =	ssyncadd.s32 $0xFFFF8300  }
0x77: {  	[tilespmem:s22], [sflag:$0x2] =	stream.indirect.gather [spmem:s1], $0x20, s19, s17, $0xb8;
	[tilespmem:$0x1A7A0] =	vst v63  }
0x78: {  	_ = 	snop  }
0x79: {  	[spmem:s3] =	stream.indirect.scatter.add.f32 [tilespmem:s18], [sflag:$0x3], $0x20, s17, s17, $0xb8;
	[tilespmem:$0x1A7A0] =	vst v63  }
0x7a: {  	_ =	swait.ge [sflag:s15], $0x7D00  }
0x7b: {  	[sflag:s15] =	ssyncset.done $0x0  }
0x7c: {  	s30 =	sadd.s32 $0x9C4, s25;
	[sflag:s15] =	ssyncadd.s32 $0xFFFF8300  }
0x7d: {  	[tilespmem:s4], [sflag:$0x3] =	stream.linear.gather [hbm4b:s30+s4], $0x3E8, $0x38;
	[tilespmem:$0x1A7A0] =	vst v63  }
0x7e: {  	_ =	swait.ge [sflag:s15], $0x3E8  }
0x7f: {  	[sflag:s15] =	ssyncset.done $0x0  }
0x80: {  	s31 =	sadd.s32 $0xA604, s25;
	[sflag:s15] =	ssyncadd.s32 $0xFFFFFC18  }
0x81: {  	[tilespmem:s17], [sflag:$0x3] =	stream.linear.gather [hbm4b:s31+s4], $0x3E8, $0x38;
	[tilespmem:$0x1A7A0] =	vst v63  }
0x82: {  	_ =	swait.ge [sflag:s15], $0x3E8  }
0x83: {  	[sflag:s15] =	ssyncset.done $0x0  }
0x84: {  	[sflag:s15] =	ssyncadd.s32 $0xFFFFFC18  }
0x85: {  	[tilespmem:s18], [sflag:$0x1] =	stream.indirect.gather [spmem:s1], $0x20, s4, s17, $0xb8;
	[tilespmem:$0x1A7A0] =	vst v63  }
0x86: {  	_ =	swait.ge [sflag:s23], $0x7D00  }
0x87: {  	[sflag:s23] =	ssyncset.done $0x0  }
0x88: {  	[sflag:s23] =	ssyncadd.s32 $0xFFFF8300  }
0x89: {  	[spmem:s3] =	stream.indirect.scatter.add.f32 [tilespmem:s22], [sflag:$0x3], $0x20, s20, s17, $0xb8;
	[tilespmem:$0x1A7A0] =	vst v63  }
0x8a: {  	_ =	swait.ge [sflag:s15], $0x7D00  }
0x8b: {  	[sflag:s15] =	ssyncset.done $0x0  }
0x8c: {  	[sflag:s15] =	ssyncadd.s32 $0xFFFF8300  }
0x8d: {  	[tilespmem:s19], [sflag:$0x3] =	stream.linear.gather [hbm4b:s9+s4], $0x3E8, $0x38;
	[tilespmem:$0x1A7A0] =	vst v63  }
0x8e: {  	_ =	swait.ge [sflag:s15], $0x3E8  }
0x8f: {  	[sflag:s15] =	ssyncset.done $0x0  }
0x90: {  	[sflag:s15] =	ssyncadd.s32 $0xFFFFFC18  }
0x91: {  	[tilespmem:s20], [sflag:$0x3] =	stream.linear.gather [hbm4b:s10+s4], $0x3E8, $0x38;
	[tilespmem:$0x1A7A0] =	vst v63  }
0x92: {  	_ =	swait.ge [sflag:s15], $0x3E8  }
0x93: {  	[sflag:s15] =	ssyncset.done $0x0  }
0x94: {  	[sflag:s15] =	ssyncadd.s32 $0xFFFFFC18  }
0x95: {  	_ =	swait.ge [sflag:s21], $0x7D00  }
0x96: {  	[sflag:s21] =	ssyncset.done $0x0  }
0x97: {  	[sflag:s21] =	ssyncadd.s32 $0xFFFF8300  }
0x98: {  	[tilespmem:s22], [sflag:$0x2] =	stream.indirect.gather [spmem:s1], $0x20, s19, s17, $0xb8;
	[tilespmem:$0x1A7A0] =	vst v63  }
0x99: {  	_ = 	snop  }
0x9a: {  	[spmem:s3] =	stream.indirect.scatter.add.f32 [tilespmem:s18], [sflag:$0x3], $0x20, s17, s17, $0xb8;
	[tilespmem:$0x1A7A0] =	vst v63  }
0x9b: {  	_ =	swait.ge [sflag:s15], $0x7D00  }
0x9c: {  	[sflag:s15] =	ssyncset.done $0x0  }
0x9d: {  	[sflag:s15] =	ssyncadd.s32 $0xFFFF8300  }
0x9e: {  	_ =	swait.ge [sflag:s23], $0x7D00  }
0x9f: {  	[sflag:s23] =	ssyncset.done $0x0  }
0xa0: {  	[sflag:s23] =	ssyncadd.s32 $0xFFFF8300  }
0xa1: {  	[spmem:s3] =	stream.indirect.scatter.add.f32 [tilespmem:s22], [sflag:$0x3], $0x20, s20, s17, $0xb8;
	[tilespmem:$0x1A7A0] =	vst v63  }
0xa2: {  	_ =	swait.ge [sflag:s15], $0x7D00  }
0xa3: {  	s24 =	sadd.s32 $0x1, s24;
	[sflag:s15] =	ssyncset.done $0x0  }
0xa4: {  	p0 =	sne.s32 s24, s8;
	[sflag:s15] =	ssyncadd.s32 $0xFFFF8300  }
.Ltmp1:
0xa5: {  	[bflag:$0x0] =	sbarrier.arrive $0xFFFF;
	(pc) =	sbr.rel @p0 .LBB2_1-.Ltmp1, $4  }
0xa6: {  	[hbm:s7], [sflag:s12] =	dma.local [spmem:s16], $0x9E0  }
0xa7: {  	_ =	swait.ge [sflag:s15], $0x9E0  }
0xa8: {  	[sflag:s15] =	ssyncset.done $0x0  }
0xa9: {  	[sflag:s15] =	ssyncadd.s32 $0xFFFFF620  }
0xaa: {  	_ =	sfence.sel $0x180000  }
0xab: {  	[bflag:$0x0] =	sbarrier.arrive $0xFFFF  }
0xac: {  	p0 =	sne.s32 s2, $0x0;
	_ =	strace $0x9000004D  }
0xad: {  	s0 =	sadd.s32 @!p0 $0x100000, s0;
	[bflag:$0x2] =	sbarrier.arrive $0xFFFF  }
0xae: {  	[sflag:s0] =	ssyncadd.tile.s32 @!p0 $0x1;
	_ =	shalt  }
.Lfunc_end2:
_tile_overlayer_lowered:
.L_overlay_start_2:
0xaf: {  	(tag) =	ssettag $0x2  }
0xb0: {  	s0 =	rddreg [dreg:$0x0];
	s2 =	stileid.u32  }
0xb1: {  	s1 =	rddreg [dreg:$0x1];
	p0 =	sne.s32 s2, $0x0  }
0xb2: {  	s3 =	rddreg [dreg:$0x2];
	[bflag:$0x3] =	sbarrier.arrive $0xFFFF;
	s2 =	simm.s32 @!p0 $0x1C03  }
0xb3: {  	[timem:s3], [sflag:s2] =	dma.local @!p0 [hbm:s0], s1  }
0xb4: {  	s0 =	simm.s32 @!p0 $0x3  }
0xb5: {  	_ =	swait.ge @!p0 [sflag:s0], s1  }
0xb6: {  	s1 =	ssub.s32 @!p0 $0x0, s1;
	[sflag:s0] =	ssyncset.done @!p0 $0x0  }
0xb7: {  	[sflag:s0] =	ssyncadd.s32 @!p0 s1  }
0xb8: {  	[bflag:$0x3] =	sbarrier.arrive $0xFFFF  }
0xb9: {  	_ =	shalt  }

// kernel: kernel.9.cloned.1.call-start
scs
__scs_entry_jumppad:
0x0: {  	(pc) =	sbr.rel $0x88, $3  }
0x1: {  	(tag) =	ssettag $0x0;
	lr =	simm.s32 $0x1  }
0x2: {  	[smem:$0x3F99] =	sst lr;
	_ =	strace $0xD0000000  }
0x3: {  	_ = 	snop  }
0x4: {  	_ = 	snop  }
0x5: {  	_ = 	snop  }
0x6: {  	_ = 	snop  }
0x7: {  	_ = 	snop  }
__scs_overlays_trampoline_lowered:
0x8: {  	[smem:$0x3FA8] =	sst s0  }
0x9: {  	[smem:$0x3FA9] =	sst s1  }
0xa: {  	[smem:$0x3FAA] =	sst s2  }
0xb: {  	[smem:$0x3FAB] =	sst s3  }
0xc: {  	[smem:$0x3FAC] =	sst s4  }
0xd: {  	[smem:$0x3FAD] =	sst s5  }
0xe: {  	[smem:$0x3FAE] =	sst s6  }
0xf: {  	[smem:$0x3FAF] =	sst s7  }
0x10: {  	[smem:$0x3FB0] =	sst s8  }
0x11: {  	[smem:$0x3FB1] =	sst s9;
	s0 =	simm.s32 @!p0 $0x0  }
0x12: {  	s1 =	sld [smem:$0x3F97];
	s0 =	simm.s32 @p0 $0x1  }
0x13: {  	[smem:$0x3FB2] =	sst s0;
	s0 =	simm.s32 @!p1 $0x0  }
0x14: {  	s2 =	sld [smem:$0x3F96];
	s0 =	simm.s32 @p1 $0x1  }
0x15: {  	[smem:$0x3FB3] =	sst s0;
	s0 =	simm.s32 @!p2 $0x0  }
0x16: {  	s3 =	sld [smem:$0x3FDB];
	s0 =	simm.s32 @p2 $0x1  }
0x17: {  	s4 =	simm.s32 $0x1BF5;
	[smem:$0x3FB5] =	sst s0  }
0x18: {  	s0 =	sld [smem:$0x3F98];
	_ =	swait.ge [sflag:s4], $0x0  }
0x19: {  	s7 =	sld [smem:$0x3F99]  }
0x1a: {  	s8 =	sadd.s32 $0xFFFFE003, lr  }
0x1b: {  	s9 =	sadd.s32 $0xFFFFFEF7, lr;
	s5 =	simm.s32 $0xFFFFFFFF;
	p2 =	slt.u32 s8, $0xFFFFF086  }
0x1c: {  	p1 =	slt.u32 s9, $0xF7A;
	s5 =	simm.s32 @!p2 $0x0  }
0x1d: {  	s5 =	simm.s32 @p1 $0x1;
	p0 =	seq.s32 s7, s2  }
0x1e: {  	s7 =	smul.u32 @!p0 $0xF7A, s2;
	p2 =	seq.s32 @!p0 s5, $0x0  }
0x1f: {  	s9 =	smul.u32 $0xF7A, s1;
	s8 =	simm.s32 @!p0 $0x1BF5;
	p2 =	por !p2, p0  }
0x20: {  	[sflag:s8] =	ssyncset.s32 @!p0 $0xFFFFF086;
	s6 =	sadd.s32 @!p0 s3, s7;
	s7 =	simm.s32 @!p0 $0x108  }
0x21: {  	s3 =	sadd.s32 s3, s9;
	s6 =	sadd.s32 @!p0 $0x88, s6;
	s7 =	simm.s32 @p2 $0x1082  }
0x22: {  	[simem:s7], [sflag:s8] =	dma.local @!p0 [hbm:s6], $0xF7A  }
0x23: {  	s9 =	sor.u32 $0xD0000000, s2;
	s6 =	simm.s32 $0x108;
	_ =	swait.ge @!p0 [sflag:s8], $0x0  }
0x24: {  	s3 =	sadd.s32 $0x88, s3;
	s6 =	simm.s32 @!p1 $0x1082;
	[sflag:s4] =	ssyncset.s32 $0xFFFFF086  }
0x25: {  	[simem:s6], [sflag:s4] =	dma.local [hbm:s3], $0xF7A  }
0x26: {  	[smem:$0x3F99] =	sst s1;
	(tag) =	ssettag s2;
	_ =	strace s9  }
0x27: {  	s1 =	sld [smem:$0x3FA9]  }
0x28: {  	s2 =	sld [smem:$0x3FAA]  }
0x29: {  	s4 =	sld [smem:$0x3FAC]  }
0x2a: {  	p0 =	seq.s32 s5, $0x0;
	s5 =	sld [smem:$0x3FAD]  }
0x2b: {  	s6 =	sld [smem:$0x3FAE]  }
0x2c: {  	s7 =	sld [smem:$0x3FAF]  }
0x2d: {  	s3 =	simm.s32 $0x108;
	s8 =	sld [smem:$0x3FB0]  }
0x2e: {  	s3 =	simm.s32 @!p0 $0x1082;
	s9 =	sld [smem:$0x3FB1]  }
0x2f: {  	lr =	sadd.s32 s0, s3;
	s0 =	sld [smem:$0x3FA8]  }
0x30: {  	s3 =	sld [smem:$0x3FAB]  }
0x31: {  	[smem:$0x3FB4] =	sst s10  }
0x32: {  	s10 =	sld [smem:$0x3FB2];
	_ =	sdelay $0x3  }
0x33: {  	p0 =	seq.s32 s10, $0x1;
	s10 =	sld [smem:$0x3FB4];
	_ =	sdelay $0x3  }
0x34: {  	[smem:$0x3FB4] =	sst s10  }
0x35: {  	s10 =	sld [smem:$0x3FB3];
	_ =	sdelay $0x3  }
0x36: {  	p1 =	seq.s32 s10, $0x1;
	s10 =	sld [smem:$0x3FB4];
	_ =	sdelay $0x3  }
0x37: {  	[smem:$0x3FB4] =	sst s10  }
0x38: {  	s10 =	sld [smem:$0x3FB5]  }
0x39: {  	_ = 	snop;
	(pc) =	sbr.ind lr, $3  }
0x3a: {  	_ = 	snop  }
0x3b: {  	_ = 	snop  }
0x3c: {  	p2 =	seq.s32 s10, $0x1;
	s10 =	sld [smem:$0x3FB4]  }
0x3d: {  	_ =	shalt  }
0x3e: {  	_ =	shalt  }
0x3f: {  	_ =	shalt  }
0x40: {  	_ =	shalt  }
0x41: {  	_ =	shalt  }
0x42: {  	_ =	shalt  }
0x43: {  	_ =	shalt  }
0x44: {  	_ =	shalt  }
0x45: {  	_ =	shalt  }
0x46: {  	_ =	shalt  }
0x47: {  	_ =	shalt  }
0x48: {  	_ =	shalt  }
0x49: {  	_ =	shalt  }
0x4a: {  	_ =	shalt  }
0x4b: {  	_ =	shalt  }
0x4c: {  	_ =	shalt  }
0x4d: {  	_ =	shalt  }
0x4e: {  	_ =	shalt  }
0x4f: {  	_ =	shalt  }
0x50: {  	_ =	shalt  }
0x51: {  	_ =	shalt  }
0x52: {  	_ =	shalt  }
0x53: {  	_ =	shalt  }
0x54: {  	_ =	shalt  }
0x55: {  	_ =	shalt  }
0x56: {  	_ =	shalt  }
0x57: {  	_ =	shalt  }
0x58: {  	_ =	shalt  }
0x59: {  	_ =	shalt  }
0x5a: {  	_ =	shalt  }
0x5b: {  	_ =	shalt  }
0x5c: {  	_ =	shalt  }
0x5d: {  	_ =	shalt  }
0x5e: {  	_ =	shalt  }
0x5f: {  	_ =	shalt  }
0x60: {  	_ =	shalt  }
0x61: {  	_ =	shalt  }
0x62: {  	_ =	shalt  }
0x63: {  	_ =	shalt  }
0x64: {  	_ =	shalt  }
0x65: {  	_ =	shalt  }
0x66: {  	_ =	shalt  }
0x67: {  	_ =	shalt  }
0x68: {  	_ =	shalt  }
0x69: {  	_ =	shalt  }
0x6a: {  	_ =	shalt  }
0x6b: {  	_ =	shalt  }
0x6c: {  	_ =	shalt  }
0x6d: {  	_ =	shalt  }
0x6e: {  	_ =	shalt  }
0x6f: {  	_ =	shalt  }
0x70: {  	_ =	shalt  }
0x71: {  	_ =	shalt  }
0x72: {  	_ =	shalt  }
0x73: {  	_ =	shalt  }
0x74: {  	_ =	shalt  }
0x75: {  	_ =	shalt  }
0x76: {  	_ =	shalt  }
0x77: {  	_ =	shalt  }
0x78: {  	_ =	shalt  }
0x79: {  	_ =	shalt  }
0x7a: {  	_ =	shalt  }
0x7b: {  	_ =	shalt  }
0x7c: {  	_ =	shalt  }
0x7d: {  	_ =	shalt  }
0x7e: {  	_ =	shalt  }
0x7f: {  	_ =	shalt  }
0x80: {  	_ =	shalt  }
0x81: {  	_ =	shalt  }
0x82: {  	_ =	shalt  }
0x83: {  	_ =	shalt  }
0x84: {  	_ =	shalt  }
0x85: {  	_ =	shalt  }
0x86: {  	_ =	shalt  }
0x87: {  	_ =	shalt  }
.Lfunc_end0:
.L_simem_size_0:
called_computation_lowered:
.L_overlay_start_0:
0x88: {  	s2 =	sld [smem:$0x3FD9]  }
0x89: {  	s3 =	sld [smem:$0x3FFE];
	_ =	sdelay $0x1  }
0x8a: {  	s1 =	srdreg.scid  }
0x8b: {  	s0 =	sand.u32 $0x1, s1  }
0x8c: {  	s17 =	sshll.u32 s0, $0xA;
	s2 =	sadd.s32 s3, s2  }
0x8d: {  	s2 =	sadd.s32 s2, s17  }
0x8e: {  	[smem:$0x3FC0] =	sst s2  }
0x8f: {  	_ = 	snop  }
0x90: {  	s2 =	sld [smem:$0x3FD0];
	(tm) =	ssettm $0x1  }
0x91: {  	s18 =	sld [smem:$0x3FFB];
	_ =	sdelay $0x3  }
0x92: {  	_ =	strace s18  }
0x93: {  	s3 =	sld [smem:$0x3FFC];
	_ =	sdelay $0x3  }
0x94: {  	_ =	strace s3  }
0x95: {  	s3 =	sld [smem:$0x3FFD];
	_ =	sdelay $0x3  }
0x96: {  	_ =	strace s3  }
0x97: {  	_ =	strace $0x8FFFFFFF  }
0x98: {  	s19 =	sld [smem:$0x3FDB];
	_ =	sdelay $0x1  }
0x99: {  	s4 =	simm.s32 $_scs_section_size  }
0x9a: {  	s5 =	simm.s32 $_size__tile_overlayer_lowered;
	s6 =	simm.s32 $_tile_overlayer_lowered  }
0x9b: {  	s22 =	simm.s32 $0x1BFF;
	s21 =	sshll.u32 s6, $0x1;
	s3 =	sadd.s32 s4, s19  }
0x9c: {  	s7 =	simm.s32 $0x0;
	s20 =	sshll.u32 s5, $0x1;
	s5 =	sadd.s32 s21, s3  }
0x9d: {  	[timem:s7], [sflag:s22] =	dma.local [hbm:s5], s20  }
0x9e: {  	_ =	swait.ge [sflag:s22], s20  }
0x9f: {  	s4 =	ssub.s32 $0x0, s20;
	[sflag:s22] =	ssyncset.done $0x0  }
0xa0: {  	[sflag:s22] =	ssyncadd.s32 s4;
	_ =	sdelay $0x1  }
0xa1: {  	s23 =	simm.s32 $0x1B8B  }
0xa2: {  	_ =	swait.ge [sflag:s23], $0x1  }
0xa3: {  	[sflag:s23] =	ssyncset.done $0x0  }
0xa4: {  	s25 =	simm.s32 $0x1B8E;
	s24 =	sld [smem:$0x3FFE];
	[sflag:s23] =	ssyncadd.s32 $0xFFFFFFFF  }
0xa5: {  	s26 =	simm.s32 $execute0_lowered;
	[smem:$0x3FD2] =	sst s25  }
0xa6: {  	s5 =	sshll.u32 s26, $0x1;
	_ =	strace $0x80000046;
	[dreg:$0x1] =	wrdreg $0xFFFFFFFF  }
0xa7: {  	s28 =	simm.s32 $_size_execute0_lowered;
	s3 =	sadd.s32 s3, s5;
	[dreg:$0x0] =	wrdreg $0x0  }
0xa8: {  	s5 =	sshll.u32 s28, $0x1;
	[dreg:$0x2] =	wrdreg s3  }
0xa9: {  	[dreg:$0x3] =	wrdreg s5  }
0xaa: {  	[dreg:$0x4] =	wrdreg $0xC0  }
0xab: {  	_ =	task [dreg:s7], $0x5FFFF  }
0xac: {  	[dreg:$0x1] =	wrdreg $0xFFFFFFFF  }
0xad: {  	[dreg:$0x0] =	wrdreg $0x60  }
0xae: {  	[dreg:$0x2] =	wrdreg s24  }
0xaf: {  	[dreg:$0x3] =	wrdreg s2  }
0xb0: {  	[dreg:$0x4] =	wrdreg $0x84D00  }
0xb1: {  	[dreg:$0x5] =	wrdreg $0x9  }
0xb2: {  	_ =	task.clear_ibuf [dreg:s7], $0x6FFFF;
	_ =	strace $0x90000046  }
0xb3: {  	s29 =	simm.s32 $0x9;
	_ =	strace $0x80000048  }
0xb4: {  	_ =	swait.ge [sflag:s29], $0x1  }
0xb5: {  	[sflag:s29] =	ssyncadd.s32 $0xFFFFFFFF  }
0xb6: {  	_ =	strace $0x90000048  }
0xb7: {  	_ =	sfence  }
0xb8: {  	s30 =	sld [smem:$0x0];
	_ =	sdelay $0x2  }
0xb9: {  	s31 =	sshll.u32 s1, $0xD;
	s1 =	sshrl.u32 s1, $0x2  }
0xba: {  	s3 =	sand.u32 $0x4000, s31;
	s1 =	sadd.s32 s1, s30  }
0xbb: {  	s0 =	sor.u32 s3, s0;
	s1 =	sshll.u32 s1, $0x11  }
0xbc: {  	s0 =	sor.u32 s1, s0  }
0xbd: {  	s0 =	sadd.s32 $0x8F2B, s0  }
0xbe: {  	[sflag:s0] =	ssyncadd.remote.s32 $0x1  }
0xbf: {  	_ =	sfence.sel $0xFFFF  }
0xc0: {  	[dreg:$0x0] =	wrdreg $0xFFFFFFFF;
	(pc) =	sbr.abs _section_cstart, $3  }
0xc1: {  	[dreg:$0x1] =	wrdreg $0xFFFFFFFF  }
0xc2: {  	_ =	task.clear_ibuf [dreg:s7], $0x2FFFF;
	_ =	strace $0x9FFFFFFF  }
0xc3: {  	(tm) =	ssettm $0x7FFFFFFF  }
tec
execute0_lowered:
.L_overlay_start_1:
0x0: {  	(tag) =	ssettag $0x1  }
0x1: {  	s10 =	rddreg [dreg:$0x0]  }
0x2: {  	s15 =	rddreg [dreg:$0x1]  }
0x3: {  	s2 =	rddreg [dreg:$0x2]  }
0x4: {  	s0 =	stileid.u32;
	s1 =	rddreg [dreg:$0x3]  }
0x5: {  	s3 =	simm.s32 $0x0;
	s4 =	srdreg.scid;
	s16 =	smul.u32 $0x2780, s0  }
0x6: {  	[smem:$0x7FF] =	sst s3;
	s17 =	sand.u32 $0x1, s4  }
0x7: {  	s5 =	sshll.u32 s0, $0x6;
	_ =	strace $0x80000047;
	s29 =	sshrl.u32 s16, $0x3  }
0x8: {  	s5 =	sor.u32 $0x1C01, s5;
	s6 =	sadd.s32 s16, s2;
	s4 =	sadd.s32 s29, s10  }
0x9: {  	s7 =	sshrl.u32 s6, $0x3;
	s6 =	simm.s32 $0x1;
	s4 =	sadd.s32 $0x16800, s4  }
0xa: {  	[spmem:s7], [sflag:s5] =	dma.local [hbm:s4], $0x4F0  }
0xb: {  	s8 =	sshll.u32 s17, $0x4;
	_ =	swait.ge [sflag:s6], $0x4F0  }
0xc: {  	s9 =	simm.s32 $0x7D0;
	s8 =	sor.u32 s0, s8;
	[sflag:s6] =	ssyncset.done $0x0  }
0xd: {  	s11 =	smul.u32 $0x2710, s8;
	s8 =	sadd.s32 $0x1B800, s10;
	[sflag:s6] =	ssyncadd.s32 $0xFFFFFB10  }
0xe: {  	[tilespmem:s9], [sflag:$0x1] =	stream.linear.gather [hbm4b:s8+s3], $0x7D00, $0x38;
	[tilespmem:$0xAC50] =	vst v63  }
0xf: {  	_ =	swait.ge [sflag:s6], $0x7D00  }
0x10: {  	s11 =	sshrl.u32 s11, $0x3;
	[sflag:s6] =	ssyncset.done $0x0  }
0x11: {  	s14 =	sadd.s32 s11, s10;
	[sflag:s6] =	ssyncadd.s32 $0xFFFF8300  }
0x12: {  	s10 =	sadd.s32 $0xCA40, s14;
	[bflag:$0x0] =	sbarrier.arrive $0xFFFF  }
0x13: {  	[tilespmem:s3], [sflag:$0x1] =	stream.linear.gather [hbm4b:s10+s3], $0x7D0, $0x38;
	[tilespmem:$0xAC50] =	vst v63  }
0x14: {  	_ =	swait.ge [sflag:s6], $0x7D0  }
0x15: {  	[sflag:s6] =	ssyncset.done $0x0  }
0x16: {  	[sflag:s6] =	ssyncadd.s32 $0xFFFFF830  }
0x17: {  	[spmem:s2] =	stream.indirect.scatter.add.f32 [tilespmem:s9], [sflag:$0x1], $0x10, s3, s9, $0xb8;
	[tilespmem:$0xAC50] =	vst v63  }
0x18: {  	_ =	swait.ge [sflag:s6], $0x7D00  }
0x19: {  	[sflag:s6] =	ssyncset.done $0x0  }
0x1a: {  	s11 =	sadd.s32 $0xCB3A, s14;
	[sflag:s6] =	ssyncadd.s32 $0xFFFF8300  }
0x1b: {  	[tilespmem:s3], [sflag:$0x1] =	stream.linear.gather [hbm4b:s11+s3], $0x7D0, $0x38;
	[tilespmem:$0xAC50] =	vst v63  }
0x1c: {  	_ =	swait.ge [sflag:s6], $0x7D0  }
0x1d: {  	[sflag:s6] =	ssyncset.done $0x0  }
0x1e: {  	[sflag:s6] =	ssyncadd.s32 $0xFFFFF830  }
0x1f: {  	[spmem:s2] =	stream.indirect.scatter.add.f32 [tilespmem:s9], [sflag:$0x1], $0x10, s3, s9, $0xb8;
	[tilespmem:$0xAC50] =	vst v63  }
0x20: {  	_ =	swait.ge [sflag:s6], $0x7D00  }
0x21: {  	[sflag:s6] =	ssyncset.done $0x0  }
0x22: {  	s12 =	sadd.s32 $0xCC34, s14;
	[sflag:s6] =	ssyncadd.s32 $0xFFFF8300  }
0x23: {  	[tilespmem:s3], [sflag:$0x1] =	stream.linear.gather [hbm4b:s12+s3], $0x7D0, $0x38;
	[tilespmem:$0xAC50] =	vst v63  }
0x24: {  	_ =	swait.ge [sflag:s6], $0x7D0  }
0x25: {  	[sflag:s6] =	ssyncset.done $0x0  }
0x26: {  	[sflag:s6] =	ssyncadd.s32 $0xFFFFF830  }
0x27: {  	[spmem:s2] =	stream.indirect.scatter.add.f32 [tilespmem:s9], [sflag:$0x1], $0x10, s3, s9, $0xb8;
	[tilespmem:$0xAC50] =	vst v63  }
0x28: {  	_ =	swait.ge [sflag:s6], $0x7D00  }
0x29: {  	[sflag:s6] =	ssyncset.done $0x0  }
0x2a: {  	s13 =	sadd.s32 $0xCD2E, s14;
	[sflag:s6] =	ssyncadd.s32 $0xFFFF8300  }
0x2b: {  	[tilespmem:s3], [sflag:$0x1] =	stream.linear.gather [hbm4b:s13+s3], $0x7D0, $0x38;
	[tilespmem:$0xAC50] =	vst v63  }
0x2c: {  	_ =	swait.ge [sflag:s6], $0x7D0  }
0x2d: {  	[sflag:s6] =	ssyncset.done $0x0  }
0x2e: {  	[sflag:s6] =	ssyncadd.s32 $0xFFFFF830  }
0x2f: {  	[spmem:s2] =	stream.indirect.scatter.add.f32 [tilespmem:s9], [sflag:$0x1], $0x10, s3, s9, $0xb8;
	[tilespmem:$0xAC50] =	vst v63  }
0x30: {  	_ =	swait.ge [sflag:s6], $0x7D00  }
0x31: {  	[sflag:s6] =	ssyncset.done $0x0  }
0x32: {  	s14 =	sadd.s32 $0xCE28, s14;
	[sflag:s6] =	ssyncadd.s32 $0xFFFF8300  }
0x33: {  	[tilespmem:s3], [sflag:$0x1] =	stream.linear.gather [hbm4b:s14+s3], $0x7D0, $0x38;
	[tilespmem:$0xAC50] =	vst v63  }
0x34: {  	s18 =	smul.u32 $0x27800, s17;
	s17 =	ssub.s32 $0x2, s17;
	_ =	swait.ge [sflag:s6], $0x7D0  }
0x35: {  	s30 =	sshrl.u32 s17, $0x1;
	[sflag:s6] =	ssyncset.done $0x0  }
0x36: {  	s17 =	ssub.s32 s17, s30;
	[sflag:s6] =	ssyncadd.s32 $0xFFFFF830  }
0x37: {  	[spmem:s2] =	stream.indirect.scatter.add.f32 [tilespmem:s9], [sflag:$0x1], $0x10, s3, s9, $0xb8;
	[tilespmem:$0xAC50] =	vst v63  }
0x38: {  	s31 =	smax.u32 s17, $0x1;
	_ =	swait.ge [sflag:s6], $0x7D00  }
0x39: {  	s16 =	sadd.s32 s16, s18;
	p0 =	sne.s32 s31, $0x1;
	[sflag:s6] =	ssyncset.done $0x0  }
.Ltmp0:
0x3a: {  	s16 =	sshrl.u32 s16, $0x3;
	[sflag:s6] =	ssyncadd.s32 $0xFFFF8300;
	(pc) =	sbr.rel @!p0 .LBB2_2-.Ltmp0, $4  }
0x3b: {  	s15 =	sadd.s32 s15, s16;
	[bflag:$0x0] =	sbarrier.arrive $0xFFFF  }
0x3c: {  	[hbm:s15], [sflag:s5] =	dma.local [spmem:s7], $0x4F0  }
0x3d: {  	_ =	swait.ge [sflag:s6], $0x4F0  }
0x3e: {  	s16 =	sadd.s32 $0xFFFFFFFF, s31;
	[sflag:s6] =	ssyncset.done $0x0  }
.LBB2_1:
0x3f: {  	p0 =	sne.s32 s16, $0x1;
	s16 =	sadd.s32 $0xFFFFFFFF, s16;
	[sflag:s6] =	ssyncadd.s32 $0xFFFFFB10  }
0x40: {  	[spmem:s7], [sflag:s5] =	dma.local [hbm:s4], $0x4F0  }
0x41: {  	_ =	swait.ge [sflag:s6], $0x4F0  }
0x42: {  	[sflag:s6] =	ssyncset.done $0x0  }
0x43: {  	[sflag:s6] =	ssyncadd.s32 $0xFFFFFB10  }
0x44: {  	[tilespmem:s9], [sflag:$0x1] =	stream.linear.gather [hbm4b:s8+s3], $0x7D00, $0x38;
	[tilespmem:$0xAC50] =	vst v63  }
0x45: {  	_ =	swait.ge [sflag:s6], $0x7D00  }
0x46: {  	[sflag:s6] =	ssyncset.done $0x0  }
0x47: {  	[sflag:s6] =	ssyncadd.s32 $0xFFFF8300  }
0x48: {  	[bflag:$0x0] =	sbarrier.arrive $0xFFFF  }
0x49: {  	[tilespmem:s3], [sflag:$0x1] =	stream.linear.gather [hbm4b:s10+s3], $0x7D0, $0x38;
	[tilespmem:$0xAC50] =	vst v63  }
0x4a: {  	_ =	swait.ge [sflag:s6], $0x7D0  }
0x4b: {  	[sflag:s6] =	ssyncset.done $0x0  }
0x4c: {  	[sflag:s6] =	ssyncadd.s32 $0xFFFFF830  }
0x4d: {  	[spmem:s2] =	stream.indirect.scatter.add.f32 [tilespmem:s9], [sflag:$0x1], $0x10, s3, s9, $0xb8;
	[tilespmem:$0xAC50] =	vst v63  }
0x4e: {  	_ =	swait.ge [sflag:s6], $0x7D00  }
0x4f: {  	[sflag:s6] =	ssyncset.done $0x0  }
0x50: {  	[sflag:s6] =	ssyncadd.s32 $0xFFFF8300  }
0x51: {  	[tilespmem:s3], [sflag:$0x1] =	stream.linear.gather [hbm4b:s11+s3], $0x7D0, $0x38;
	[tilespmem:$0xAC50] =	vst v63  }
0x52: {  	_ =	swait.ge [sflag:s6], $0x7D0  }
0x53: {  	[sflag:s6] =	ssyncset.done $0x0  }
0x54: {  	[sflag:s6] =	ssyncadd.s32 $0xFFFFF830  }
0x55: {  	[spmem:s2] =	stream.indirect.scatter.add.f32 [tilespmem:s9], [sflag:$0x1], $0x10, s3, s9, $0xb8;
	[tilespmem:$0xAC50] =	vst v63  }
0x56: {  	_ =	swait.ge [sflag:s6], $0x7D00  }
0x57: {  	[sflag:s6] =	ssyncset.done $0x0  }
0x58: {  	[sflag:s6] =	ssyncadd.s32 $0xFFFF8300  }
0x59: {  	[tilespmem:s3], [sflag:$0x1] =	stream.linear.gather [hbm4b:s12+s3], $0x7D0, $0x38;
	[tilespmem:$0xAC50] =	vst v63  }
0x5a: {  	_ =	swait.ge [sflag:s6], $0x7D0  }
0x5b: {  	[sflag:s6] =	ssyncset.done $0x0  }
0x5c: {  	[sflag:s6] =	ssyncadd.s32 $0xFFFFF830  }
0x5d: {  	[spmem:s2] =	stream.indirect.scatter.add.f32 [tilespmem:s9], [sflag:$0x1], $0x10, s3, s9, $0xb8;
	[tilespmem:$0xAC50] =	vst v63  }
0x5e: {  	_ =	swait.ge [sflag:s6], $0x7D00  }
0x5f: {  	[sflag:s6] =	ssyncset.done $0x0  }
0x60: {  	[sflag:s6] =	ssyncadd.s32 $0xFFFF8300  }
0x61: {  	[tilespmem:s3], [sflag:$0x1] =	stream.linear.gather [hbm4b:s13+s3], $0x7D0, $0x38;
	[tilespmem:$0xAC50] =	vst v63  }
0x62: {  	_ =	swait.ge [sflag:s6], $0x7D0  }
0x63: {  	[sflag:s6] =	ssyncset.done $0x0  }
0x64: {  	[sflag:s6] =	ssyncadd.s32 $0xFFFFF830  }
0x65: {  	[spmem:s2] =	stream.indirect.scatter.add.f32 [tilespmem:s9], [sflag:$0x1], $0x10, s3, s9, $0xb8;
	[tilespmem:$0xAC50] =	vst v63  }
0x66: {  	_ =	swait.ge [sflag:s6], $0x7D00  }
0x67: {  	[sflag:s6] =	ssyncset.done $0x0  }
0x68: {  	[sflag:s6] =	ssyncadd.s32 $0xFFFF8300  }
0x69: {  	[tilespmem:s3], [sflag:$0x1] =	stream.linear.gather [hbm4b:s14+s3], $0x7D0, $0x38;
	[tilespmem:$0xAC50] =	vst v63  }
0x6a: {  	_ =	swait.ge [sflag:s6], $0x7D0  }
0x6b: {  	[sflag:s6] =	ssyncset.done $0x0  }
0x6c: {  	[sflag:s6] =	ssyncadd.s32 $0xFFFFF830  }
0x6d: {  	[spmem:s2] =	stream.indirect.scatter.add.f32 [tilespmem:s9], [sflag:$0x1], $0x10, s3, s9, $0xb8;
	[tilespmem:$0xAC50] =	vst v63  }
0x6e: {  	_ =	swait.ge [sflag:s6], $0x7D00  }
0x6f: {  	[sflag:s6] =	ssyncset.done $0x0  }
.Ltmp1:
0x70: {  	[sflag:s6] =	ssyncadd.s32 $0xFFFF8300;
	(pc) =	sbr.rel @p0 .LBB2_1-.Ltmp1, $4  }
0x71: {  	[bflag:$0x0] =	sbarrier.arrive $0xFFFF  }
0x72: {  	[hbm:s15], [sflag:s5] =	dma.local [spmem:s7], $0x4F0  }
0x73: {  	_ =	swait.ge [sflag:s6], $0x4F0  }
0x74: {  	[sflag:s6] =	ssyncset.done $0x0  }
.LBB2_2:
0x75: {  	[sflag:s6] =	ssyncadd.s32 $0xFFFFFB10  }
0x76: {  	_ =	sfence.sel $0x180000  }
0x77: {  	[bflag:$0x0] =	sbarrier.arrive $0xFFFF  }
0x78: {  	p0 =	sne.s32 s0, $0x0;
	_ =	strace $0x90000047  }
0x79: {  	s0 =	sadd.s32 @!p0 $0x100000, s1;
	[bflag:$0x2] =	sbarrier.arrive $0xFFFF  }
0x7a: {  	[sflag:s0] =	ssyncadd.tile.s32 @!p0 $0x1;
	_ =	shalt  }
.Lfunc_end2:
_tile_overlayer_lowered:
.L_overlay_start_2:
0x7b: {  	(tag) =	ssettag $0x2  }
0x7c: {  	s0 =	rddreg [dreg:$0x0];
	s2 =	stileid.u32  }
0x7d: {  	s1 =	rddreg [dreg:$0x1];
	p0 =	sne.s32 s2, $0x0  }
0x7e: {  	s3 =	rddreg [dreg:$0x2];
	[bflag:$0x3] =	sbarrier.arrive $0xFFFF;
	s2 =	simm.s32 @!p0 $0x1C01  }
0x7f: {  	[timem:s3], [sflag:s2] =	dma.local @!p0 [hbm:s0], s1  }
0x80: {  	s0 =	simm.s32 @!p0 $0x1  }
0x81: {  	_ =	swait.ge @!p0 [sflag:s0], s1  }
0x82: {  	s1 =	ssub.s32 @!p0 $0x0, s1;
	[sflag:s0] =	ssyncset.done @!p0 $0x0  }
0x83: {  	[sflag:s0] =	ssyncadd.s32 @!p0 s1  }
0x84: {  	[bflag:$0x3] =	sbarrier.arrive $0xFFFF  }
0x85: {  	_ =	shalt  }

</sc_bundles>
